<compile_context>
chip_gen: v7x
topology: tpu7x:2x2x1
jax: 0.10.2.dev20260603
libtpu: 0.0.44.dev20260713+nightly
codegen_flags: <defaults>
</compile_context>

<pallas_src>
import jax
import jax.numpy as jnp
from jax import lax
from jax.experimental import pallas as pl
from jax.experimental.pallas import tpu as pltpu
from jax.experimental.pallas import tpu_sc as plsc

N = 10000
E = 320000
DX = 128
DE = 16
DH = 64
SW = 128
TR = 64

NC = 2
NS = 16
NW = NC * NS
EPT = E // NW
CW = 80
CH = EPT // CW
NPAD = 10240
RPS = NPAD // NS

_mesh = plsc.VectorSubcoreMesh(
    core_axis_name="c", subcore_axis_name="s", num_cores=NC, num_subcores=NS
)

_sc_params = pltpu.CompilerParams(use_tc_tiling_on_sc=False)

_f32 = jnp.float32


def _zero_fill(ref, rows, ncol):
    zv = jnp.zeros((16,), _f32)

    @pl.loop(0, rows, unroll=4)
    def _(r):
        for cc in range(ncol):
            ref[r, pl.ds(cc * 16, 16)] = zv


def _seg_gather_body(xm, srcr, dstr, sx_o, dg_o,
                     src_v, dst_v, gbA, gbB, ones_v, zx, zrow,
                     sx_s, dg_s, gA, gB, sA, sB):
    with_deg = dg_o is not None
    c = lax.axis_index("c")
    s = lax.axis_index("s")
    w = c * NS + s

    ebase = w * EPT
    pltpu.sync_copy(srcr.at[pl.ds(ebase, EPT)], src_v)
    pltpu.sync_copy(dstr.at[pl.ds(ebase, EPT)], dst_v)

    _zero_fill(zx, 160, DH // 16)
    if with_deg:
        _zero_fill(zrow, RPS, DE // 16)
        ov = jnp.ones((16,), _f32)

        @pl.loop(0, CW, unroll=8)
        def _(r):
            ones_v[r, :] = ov

    base = s * RPS
    for k in range(RPS // 160):
        pltpu.sync_copy(zx, sx_s.at[pl.ds(base + k * 160, 160)])
    if with_deg:
        pltpu.sync_copy(zrow, dg_s.at[pl.ds(base, RPS)])
    plsc.subcore_barrier()

    def start_g(j, xb, sem):
        pltpu.async_copy(xm.at[src_v.at[pl.ds(j * CW, CW)]], xb, sem)

    def wait_g(xb, sem):
        pltpu.make_async_copy(xm.at[src_v.at[pl.ds(0, CW)]], xb, sem).wait()

    def start_s(j, xb, sem):
        idx = dst_v.at[pl.ds(j * CW, CW)]
        pltpu.async_copy(xb, sx_s.at[idx], sem, add=True)
        if with_deg:
            pltpu.async_copy(ones_v, dg_s.at[idx], sem, add=True)

    def wait_s(xb, sem):
        pltpu.make_async_copy(xb, sx_s.at[dst_v.at[pl.ds(0, CW)]], sem).wait()
        if with_deg:
            pltpu.make_async_copy(
                ones_v, dg_s.at[dst_v.at[pl.ds(0, CW)]], sem).wait()

    start_g(0, gbA, gA)
    start_g(1, gbB, gB)

    @pl.loop(0, (CH - 3) // 2)
    def _(t):
        j0 = 2 * t
        wait_g(gbA, gA)
        start_s(j0, gbA, sA)
        wait_g(gbB, gB)
        start_s(j0 + 1, gbB, sB)
        wait_s(gbA, sA)
        start_g(j0 + 2, gbA, gA)
        wait_s(gbB, sB)
        start_g(j0 + 3, gbB, gB)

    wait_g(gbA, gA)
    start_s(CH - 3, gbA, sA)
    wait_s(gbA, sA)
    start_g(CH - 1, gbA, gA)
    wait_g(gbB, gB)
    start_s(CH - 2, gbB, sB)
    wait_g(gbA, gA)
    start_s(CH - 1, gbA, sA)
    wait_s(gbA, sA)
    wait_s(gbB, sB)

    plsc.subcore_barrier()

    pltpu.sync_copy(sx_s.at[pl.ds(base, RPS)], sx_o.at[c, pl.ds(base, RPS)])
    if with_deg:
        pltpu.sync_copy(dg_s.at[pl.ds(base, RPS)], dg_o.at[c, pl.ds(base, RPS)])


def _seg_body_xd(xm, srcr, dstr, sx_o, dg_o,
                 src_v, dst_v, gbA, gbB, ones_v, zx, zrow,
                 sx_s, dg_s, gA, gB, sA, sB):
    _seg_gather_body(xm, srcr, dstr, sx_o, dg_o,
                     src_v, dst_v, gbA, gbB, ones_v, zx, zrow,
                     sx_s, dg_s, gA, gB, sA, sB)


def _seg_body_h(hm, srcr, dstr, sh_o,
                src_v, dst_v, gbA, gbB, zx, sh_s, gA, gB, sA, sB):
    _seg_gather_body(hm, srcr, dstr, sh_o, None,
                     src_v, dst_v, gbA, gbB, None, zx, None,
                     sh_s, None, gA, gB, sA, sB)


def _seg_body_se(dstr, ea_hbm, se_o,
                 dst_v, eaA, eaB, zrow, se_s, gA, gB, sA, sB):
    c = lax.axis_index("c")
    s = lax.axis_index("s")
    w = c * NS + s
    ebase = w * EPT
    pltpu.sync_copy(dstr.at[pl.ds(ebase, EPT)], dst_v)

    _zero_fill(zrow, RPS, DE // 16)
    base = s * RPS
    pltpu.sync_copy(zrow, se_s.at[pl.ds(base, RPS)])
    plsc.subcore_barrier()

    def start_g(j, eb, sem):
        off = pl.multiple_of(ebase + j * CW, 16)
        pltpu.async_copy(ea_hbm.at[pl.ds(off, CW)], eb, sem)

    def wait_g(eb, sem):
        pltpu.make_async_copy(ea_hbm.at[pl.ds(0, CW)], eb, sem).wait()

    def start_s(j, eb, sem):
        pltpu.async_copy(eb, se_s.at[dst_v.at[pl.ds(j * CW, CW)]], sem,
                         add=True)

    def wait_s(eb, sem):
        pltpu.make_async_copy(eb, se_s.at[dst_v.at[pl.ds(0, CW)]], sem).wait()

    start_g(0, eaA, gA)
    start_g(1, eaB, gB)

    @pl.loop(0, (CH - 3) // 2)
    def _(t):
        j0 = 2 * t
        wait_g(eaA, gA)
        start_s(j0, eaA, sA)
        wait_g(eaB, gB)
        start_s(j0 + 1, eaB, sB)
        wait_s(eaA, sA)
        start_g(j0 + 2, eaA, gA)
        wait_s(eaB, sB)
        start_g(j0 + 3, eaB, gB)

    wait_g(eaA, gA)
    start_s(CH - 3, eaA, sA)
    wait_s(eaA, sA)
    start_g(CH - 1, eaA, gA)
    wait_g(eaB, gB)
    start_s(CH - 2, eaB, sB)
    wait_g(eaA, gA)
    start_s(CH - 1, eaA, sA)
    wait_s(eaA, sA)
    wait_s(eaB, sB)

    plsc.subcore_barrier()
    pltpu.sync_copy(se_s.at[pl.ds(base, RPS)], se_o.at[c, pl.ds(base, RPS)])


def _seg1x(xm, srcr, dstr):
    return pl.kernel(
        _seg_body_xd,
        out_type=[
            jax.ShapeDtypeStruct((NC, NPAD, DH), _f32),
            jax.ShapeDtypeStruct((NC, NPAD, DE), _f32),
        ],
        mesh=_mesh,
        scratch_types=[
            pltpu.VMEM((EPT,), jnp.int32),
            pltpu.VMEM((EPT,), jnp.int32),
            pltpu.VMEM((CW, DH), _f32),
            pltpu.VMEM((CW, DH), _f32),
            pltpu.VMEM((CW, DE), _f32),
            pltpu.VMEM((160, DH), _f32),
            pltpu.VMEM((RPS, DE), _f32),
            pltpu.VMEM_SHARED((NPAD, DH), _f32),
            pltpu.VMEM_SHARED((NPAD, DE), _f32),
            pltpu.SemaphoreType.DMA,
            pltpu.SemaphoreType.DMA,
            pltpu.SemaphoreType.DMA,
            pltpu.SemaphoreType.DMA,
        ],
        compiler_params=_sc_params,
    )(xm, srcr, dstr)


def _seg1e(dstr, ea):
    return pl.kernel(
        _seg_body_se,
        out_type=[jax.ShapeDtypeStruct((NC, NPAD, DE), _f32)],
        mesh=_mesh,
        scratch_types=[
            pltpu.VMEM((EPT,), jnp.int32),
            pltpu.VMEM((CW, DE), _f32),
            pltpu.VMEM((CW, DE), _f32),
            pltpu.VMEM((RPS, DE), _f32),
            pltpu.VMEM_SHARED((NPAD, DE), _f32),
            pltpu.SemaphoreType.DMA,
            pltpu.SemaphoreType.DMA,
            pltpu.SemaphoreType.DMA,
            pltpu.SemaphoreType.DMA,
        ],
        compiler_params=_sc_params,
    )(dstr, ea)


def _seg2(hm, srcr, dstr):
    return pl.kernel(
        _seg_body_h,
        out_type=[jax.ShapeDtypeStruct((NC, NPAD, DH), _f32)],
        mesh=_mesh,
        scratch_types=[
            pltpu.VMEM((EPT,), jnp.int32),
            pltpu.VMEM((EPT,), jnp.int32),
            pltpu.VMEM((CW, DH), _f32),
            pltpu.VMEM((CW, DH), _f32),
            pltpu.VMEM((160, DH), _f32),
            pltpu.VMEM_SHARED((NPAD, DH), _f32),
            pltpu.SemaphoreType.DMA,
            pltpu.SemaphoreType.DMA,
            pltpu.SemaphoreType.DMA,
            pltpu.SemaphoreType.DMA,
        ],
        compiler_params=_sc_params,
    )(hm, srcr, dstr)


_R = 2000
_G = N // _R


def _dot(a, b):
    return jnp.dot(a, b, preferred_element_type=_f32)


def _tc0_body(x_r, wm_r, xm_r):
    xm_r[...] = _dot(x_r[...], wm_r[...][:DX])


def _tc0(x, Wmsg):
    return pl.pallas_call(
        _tc0_body,
        grid=(_G,),
        in_specs=[
            pl.BlockSpec((_R, DX), lambda i: (i, 0)),
            pl.BlockSpec((DX + DE, DH), lambda i: (0, 0)),
        ],
        out_specs=pl.BlockSpec((_R, DH), lambda i: (i, 0)),
        out_shape=jax.ShapeDtypeStruct((N, DH), _f32),
    )(x, Wmsg)


def _tc1_body(x_r, sxm_r, se_r, dg_r, wm_r, bm_r, ws_r, bs_r, wm2_r,
              h1_r, hm_r):
    deg = dg_r[0, :, 0:1] + dg_r[1, :, 0:1]
    inv = 1.0 / jnp.maximum(deg, 1.0)
    se = se_r[0] + se_r[1]
    sxm = sxm_r[0] + sxm_r[1]
    agg = (sxm + _dot(se, wm_r[...][DX:]) + deg * bm_r[...]) * inv
    h = jnp.maximum(_dot(x_r[...], ws_r[...]) + bs_r[...] + agg, 0.0)
    h1_r[...] = h
    hm_r[...] = _dot(h, wm2_r[...][:DH])


def _tc1(x, sxm, se, dg, Wmsg, bmsg, Wself, bself, Wmsg2):
    return pl.pallas_call(
        _tc1_body,
        grid=(_G,),
        in_specs=[
            pl.BlockSpec((_R, DX), lambda i: (i, 0)),
            pl.BlockSpec((NC, _R, DH), lambda i: (0, i, 0)),
            pl.BlockSpec((NC, _R, DE), lambda i: (0, i, 0)),
            pl.BlockSpec((NC, _R, DE), lambda i: (0, i, 0)),
            pl.BlockSpec((DX + DE, DH), lambda i: (0, 0)),
            pl.BlockSpec((1, DH), lambda i: (0, 0)),
            pl.BlockSpec((DX, DH), lambda i: (0, 0)),
            pl.BlockSpec((1, DH), lambda i: (0, 0)),
            pl.BlockSpec((DH + DE, DH), lambda i: (0, 0)),
        ],
        out_specs=(
            pl.BlockSpec((_R, DH), lambda i: (i, 0)),
            pl.BlockSpec((_R, DH), lambda i: (i, 0)),
        ),
        out_shape=(
            jax.ShapeDtypeStruct((N, DH), _f32),
            jax.ShapeDtypeStruct((N, DH), _f32),
        ),
    )(x, sxm, se, dg, Wmsg, bmsg, Wself, bself, Wmsg2)


def _tc2_body(h1_r, shm_r, se_r, dg_r, wm_r, bm_r, ws_r, bs_r,
              mw1, mb1, mw2, mb2, sw1, sb1, sw2, sb2,
              tw1, tb1, tw2, tb2, sw_o, tr_o, acc):
    i = pl.program_id(0)

    @pl.when(i == 0)
    def _():
        acc[...] = jnp.zeros_like(acc)

    deg = dg_r[0, :, 0:1] + dg_r[1, :, 0:1]
    inv = 1.0 / jnp.maximum(deg, 1.0)
    se = se_r[0] + se_r[1]
    shm = shm_r[0] + shm_r[1]
    agg = (shm + _dot(se, wm_r[...][DH:]) + deg * bm_r[...]) * inv
    h2 = jnp.maximum(_dot(h1_r[...], ws_r[...]) + bs_r[...] + agg, 0.0)
    acc[...] += jnp.sum(h2, axis=0, keepdims=True)

    @pl.when(i == _G - 1)
    def _():
        g = acc[...] * (1.0 / N)
        z = jnp.maximum(_dot(g, mw1[...]) + mb1[...], 0.0)
        z = jnp.maximum(_dot(z, mw2[...]) + mb2[...], 0.0)
        zs = jnp.maximum(_dot(z, sw1[...]) + sb1[...], 0.0)
        sw_o[...] = jax.nn.sigmoid(_dot(zs, sw2[...]) + sb2[...])
        zt = jnp.maximum(_dot(z, tw1[...]) + tb1[...], 0.0)
        tr_o[...] = jax.nn.sigmoid(_dot(zt, tw2[...]) + tb2[...])


def _tc2(h1, shm, se, dg, Wmsg, bmsg, Wself, bself,
         mW1, mb1, mW2, mb2, sW1, sb1, sW2, sb2, tW1, tb1, tW2, tb2):
    full = lambda a, b: pl.BlockSpec((a, b), lambda i: (0, 0))
    return pl.pallas_call(
        _tc2_body,
        grid=(_G,),
        in_specs=[
            pl.BlockSpec((_R, DH), lambda i: (i, 0)),
            pl.BlockSpec((NC, _R, DH), lambda i: (0, i, 0)),
            pl.BlockSpec((NC, _R, DE), lambda i: (0, i, 0)),
            pl.BlockSpec((NC, _R, DE), lambda i: (0, i, 0)),
            full(DH + DE, DH), full(1, DH), full(DH, DH), full(1, DH),
            full(DH, 256), full(1, 256), full(256, 128), full(1, 128),
            full(128, 64), full(1, 64), full(64, SW), full(1, SW),
            full(128, 64), full(1, 64), full(64, TR), full(1, TR),
        ],
        out_specs=(
            pl.BlockSpec((1, SW), lambda i: (0, 0)),
            pl.BlockSpec((1, TR), lambda i: (0, 0)),
        ),
        out_shape=(
            jax.ShapeDtypeStruct((1, SW), _f32),
            jax.ShapeDtypeStruct((1, TR), _f32),
        ),
        scratch_shapes=[pltpu.VMEM((1, DH), _f32)],
    )(h1, shm, se, dg, Wmsg, bmsg, Wself, bself,
      mW1, mb1, mW2, mb2, sW1, sb1, sW2, sb2, tW1, tb1, tW2, tb2)


def kernel(x, edge_index, edge_attr, g1_Wmsg, g1_bmsg, g1_Wself, g1_bself,
           g2_Wmsg, g2_bmsg, g2_Wself, g2_bself, mlp_W1, mlp_b1, mlp_W2,
           mlp_b2, sw_W1, sw_b1, sw_W2, sw_b2, tr_W1, tr_b1, tr_W2, tr_b2):
    srcr = edge_index[0]
    dstr = edge_index[1]
    row = lambda b: b.reshape(1, -1)

    xm = _tc0(x, g1_Wmsg)
    sxm, dg = _seg1x(xm, srcr, dstr)
    (se,) = _seg1e(dstr, edge_attr)
    h1, hm = _tc1(x, sxm, se, dg, g1_Wmsg, row(g1_bmsg), g1_Wself,
                  row(g1_bself), g2_Wmsg)
    (shm,) = _seg2(hm, srcr, dstr)
    sw, tr = _tc2(h1, shm, se, dg, g2_Wmsg, row(g2_bmsg), g2_Wself,
                  row(g2_bself), mlp_W1, row(mlp_b1), mlp_W2, row(mlp_b2),
                  sw_W1, row(sw_b1), sw_W2, row(sw_b2),
                  tr_W1, row(tr_b1), tr_W2, row(tr_b2))
    return (sw.reshape(-1), tr.reshape(-1))

# --- scband reference (transcript-rebuilt; emitter-appended) ---
"""Pipeline reference for scband-actor-23802708755053 (READ-ONLY COPY).

The authoritative reference and input builder live on the scoring server;
editing this copy changes nothing except your own understanding.
"""

import jax, jax.numpy as jnp
import numpy as np

N = 10000
E = 320000
NODE_DIM = 128
EDGE_DIM = 16
HID = 64
SW = 128
TR = 64


def _p(key, shape, fan_in):
    return jax.random.normal(key, shape, dtype=jnp.float32) * (1.0 / np.sqrt(fan_in))


def setup_inputs(seed: int = 0) -> dict:
    key = jax.random.key(seed)
    ks = jax.random.split(key, 24)
    inp = {}
    inp["x"] = jax.random.normal(ks[0], (N, NODE_DIM), dtype=jnp.float32)
    inp["edge_index"] = jax.random.randint(ks[1], (2, E), 0, N, dtype=jnp.int32)
    inp["edge_attr"] = jax.random.normal(ks[2], (E, EDGE_DIM), dtype=jnp.float32)
    # GNN layer 1: message net over [x_src, edge_attr], self transform
    inp["g1_Wmsg"] = _p(ks[3], (NODE_DIM + EDGE_DIM, HID), NODE_DIM + EDGE_DIM)
    inp["g1_bmsg"] = jnp.zeros((HID,), jnp.float32)
    inp["g1_Wself"] = _p(ks[4], (NODE_DIM, HID), NODE_DIM)
    inp["g1_bself"] = jnp.zeros((HID,), jnp.float32)
    # GNN layer 2
    inp["g2_Wmsg"] = _p(ks[5], (HID + EDGE_DIM, HID), HID + EDGE_DIM)
    inp["g2_bmsg"] = jnp.zeros((HID,), jnp.float32)
    inp["g2_Wself"] = _p(ks[6], (HID, HID), HID)
    inp["g2_bself"] = jnp.zeros((HID,), jnp.float32)
    # shared MLP: Linear(64,256) -> ReLU -> Linear(256,128) -> ReLU
    inp["mlp_W1"] = _p(ks[7], (HID, 256), HID)
    inp["mlp_b1"] = jnp.zeros((256,), jnp.float32)
    inp["mlp_W2"] = _p(ks[8], (256, 128), 256)
    inp["mlp_b2"] = jnp.zeros((128,), jnp.float32)
    # switch head: Linear(128,64) -> ReLU -> Linear(64,SW) -> Sigmoid
    inp["sw_W1"] = _p(ks[9], (128, 64), 128)
    inp["sw_b1"] = jnp.zeros((64,), jnp.float32)
    inp["sw_W2"] = _p(ks[10], (64, SW), 64)
    inp["sw_b2"] = jnp.zeros((SW,), jnp.float32)
    # train head: Linear(128,64) -> ReLU -> Linear(64,TR) -> Sigmoid
    inp["tr_W1"] = _p(ks[11], (128, 64), 128)
    inp["tr_b1"] = jnp.zeros((64,), jnp.float32)
    inp["tr_W2"] = _p(ks[12], (64, TR), 64)
    inp["tr_b2"] = jnp.zeros((TR,), jnp.float32)
    return inp


def _gnn_layer(x, src, dst, edge_attr, Wmsg, bmsg, Wself, bself):
    # edge-conditioned message passing with mean aggregation (scatter-add / gather)
    m = jnp.concatenate([x[src], edge_attr], axis=1) @ Wmsg + bmsg
    agg = jax.ops.segment_sum(m, dst, num_segments=x.shape[0])
    deg = jax.ops.segment_sum(jnp.ones((dst.shape[0],), x.dtype), dst, num_segments=x.shape[0])
    agg = agg / jnp.maximum(deg, 1.0)[:, None]
    return jax.nn.relu(x @ Wself + bself + agg)


def reference(x, edge_index, edge_attr, g1_Wmsg, g1_bmsg, g1_Wself, g1_bself, g2_Wmsg, g2_bmsg, g2_Wself, g2_bself, mlp_W1, mlp_b1, mlp_W2, mlp_b2, sw_W1, sw_b1, sw_W2, sw_b2, tr_W1, tr_b1, tr_W2, tr_b2):
    src = edge_index[0]
    dst = edge_index[1]
    h = _gnn_layer(x, src, dst, edge_attr, g1_Wmsg, g1_bmsg, g1_Wself, g1_bself)
    h = _gnn_layer(h, src, dst, edge_attr, g2_Wmsg, g2_bmsg, g2_Wself, g2_bself)
    # global_mean_pool with batch = all zeros -> mean over all nodes, shape [1, HID]
    g = jnp.mean(h, axis=0, keepdims=True)
    z = jax.nn.relu(g @ mlp_W1 + mlp_b1)
    z = jax.nn.relu(z @ mlp_W2 + mlp_b2)
    sw = jax.nn.sigmoid(jax.nn.relu(z @ sw_W1 + sw_b1) @ sw_W2 + sw_b2).reshape(-1)
    tr = jax.nn.sigmoid(jax.nn.relu(z @ tr_W1 + tr_b1) @ tr_W2 + tr_b2).reshape(-1)
    return (sw, tr)

if __name__ == "__main__":
    import jax
    _d = setup_inputs()
    print(jax.jit(kernel)(*tuple(_d.values())))

</pallas_src>

<mosaic_0001>
#map = affine_map<(d0, d1) -> (0)>
#map1 = affine_map<(d0, d1) -> (0, 0)>
#map2 = affine_map<(d0, d1) -> (0, 0, 0)>
module attributes {stable_mosaic.version = 14 : i64} {
  func.func @_seg_body_se(%arg0: i32, %arg1: i32, %arg2: memref<320000xi32, #tpu.memory_space<hbm>>, %arg3: memref<320000x16xf32, #tpu.memory_space<hbm>>, %arg4: memref<2x10240x16xf32, #tpu.memory_space<hbm>>, %arg5: memref<10000xi32, #tpu.memory_space<vmem>>, %arg6: memref<80x16xf32, #tpu.memory_space<vmem>>, %arg7: memref<80x16xf32, #tpu.memory_space<vmem>>, %arg8: memref<640x16xf32, #tpu.memory_space<vmem>>, %arg9: memref<10240x16xf32, #tpu.memory_space<vmem_shared>>, %arg10: memref<!tpu.dma_semaphore, #tpu.memory_space<semaphore_mem>>, %arg11: memref<!tpu.dma_semaphore, #tpu.memory_space<semaphore_mem>>, %arg12: memref<!tpu.dma_semaphore, #tpu.memory_space<semaphore_mem>>, %arg13: memref<!tpu.dma_semaphore, #tpu.memory_space<semaphore_mem>>) attributes {dimension_semantics = [#tpu.dimension_semantics<core_parallel>, #tpu.dimension_semantics<subcore_parallel>], iteration_bounds = array<i64: 2, 16>, scalar_prefetch = 0 : i64, scratch_operands = 9 : i64, tpu.core_type = #tpu.core_type<sc_vector_subcore>, window_params = [{transform_indices = #map}, {transform_indices = #map1}, {transform_indices = #map2}]} {
    %mul3A = arith.constant 16 : i32
    %mul3A_0 = arith.muli %arg0, %mul3A : i32
    %add3A = arith.addi %mul3A_0, %arg1 : i32
    %mul3A_1 = arith.constant 10000 : i32
    %mul3A_2 = arith.muli %add3A, %mul3A_1 : i32
    "tpu.region"() ({
      %run_scoped3A = tpu.sem_alloc : memref<!tpu.dma_semaphore, #tpu.memory_space<semaphore_mem>>
      %dma_start3A_82 = tpu.memref_slice %arg2[%mul3A_2] : memref<320000xi32, #tpu.memory_space<hbm>> -> memref<10000xi32, #tpu.memory_space<hbm>>
      %dma_start3A_83 = tpu.memref_slice %arg2[%mul3A_2] : memref<320000xi32, #tpu.memory_space<hbm>> -> memref<10000xi32, #tpu.memory_space<hbm>>
      tpu.enqueue_dma source(%dma_start3A_83 : memref<10000xi32, #tpu.memory_space<hbm>>) target(%arg5 : memref<10000xi32, #tpu.memory_space<vmem>>) target_semaphore(%run_scoped3A : memref<!tpu.dma_semaphore, #tpu.memory_space<semaphore_mem>>)
      %dma_wait3A_84 = tpu.memref_slice %arg2[%mul3A_2] : memref<320000xi32, #tpu.memory_space<hbm>> -> memref<10000xi32, #tpu.memory_space<hbm>>
      %dma_wait3A_85 = tpu.memref_slice %arg2[%mul3A_2] : memref<320000xi32, #tpu.memory_space<hbm>> -> memref<10000xi32, #tpu.memory_space<hbm>>
      tpu.wait_dma2 semaphore(%run_scoped3A : memref<!tpu.dma_semaphore, #tpu.memory_space<semaphore_mem>>) src(%dma_wait3A_85 : memref<10000xi32, #tpu.memory_space<hbm>>) dst(%arg5 : memref<10000xi32, #tpu.memory_space<vmem>>)
      tpu.yield
    }) : () -> ()
    %broadcast_in_dim3A = arith.constant 0.000000e+00 : f32
    %broadcast_in_dim3A_3 = vector.broadcast %broadcast_in_dim3A : f32 to vector<16xf32>
    %scan3A = arith.constant 0 : i32
    %scan3A_4 = arith.constant 640 : i32
    %scan3A_5 = arith.addi %scan3A, %scan3A_4 : i32
    %scan3A_6 = arith.constant 4 : i32
    scf.for %scan3A_82 = %scan3A to %scan3A_5 step %scan3A_6  : i32 {
      %mul3A_83 = arith.constant 1 : i32
      %mul3A_84 = arith.muli %scan3A_82, %mul3A_83 : i32
      %add3A_85 = arith.constant 0 : i32
      %add3A_86 = arith.addi %add3A_85, %mul3A_84 : i32
      %swap3A = arith.index_cast %add3A_86 : i32 to index
      %swap3A_87 = arith.constant 0 : index
      %swap3A_88 = tpu.vector_load %arg8[%swap3A, %swap3A_87] {strides = array<i32>} : memref<640x16xf32, #tpu.memory_space<vmem>>, vector<1x16xf32>,
      %swap3A_89 = vector.shape_cast %swap3A_88 : vector<1x16xf32> to vector<16xf32>
      %swap3A_90 = vector.shape_cast %broadcast_in_dim3A_3 : vector<16xf32> to vector<1x16xf32>
      tpu.vector_store %arg8[%swap3A, %swap3A_87], %swap3A_90 {strides = array<i32>} : memref<640x16xf32, #tpu.memory_space<vmem>>, vector<1x16xf32>,
      %scan3A_91 = arith.constant 1 : i32
      %scan3A_92 = arith.addi %scan3A_82, %scan3A_91 : i32
      %mul3A_93 = arith.constant 1 : i32
      %mul3A_94 = arith.muli %scan3A_92, %mul3A_93 : i32
      %add3A_95 = arith.constant 0 : i32
      %add3A_96 = arith.addi %add3A_95, %mul3A_94 : i32
      %swap3A_97 = arith.index_cast %add3A_96 : i32 to index
      %swap3A_98 = arith.constant 0 : index
      %swap3A_99 = tpu.vector_load %arg8[%swap3A_97, %swap3A_98] {strides = array<i32>} : memref<640x16xf32, #tpu.memory_space<vmem>>, vector<1x16xf32>,
      %swap3A_100 = vector.shape_cast %swap3A_99 : vector<1x16xf32> to vector<16xf32>
      %swap3A_101 = vector.shape_cast %broadcast_in_dim3A_3 : vector<16xf32> to vector<1x16xf32>
      tpu.vector_store %arg8[%swap3A_97, %swap3A_98], %swap3A_101 {strides = array<i32>} : memref<640x16xf32, #tpu.memory_space<vmem>>, vector<1x16xf32>,
      %scan3A_102 = arith.constant 2 : i32
      %scan3A_103 = arith.addi %scan3A_82, %scan3A_102 : i32
      %mul3A_104 = arith.constant 1 : i32
      %mul3A_105 = arith.muli %scan3A_103, %mul3A_104 : i32
      %add3A_106 = arith.constant 0 : i32
      %add3A_107 = arith.addi %add3A_106, %mul3A_105 : i32
      %swap3A_108 = arith.index_cast %add3A_107 : i32 to index
      %swap3A_109 = arith.constant 0 : index
      %swap3A_110 = tpu.vector_load %arg8[%swap3A_108, %swap3A_109] {strides = array<i32>} : memref<640x16xf32, #tpu.memory_space<vmem>>, vector<1x16xf32>,
      %swap3A_111 = vector.shape_cast %swap3A_110 : vector<1x16xf32> to vector<16xf32>
      %swap3A_112 = vector.shape_cast %broadcast_in_dim3A_3 : vector<16xf32> to vector<1x16xf32>
      tpu.vector_store %arg8[%swap3A_108, %swap3A_109], %swap3A_112 {strides = array<i32>} : memref<640x16xf32, #tpu.memory_space<vmem>>, vector<1x16xf32>,
      %scan3A_113 = arith.constant 3 : i32
      %scan3A_114 = arith.addi %scan3A_82, %scan3A_113 : i32
      %mul3A_115 = arith.constant 1 : i32
      %mul3A_116 = arith.muli %scan3A_114, %mul3A_115 : i32
      %add3A_117 = arith.constant 0 : i32
      %add3A_118 = arith.addi %add3A_117, %mul3A_116 : i32
      %swap3A_119 = arith.index_cast %add3A_118 : i32 to index
      %swap3A_120 = arith.constant 0 : index
      %swap3A_121 = tpu.vector_load %arg8[%swap3A_119, %swap3A_120] {strides = array<i32>} : memref<640x16xf32, #tpu.memory_space<vmem>>, vector<1x16xf32>,
      %swap3A_122 = vector.shape_cast %swap3A_121 : vector<1x16xf32> to vector<16xf32>
      %swap3A_123 = vector.shape_cast %broadcast_in_dim3A_3 : vector<16xf32> to vector<1x16xf32>
      tpu.vector_store %arg8[%swap3A_119, %swap3A_120], %swap3A_123 {strides = array<i32>} : memref<640x16xf32, #tpu.memory_space<vmem>>, vector<1x16xf32>,
    }
    %scan3A_7 = arith.constant 640 : i32
    %mul3A_8 = arith.constant 640 : i32
    %mul3A_9 = arith.muli %arg1, %mul3A_8 : i32
    "tpu.region"() ({
      %run_scoped3A = tpu.sem_alloc : memref<!tpu.dma_semaphore, #tpu.memory_space<semaphore_mem>>
      %dma_start3A_82 = arith.constant 0 : i32
      %dma_start3A_83 = tpu.memref_slice %arg9[%mul3A_9, %dma_start3A_82] : memref<10240x16xf32, #tpu.memory_space<vmem_shared>> -> memref<640x16xf32, #tpu.memory_space<vmem_shared>>
      %dma_start3A_84 = arith.constant 0 : i32
      %dma_start3A_85 = tpu.memref_slice %arg9[%mul3A_9, %dma_start3A_84] : memref<10240x16xf32, #tpu.memory_space<vmem_shared>> -> memref<640x16xf32, #tpu.memory_space<vmem_shared>>
      tpu.enqueue_dma source(%arg8 : memref<640x16xf32, #tpu.memory_space<vmem>>) target(%dma_start3A_85 : memref<640x16xf32, #tpu.memory_space<vmem_shared>>) target_semaphore(%run_scoped3A : memref<!tpu.dma_semaphore, #tpu.memory_space<semaphore_mem>>)
      %dma_wait3A_86 = arith.constant 0 : i32
      %dma_wait3A_87 = tpu.memref_slice %arg9[%mul3A_9, %dma_wait3A_86] : memref<10240x16xf32, #tpu.memory_space<vmem_shared>> -> memref<640x16xf32, #tpu.memory_space<vmem_shared>>
      %dma_wait3A_88 = arith.constant 0 : i32
      %dma_wait3A_89 = tpu.memref_slice %arg9[%mul3A_9, %dma_wait3A_88] : memref<10240x16xf32, #tpu.memory_space<vmem_shared>> -> memref<640x16xf32, #tpu.memory_space<vmem_shared>>
      tpu.wait_dma2 semaphore(%run_scoped3A : memref<!tpu.dma_semaphore, #tpu.memory_space<semaphore_mem>>) src(%arg8 : memref<640x16xf32, #tpu.memory_space<vmem>>) dst(%dma_wait3A_89 : memref<640x16xf32, #tpu.memory_space<vmem_shared>>)
      tpu.yield
    }) : () -> ()
    %barrier3A = arith.constant 0 : index
    tpu.barrier barrier_id(%barrier3A)
    %add3A_10 = arith.constant 0 : i32
    %add3A_11 = arith.addi %mul3A_2, %add3A_10 : i32
    %multiple_of3A = tpu.assume_multiple %add3A_11, 16 : i32
    %dma_start3A = arith.constant 0 : i32
    %dma_start3A_12 = tpu.memref_slice %arg3[%multiple_of3A, %dma_start3A] : memref<320000x16xf32, #tpu.memory_space<hbm>> -> memref<80x16xf32, #tpu.memory_space<hbm>>
    %dma_start3A_13 = arith.constant 0 : i32
    %dma_start3A_14 = tpu.memref_slice %arg3[%multiple_of3A, %dma_start3A_13] : memref<320000x16xf32, #tpu.memory_space<hbm>> -> memref<80x16xf32, #tpu.memory_space<hbm>>
    tpu.enqueue_dma source(%dma_start3A_14 : memref<80x16xf32, #tpu.memory_space<hbm>>) target(%arg6 : memref<80x16xf32, #tpu.memory_space<vmem>>) target_semaphore(%arg10 : memref<!tpu.dma_semaphore, #tpu.memory_space<semaphore_mem>>)
    %add3A_15 = arith.constant 80 : i32
    %add3A_16 = arith.addi %mul3A_2, %add3A_15 : i32
    %multiple_of3A_17 = tpu.assume_multiple %add3A_16, 16 : i32
    %dma_start3A_18 = arith.constant 0 : i32
    %dma_start3A_19 = tpu.memref_slice %arg3[%multiple_of3A_17, %dma_start3A_18] : memref<320000x16xf32, #tpu.memory_space<hbm>> -> memref<80x16xf32, #tpu.memory_space<hbm>>
    %dma_start3A_20 = arith.constant 0 : i32
    %dma_start3A_21 = tpu.memref_slice %arg3[%multiple_of3A_17, %dma_start3A_20] : memref<320000x16xf32, #tpu.memory_space<hbm>> -> memref<80x16xf32, #tpu.memory_space<hbm>>
    tpu.enqueue_dma source(%dma_start3A_21 : memref<80x16xf32, #tpu.memory_space<hbm>>) target(%arg7 : memref<80x16xf32, #tpu.memory_space<vmem>>) target_semaphore(%arg11 : memref<!tpu.dma_semaphore, #tpu.memory_space<semaphore_mem>>)
    %scan3A_22 = arith.constant 0 : i32
    %scan3A_23 = arith.constant 61 : i32
    %scan3A_24 = arith.addi %scan3A_22, %scan3A_23 : i32
    %scan3A_25 = arith.constant 1 : i32
    scf.for %scan3A_82 = %scan3A_22 to %scan3A_24 step %scan3A_25  : i32 {
      %mul3A_83 = arith.constant 1 : i32
      %mul3A_84 = arith.muli %scan3A_82, %mul3A_83 : i32
      %add3A_85 = arith.constant 0 : i32
      %add3A_86 = arith.addi %add3A_85, %mul3A_84 : i32
      %mul3A_87 = arith.constant 2 : i32
      %mul3A_88 = arith.muli %mul3A_87, %add3A_86 : i32
      %dma_wait3A_89 = arith.constant 0 : i32
      %dma_wait3A_90 = arith.constant 0 : i32
      %dma_wait3A_91 = tpu.memref_slice %arg3[%dma_wait3A_89, %dma_wait3A_90] : memref<320000x16xf32, #tpu.memory_space<hbm>> -> memref<80x16xf32, #tpu.memory_space<hbm>>
      %dma_wait3A_92 = arith.constant 0 : i32
      %dma_wait3A_93 = arith.constant 0 : i32
      %dma_wait3A_94 = tpu.memref_slice %arg3[%dma_wait3A_92, %dma_wait3A_93] : memref<320000x16xf32, #tpu.memory_space<hbm>> -> memref<80x16xf32, #tpu.memory_space<hbm>>
      tpu.wait_dma2 semaphore(%arg10 : memref<!tpu.dma_semaphore, #tpu.memory_space<semaphore_mem>>) src(%dma_wait3A_94 : memref<80x16xf32, #tpu.memory_space<hbm>>) dst(%arg6 : memref<80x16xf32, #tpu.memory_space<vmem>>)
      %mul3A_95 = arith.constant 80 : i32
      %mul3A_96 = arith.muli %mul3A_88, %mul3A_95 : i32
      %dma_start3A_97 = tpu.memref_slice %arg5[%mul3A_96] : memref<10000xi32, #tpu.memory_space<vmem>> -> memref<80xi32, #tpu.memory_space<vmem>>
      %dma_start3A_98 = arith.constant 0 : i32
      %dma_start3A_99 = arith.constant 0 : i32
      %dma_start3A_100 = tpu.memref_slice %arg9[%dma_start3A_98, %dma_start3A_99] : memref<10240x16xf32, #tpu.memory_space<vmem_shared>> -> memref<10240x16xf32, #tpu.memory_space<vmem_shared>>
      tpu.enqueue_indirect_dma source(%arg6 : memref<80x16xf32, #tpu.memory_space<vmem>>) target(%dma_start3A_100 : memref<10240x16xf32, #tpu.memory_space<vmem_shared>>) offsets(%dma_start3A_97 : memref<80xi32, #tpu.memory_space<vmem>>) semaphore(%arg12 : memref<!tpu.dma_semaphore, #tpu.memory_space<semaphore_mem>>) {add = true}
      %dma_wait3A_101 = arith.constant 0 : i32
      %dma_wait3A_102 = arith.constant 0 : i32
      %dma_wait3A_103 = tpu.memref_slice %arg3[%dma_wait3A_101, %dma_wait3A_102] : memref<320000x16xf32, #tpu.memory_space<hbm>> -> memref<80x16xf32, #tpu.memory_space<hbm>>
      %dma_wait3A_104 = arith.constant 0 : i32
      %dma_wait3A_105 = arith.constant 0 : i32
      %dma_wait3A_106 = tpu.memref_slice %arg3[%dma_wait3A_104, %dma_wait3A_105] : memref<320000x16xf32, #tpu.memory_space<hbm>> -> memref<80x16xf32, #tpu.memory_space<hbm>>
      tpu.wait_dma2 semaphore(%arg11 : memref<!tpu.dma_semaphore, #tpu.memory_space<semaphore_mem>>) src(%dma_wait3A_106 : memref<80x16xf32, #tpu.memory_space<hbm>>) dst(%arg7 : memref<80x16xf32, #tpu.memory_space<vmem>>)
      %add3A_107 = arith.constant 1 : i32
      %add3A_108 = arith.addi %mul3A_88, %add3A_107 : i32
      %mul3A_109 = arith.constant 80 : i32
      %mul3A_110 = arith.muli %add3A_108, %mul3A_109 : i32
      %dma_start3A_111 = tpu.memref_slice %arg5[%mul3A_110] : memref<10000xi32, #tpu.memory_space<vmem>> -> memref<80xi32, #tpu.memory_space<vmem>>
      %dma_start3A_112 = arith.constant 0 : i32
      %dma_start3A_113 = arith.constant 0 : i32
      %dma_start3A_114 = tpu.memref_slice %arg9[%dma_start3A_112, %dma_start3A_113] : memref<10240x16xf32, #tpu.memory_space<vmem_shared>> -> memref<10240x16xf32, #tpu.memory_space<vmem_shared>>
      tpu.enqueue_indirect_dma source(%arg7 : memref<80x16xf32, #tpu.memory_space<vmem>>) target(%dma_start3A_114 : memref<10240x16xf32, #tpu.memory_space<vmem_shared>>) offsets(%dma_start3A_111 : memref<80xi32, #tpu.memory_space<vmem>>) semaphore(%arg13 : memref<!tpu.dma_semaphore, #tpu.memory_space<semaphore_mem>>) {add = true}
      %dma_wait3A_115 = arith.constant 0 : i32
      %dma_wait3A_116 = tpu.memref_slice %arg5[%dma_wait3A_115] : memref<10000xi32, #tpu.memory_space<vmem>> -> memref<80xi32, #tpu.memory_space<vmem>>
      %dma_wait3A_117 = arith.constant 0 : i32
      %dma_wait3A_118 = arith.constant 0 : i32
      %dma_wait3A_119 = tpu.memref_slice %arg9[%dma_wait3A_117, %dma_wait3A_118] : memref<10240x16xf32, #tpu.memory_space<vmem_shared>> -> memref<10240x16xf32, #tpu.memory_space<vmem_shared>>
      tpu.wait_indirect_dma semaphore(%arg12 : memref<!tpu.dma_semaphore, #tpu.memory_space<semaphore_mem>>) src(%arg6 : memref<80x16xf32, #tpu.memory_space<vmem>>) dst(%dma_wait3A_119 : memref<10240x16xf32, #tpu.memory_space<vmem_shared>>)
      %add3A_120 = arith.constant 2 : i32
      %add3A_121 = arith.addi %mul3A_88, %add3A_120 : i32
      %mul3A_122 = arith.constant 80 : i32
      %mul3A_123 = arith.muli %add3A_121, %mul3A_122 : i32
      %add3A_124 = arith.addi %mul3A_2, %mul3A_123 : i32
      %multiple_of3A_125 = tpu.assume_multiple %add3A_124, 16 : i32
      %dma_start3A_126 = arith.constant 0 : i32
      %dma_start3A_127 = tpu.memref_slice %arg3[%multiple_of3A_125, %dma_start3A_126] : memref<320000x16xf32, #tpu.memory_space<hbm>> -> memref<80x16xf32, #tpu.memory_space<hbm>>
      %dma_start3A_128 = arith.constant 0 : i32
      %dma_start3A_129 = tpu.memref_slice %arg3[%multiple_of3A_125, %dma_start3A_128] : memref<320000x16xf32, #tpu.memory_space<hbm>> -> memref<80x16xf32, #tpu.memory_space<hbm>>
      tpu.enqueue_dma source(%dma_start3A_129 : memref<80x16xf32, #tpu.memory_space<hbm>>) target(%arg6 : memref<80x16xf32, #tpu.memory_space<vmem>>) target_semaphore(%arg10 : memref<!tpu.dma_semaphore, #tpu.memory_space<semaphore_mem>>)
      %dma_wait3A_130 = arith.constant 0 : i32
      %dma_wait3A_131 = tpu.memref_slice %arg5[%dma_wait3A_130] : memref<10000xi32, #tpu.memory_space<vmem>> -> memref<80xi32, #tpu.memory_space<vmem>>
      %dma_wait3A_132 = arith.constant 0 : i32
      %dma_wait3A_133 = arith.constant 0 : i32
      %dma_wait3A_134 = tpu.memref_slice %arg9[%dma_wait3A_132, %dma_wait3A_133] : memref<10240x16xf32, #tpu.memory_space<vmem_shared>> -> memref<10240x16xf32, #tpu.memory_space<vmem_shared>>
      tpu.wait_indirect_dma semaphore(%arg13 : memref<!tpu.dma_semaphore, #tpu.memory_space<semaphore_mem>>) src(%arg7 : memref<80x16xf32, #tpu.memory_space<vmem>>) dst(%dma_wait3A_134 : memref<10240x16xf32, #tpu.memory_space<vmem_shared>>)
      %add3A_135 = arith.constant 3 : i32
      %add3A_136 = arith.addi %mul3A_88, %add3A_135 : i32
      %mul3A_137 = arith.constant 80 : i32
      %mul3A_138 = arith.muli %add3A_136, %mul3A_137 : i32
      %add3A_139 = arith.addi %mul3A_2, %mul3A_138 : i32
      %multiple_of3A_140 = tpu.assume_multiple %add3A_139, 16 : i32
      %dma_start3A_141 = arith.constant 0 : i32
      %dma_start3A_142 = tpu.memref_slice %arg3[%multiple_of3A_140, %dma_start3A_141] : memref<320000x16xf32, #tpu.memory_space<hbm>> -> memref<80x16xf32, #tpu.memory_space<hbm>>
      %dma_start3A_143 = arith.constant 0 : i32
      %dma_start3A_144 = tpu.memref_slice %arg3[%multiple_of3A_140, %dma_start3A_143] : memref<320000x16xf32, #tpu.memory_space<hbm>> -> memref<80x16xf32, #tpu.memory_space<hbm>>
      tpu.enqueue_dma source(%dma_start3A_144 : memref<80x16xf32, #tpu.memory_space<hbm>>) target(%arg7 : memref<80x16xf32, #tpu.memory_space<vmem>>) target_semaphore(%arg11 : memref<!tpu.dma_semaphore, #tpu.memory_space<semaphore_mem>>)
    }
    %scan3A_26 = arith.constant 61 : i32
    %dma_wait3A = arith.constant 0 : i32
    %dma_wait3A_27 = arith.constant 0 : i32
    %dma_wait3A_28 = tpu.memref_slice %arg3[%dma_wait3A, %dma_wait3A_27] : memref<320000x16xf32, #tpu.memory_space<hbm>> -> memref<80x16xf32, #tpu.memory_space<hbm>>
    %dma_wait3A_29 = arith.constant 0 : i32
    %dma_wait3A_30 = arith.constant 0 : i32
    %dma_wait3A_31 = tpu.memref_slice %arg3[%dma_wait3A_29, %dma_wait3A_30] : memref<320000x16xf32, #tpu.memory_space<hbm>> -> memref<80x16xf32, #tpu.memory_space<hbm>>
    tpu.wait_dma2 semaphore(%arg10 : memref<!tpu.dma_semaphore, #tpu.memory_space<semaphore_mem>>) src(%dma_wait3A_31 : memref<80x16xf32, #tpu.memory_space<hbm>>) dst(%arg6 : memref<80x16xf32, #tpu.memory_space<vmem>>)
    %dma_start3A_32 = arith.constant 9760 : i32
    %dma_start3A_33 = tpu.memref_slice %arg5[%dma_start3A_32] : memref<10000xi32, #tpu.memory_space<vmem>> -> memref<80xi32, #tpu.memory_space<vmem>>
    %dma_start3A_34 = arith.constant 0 : i32
    %dma_start3A_35 = arith.constant 0 : i32
    %dma_start3A_36 = tpu.memref_slice %arg9[%dma_start3A_34, %dma_start3A_35] : memref<10240x16xf32, #tpu.memory_space<vmem_shared>> -> memref<10240x16xf32, #tpu.memory_space<vmem_shared>>
    tpu.enqueue_indirect_dma source(%arg6 : memref<80x16xf32, #tpu.memory_space<vmem>>) target(%dma_start3A_36 : memref<10240x16xf32, #tpu.memory_space<vmem_shared>>) offsets(%dma_start3A_33 : memref<80xi32, #tpu.memory_space<vmem>>) semaphore(%arg12 : memref<!tpu.dma_semaphore, #tpu.memory_space<semaphore_mem>>) {add = true}
    %dma_wait3A_37 = arith.constant 0 : i32
    %dma_wait3A_38 = tpu.memref_slice %arg5[%dma_wait3A_37] : memref<10000xi32, #tpu.memory_space<vmem>> -> memref<80xi32, #tpu.memory_space<vmem>>
    %dma_wait3A_39 = arith.constant 0 : i32
    %dma_wait3A_40 = arith.constant 0 : i32
    %dma_wait3A_41 = tpu.memref_slice %arg9[%dma_wait3A_39, %dma_wait3A_40] : memref<10240x16xf32, #tpu.memory_space<vmem_shared>> -> memref<10240x16xf32, #tpu.memory_space<vmem_shared>>
    tpu.wait_indirect_dma semaphore(%arg12 : memref<!tpu.dma_semaphore, #tpu.memory_space<semaphore_mem>>) src(%arg6 : memref<80x16xf32, #tpu.memory_space<vmem>>) dst(%dma_wait3A_41 : memref<10240x16xf32, #tpu.memory_space<vmem_shared>>)
    %add3A_42 = arith.constant 9920 : i32
    %add3A_43 = arith.addi %mul3A_2, %add3A_42 : i32
    %multiple_of3A_44 = tpu.assume_multiple %add3A_43, 16 : i32
    %dma_start3A_45 = arith.constant 0 : i32
    %dma_start3A_46 = tpu.memref_slice %arg3[%multiple_of3A_44, %dma_start3A_45] : memref<320000x16xf32, #tpu.memory_space<hbm>> -> memref<80x16xf32, #tpu.memory_space<hbm>>
    %dma_start3A_47 = arith.constant 0 : i32
    %dma_start3A_48 = tpu.memref_slice %arg3[%multiple_of3A_44, %dma_start3A_47] : memref<320000x16xf32, #tpu.memory_space<hbm>> -> memref<80x16xf32, #tpu.memory_space<hbm>>
    tpu.enqueue_dma source(%dma_start3A_48 : memref<80x16xf32, #tpu.memory_space<hbm>>) target(%arg6 : memref<80x16xf32, #tpu.memory_space<vmem>>) target_semaphore(%arg10 : memref<!tpu.dma_semaphore, #tpu.memory_space<semaphore_mem>>)
    %dma_wait3A_49 = arith.constant 0 : i32
    %dma_wait3A_50 = arith.constant 0 : i32
    %dma_wait3A_51 = tpu.memref_slice %arg3[%dma_wait3A_49, %dma_wait3A_50] : memref<320000x16xf32, #tpu.memory_space<hbm>> -> memref<80x16xf32, #tpu.memory_space<hbm>>
    %dma_wait3A_52 = arith.constant 0 : i32
    %dma_wait3A_53 = arith.constant 0 : i32
    %dma_wait3A_54 = tpu.memref_slice %arg3[%dma_wait3A_52, %dma_wait3A_53] : memref<320000x16xf32, #tpu.memory_space<hbm>> -> memref<80x16xf32, #tpu.memory_space<hbm>>
    tpu.wait_dma2 semaphore(%arg11 : memref<!tpu.dma_semaphore, #tpu.memory_space<semaphore_mem>>) src(%dma_wait3A_54 : memref<80x16xf32, #tpu.memory_space<hbm>>) dst(%arg7 : memref<80x16xf32, #tpu.memory_space<vmem>>)
    %dma_start3A_55 = arith.constant 9840 : i32
    %dma_start3A_56 = tpu.memref_slice %arg5[%dma_start3A_55] : memref<10000xi32, #tpu.memory_space<vmem>> -> memref<80xi32, #tpu.memory_space<vmem>>
    %dma_start3A_57 = arith.constant 0 : i32
    %dma_start3A_58 = arith.constant 0 : i32
    %dma_start3A_59 = tpu.memref_slice %arg9[%dma_start3A_57, %dma_start3A_58] : memref<10240x16xf32, #tpu.memory_space<vmem_shared>> -> memref<10240x16xf32, #tpu.memory_space<vmem_shared>>
    tpu.enqueue_indirect_dma source(%arg7 : memref<80x16xf32, #tpu.memory_space<vmem>>) target(%dma_start3A_59 : memref<10240x16xf32, #tpu.memory_space<vmem_shared>>) offsets(%dma_start3A_56 : memref<80xi32, #tpu.memory_space<vmem>>) semaphore(%arg13 : memref<!tpu.dma_semaphore, #tpu.memory_space<semaphore_mem>>) {add = true}
    %dma_wait3A_60 = arith.constant 0 : i32
    %dma_wait3A_61 = arith.constant 0 : i32
    %dma_wait3A_62 = tpu.memref_slice %arg3[%dma_wait3A_60, %dma_wait3A_61] : memref<320000x16xf32, #tpu.memory_space<hbm>> -> memref<80x16xf32, #tpu.memory_space<hbm>>
    %dma_wait3A_63 = arith.constant 0 : i32
    %dma_wait3A_64 = arith.constant 0 : i32
    %dma_wait3A_65 = tpu.memref_slice %arg3[%dma_wait3A_63, %dma_wait3A_64] : memref<320000x16xf32, #tpu.memory_space<hbm>> -> memref<80x16xf32, #tpu.memory_space<hbm>>
    tpu.wait_dma2 semaphore(%arg10 : memref<!tpu.dma_semaphore, #tpu.memory_space<semaphore_mem>>) src(%dma_wait3A_65 : memref<80x16xf32, #tpu.memory_space<hbm>>) dst(%arg6 : memref<80x16xf32, #tpu.memory_space<vmem>>)
    %dma_start3A_66 = arith.constant 9920 : i32
    %dma_start3A_67 = tpu.memref_slice %arg5[%dma_start3A_66] : memref<10000xi32, #tpu.memory_space<vmem>> -> memref<80xi32, #tpu.memory_space<vmem>>
    %dma_start3A_68 = arith.constant 0 : i32
    %dma_start3A_69 = arith.constant 0 : i32
    %dma_start3A_70 = tpu.memref_slice %arg9[%dma_start3A_68, %dma_start3A_69] : memref<10240x16xf32, #tpu.memory_space<vmem_shared>> -> memref<10240x16xf32, #tpu.memory_space<vmem_shared>>
    tpu.enqueue_indirect_dma source(%arg6 : memref<80x16xf32, #tpu.memory_space<vmem>>) target(%dma_start3A_70 : memref<10240x16xf32, #tpu.memory_space<vmem_shared>>) offsets(%dma_start3A_67 : memref<80xi32, #tpu.memory_space<vmem>>) semaphore(%arg12 : memref<!tpu.dma_semaphore, #tpu.memory_space<semaphore_mem>>) {add = true}
    %dma_wait3A_71 = arith.constant 0 : i32
    %dma_wait3A_72 = tpu.memref_slice %arg5[%dma_wait3A_71] : memref<10000xi32, #tpu.memory_space<vmem>> -> memref<80xi32, #tpu.memory_space<vmem>>
    %dma_wait3A_73 = arith.constant 0 : i32
    %dma_wait3A_74 = arith.constant 0 : i32
    %dma_wait3A_75 = tpu.memref_slice %arg9[%dma_wait3A_73, %dma_wait3A_74] : memref<10240x16xf32, #tpu.memory_space<vmem_shared>> -> memref<10240x16xf32, #tpu.memory_space<vmem_shared>>
    tpu.wait_indirect_dma semaphore(%arg12 : memref<!tpu.dma_semaphore, #tpu.memory_space<semaphore_mem>>) src(%arg6 : memref<80x16xf32, #tpu.memory_space<vmem>>) dst(%dma_wait3A_75 : memref<10240x16xf32, #tpu.memory_space<vmem_shared>>)
    %dma_wait3A_76 = arith.constant 0 : i32
    %dma_wait3A_77 = tpu.memref_slice %arg5[%dma_wait3A_76] : memref<10000xi32, #tpu.memory_space<vmem>> -> memref<80xi32, #tpu.memory_space<vmem>>
    %dma_wait3A_78 = arith.constant 0 : i32
    %dma_wait3A_79 = arith.constant 0 : i32
    %dma_wait3A_80 = tpu.memref_slice %arg9[%dma_wait3A_78, %dma_wait3A_79] : memref<10240x16xf32, #tpu.memory_space<vmem_shared>> -> memref<10240x16xf32, #tpu.memory_space<vmem_shared>>
    tpu.wait_indirect_dma semaphore(%arg13 : memref<!tpu.dma_semaphore, #tpu.memory_space<semaphore_mem>>) src(%arg7 : memref<80x16xf32, #tpu.memory_space<vmem>>) dst(%dma_wait3A_80 : memref<10240x16xf32, #tpu.memory_space<vmem_shared>>)
    %barrier3A_81 = arith.constant 0 : index
    tpu.barrier barrier_id(%barrier3A_81)
    "tpu.region"() ({
      %run_scoped3A = tpu.sem_alloc : memref<!tpu.dma_semaphore, #tpu.memory_space<semaphore_mem>>
      %dma_start3A_82 = arith.constant 0 : i32
      %dma_start3A_83 = tpu.memref_slice %arg4[%arg0, %mul3A_9, %dma_start3A_82] : memref<2x10240x16xf32, #tpu.memory_space<hbm>> -> memref<1x640x16xf32, #tpu.memory_space<hbm>>
      %dma_start3A_84 = tpu.memref_squeeze %dma_start3A_83 : memref<1x640x16xf32, #tpu.memory_space<hbm>> -> memref<640x16xf32, #tpu.memory_space<hbm>>
      %dma_start3A_85 = arith.constant 0 : i32
      %dma_start3A_86 = tpu.memref_slice %arg9[%mul3A_9, %dma_start3A_85] : memref<10240x16xf32, #tpu.memory_space<vmem_shared>> -> memref<640x16xf32, #tpu.memory_space<vmem_shared>>
      tpu.enqueue_dma source(%dma_start3A_86 : memref<640x16xf32, #tpu.memory_space<vmem_shared>>) target(%dma_start3A_84 : memref<640x16xf32, #tpu.memory_space<hbm>>) target_semaphore(%run_scoped3A : memref<!tpu.dma_semaphore, #tpu.memory_space<semaphore_mem>>)
      %dma_wait3A_87 = arith.constant 0 : i32
      %dma_wait3A_88 = tpu.memref_slice %arg4[%arg0, %mul3A_9, %dma_wait3A_87] : memref<2x10240x16xf32, #tpu.memory_space<hbm>> -> memref<1x640x16xf32, #tpu.memory_space<hbm>>
      %dma_wait3A_89 = tpu.memref_squeeze %dma_wait3A_88 : memref<1x640x16xf32, #tpu.memory_space<hbm>> -> memref<640x16xf32, #tpu.memory_space<hbm>>
      %dma_wait3A_90 = arith.constant 0 : i32
      %dma_wait3A_91 = tpu.memref_slice %arg9[%mul3A_9, %dma_wait3A_90] : memref<10240x16xf32, #tpu.memory_space<vmem_shared>> -> memref<640x16xf32, #tpu.memory_space<vmem_shared>>
      tpu.wait_dma2 semaphore(%run_scoped3A : memref<!tpu.dma_semaphore, #tpu.memory_space<semaphore_mem>>) src(%dma_wait3A_91 : memref<640x16xf32, #tpu.memory_space<vmem_shared>>) dst(%dma_wait3A_89 : memref<640x16xf32, #tpu.memory_space<hbm>>)
      tpu.yield
    }) : () -> ()
    return
  }
}

#map = affine_map<(d0, d1) -> (0, 0)>
#map1 = affine_map<(d0, d1) -> (0)>
#map2 = affine_map<(d0, d1) -> (0, 0, 0)>
module attributes {stable_mosaic.version = 14 : i64} {
  func.func @_seg_body_xd(%arg0: i32, %arg1: i32, %arg2: memref<10000x64xf32, #tpu.memory_space<hbm>>, %arg3: memref<320000xi32, #tpu.memory_space<hbm>>, %arg4: memref<320000xi32, #tpu.memory_space<hbm>>, %arg5: memref<2x10240x64xf32, #tpu.memory_space<hbm>>, %arg6: memref<2x10240x16xf32, #tpu.memory_space<hbm>>, %arg7: memref<10000xi32, #tpu.memory_space<vmem>>, %arg8: memref<10000xi32, #tpu.memory_space<vmem>>, %arg9: memref<80x64xf32, #tpu.memory_space<vmem>>, %arg10: memref<80x64xf32, #tpu.memory_space<vmem>>, %arg11: memref<80x16xf32, #tpu.memory_space<vmem>>, %arg12: memref<160x64xf32, #tpu.memory_space<vmem>>, %arg13: memref<640x16xf32, #tpu.memory_space<vmem>>, %arg14: memref<10240x64xf32, #tpu.memory_space<vmem_shared>>, %arg15: memref<10240x16xf32, #tpu.memory_space<vmem_shared>>, %arg16: memref<!tpu.dma_semaphore, #tpu.memory_space<semaphore_mem>>, %arg17: memref<!tpu.dma_semaphore, #tpu.memory_space<semaphore_mem>>, %arg18: memref<!tpu.dma_semaphore, #tpu.memory_space<semaphore_mem>>, %arg19: memref<!tpu.dma_semaphore, #tpu.memory_space<semaphore_mem>>) attributes {dimension_semantics = [#tpu.dimension_semantics<core_parallel>, #tpu.dimension_semantics<subcore_parallel>], iteration_bounds = array<i64: 2, 16>, scalar_prefetch = 0 : i64, scratch_operands = 13 : i64, tpu.core_type = #tpu.core_type<sc_vector_subcore>, window_params = [{transform_indices = #map}, {transform_indices = #map1}, {transform_indices = #map1}, {transform_indices = #map2}, {transform_indices = #map2}]} {
    %mul3A = arith.constant 16 : i32
    %mul3A_0 = arith.muli %arg0, %mul3A : i32
    %add3A = arith.addi %mul3A_0, %arg1 : i32
    %mul3A_1 = arith.constant 10000 : i32
    %mul3A_2 = arith.muli %add3A, %mul3A_1 : i32
    "tpu.region"() ({
      %run_scoped3A = tpu.sem_alloc : memref<!tpu.dma_semaphore, #tpu.memory_space<semaphore_mem>>
      %dma_start3A_126 = tpu.memref_slice %arg3[%mul3A_2] : memref<320000xi32, #tpu.memory_space<hbm>> -> memref<10000xi32, #tpu.memory_space<hbm>>
      %dma_start3A_127 = tpu.memref_slice %arg3[%mul3A_2] : memref<320000xi32, #tpu.memory_space<hbm>> -> memref<10000xi32, #tpu.memory_space<hbm>>
      tpu.enqueue_dma source(%dma_start3A_127 : memref<10000xi32, #tpu.memory_space<hbm>>) target(%arg7 : memref<10000xi32, #tpu.memory_space<vmem>>) target_semaphore(%run_scoped3A : memref<!tpu.dma_semaphore, #tpu.memory_space<semaphore_mem>>)
      %dma_wait3A_128 = tpu.memref_slice %arg3[%mul3A_2] : memref<320000xi32, #tpu.memory_space<hbm>> -> memref<10000xi32, #tpu.memory_space<hbm>>
      %dma_wait3A_129 = tpu.memref_slice %arg3[%mul3A_2] : memref<320000xi32, #tpu.memory_space<hbm>> -> memref<10000xi32, #tpu.memory_space<hbm>>
      tpu.wait_dma2 semaphore(%run_scoped3A : memref<!tpu.dma_semaphore, #tpu.memory_space<semaphore_mem>>) src(%dma_wait3A_129 : memref<10000xi32, #tpu.memory_space<hbm>>) dst(%arg7 : memref<10000xi32, #tpu.memory_space<vmem>>)
      tpu.yield
    }) : () -> ()
    "tpu.region"() ({
      %run_scoped3A = tpu.sem_alloc : memref<!tpu.dma_semaphore, #tpu.memory_space<semaphore_mem>>
      %dma_start3A_126 = tpu.memref_slice %arg4[%mul3A_2] : memref<320000xi32, #tpu.memory_space<hbm>> -> memref<10000xi32, #tpu.memory_space<hbm>>
      %dma_start3A_127 = tpu.memref_slice %arg4[%mul3A_2] : memref<320000xi32, #tpu.memory_space<hbm>> -> memref<10000xi32, #tpu.memory_space<hbm>>
      tpu.enqueue_dma source(%dma_start3A_127 : memref<10000xi32, #tpu.memory_space<hbm>>) target(%arg8 : memref<10000xi32, #tpu.memory_space<vmem>>) target_semaphore(%run_scoped3A : memref<!tpu.dma_semaphore, #tpu.memory_space<semaphore_mem>>)
      %dma_wait3A_128 = tpu.memref_slice %arg4[%mul3A_2] : memref<320000xi32, #tpu.memory_space<hbm>> -> memref<10000xi32, #tpu.memory_space<hbm>>
      %dma_wait3A_129 = tpu.memref_slice %arg4[%mul3A_2] : memref<320000xi32, #tpu.memory_space<hbm>> -> memref<10000xi32, #tpu.memory_space<hbm>>
      tpu.wait_dma2 semaphore(%run_scoped3A : memref<!tpu.dma_semaphore, #tpu.memory_space<semaphore_mem>>) src(%dma_wait3A_129 : memref<10000xi32, #tpu.memory_space<hbm>>) dst(%arg8 : memref<10000xi32, #tpu.memory_space<vmem>>)
      tpu.yield
    }) : () -> ()
    %broadcast_in_dim3A = arith.constant 0.000000e+00 : f32
    %broadcast_in_dim3A_3 = vector.broadcast %broadcast_in_dim3A : f32 to vector<16xf32>
    %scan3A = arith.constant 0 : i32
    %scan3A_4 = arith.constant 160 : i32
    %scan3A_5 = arith.addi %scan3A, %scan3A_4 : i32
    %scan3A_6 = arith.constant 4 : i32
    scf.for %scan3A_126 = %scan3A to %scan3A_5 step %scan3A_6  : i32 {
      %mul3A_127 = arith.constant 1 : i32
      %mul3A_128 = arith.muli %scan3A_126, %mul3A_127 : i32
      %add3A_129 = arith.constant 0 : i32
      %add3A_130 = arith.addi %add3A_129, %mul3A_128 : i32
      %swap3A = arith.index_cast %add3A_130 : i32 to index
      %swap3A_131 = arith.constant 0 : index
      %swap3A_132 = tpu.vector_load %arg12[%swap3A, %swap3A_131] {strides = array<i32>} : memref<160x64xf32, #tpu.memory_space<vmem>>, vector<1x16xf32>,
      %swap3A_133 = vector.shape_cast %swap3A_132 : vector<1x16xf32> to vector<16xf32>
      %swap3A_134 = vector.shape_cast %broadcast_in_dim3A_3 : vector<16xf32> to vector<1x16xf32>
      tpu.vector_store %arg12[%swap3A, %swap3A_131], %swap3A_134 {strides = array<i32>} : memref<160x64xf32, #tpu.memory_space<vmem>>, vector<1x16xf32>,
      %swap3A_135 = arith.index_cast %add3A_130 : i32 to index
      %swap3A_136 = arith.constant 16 : index
      %swap3A_137 = tpu.vector_load %arg12[%swap3A_135, %swap3A_136] {strides = array<i32>} : memref<160x64xf32, #tpu.memory_space<vmem>>, vector<1x16xf32>,
      %swap3A_138 = vector.shape_cast %swap3A_137 : vector<1x16xf32> to vector<16xf32>
      %swap3A_139 = vector.shape_cast %broadcast_in_dim3A_3 : vector<16xf32> to vector<1x16xf32>
      tpu.vector_store %arg12[%swap3A_135, %swap3A_136], %swap3A_139 {strides = array<i32>} : memref<160x64xf32, #tpu.memory_space<vmem>>, vector<1x16xf32>,
      %swap3A_140 = arith.index_cast %add3A_130 : i32 to index
      %swap3A_141 = arith.constant 32 : index
      %swap3A_142 = tpu.vector_load %arg12[%swap3A_140, %swap3A_141] {strides = array<i32>} : memref<160x64xf32, #tpu.memory_space<vmem>>, vector<1x16xf32>,
      %swap3A_143 = vector.shape_cast %swap3A_142 : vector<1x16xf32> to vector<16xf32>
      %swap3A_144 = vector.shape_cast %broadcast_in_dim3A_3 : vector<16xf32> to vector<1x16xf32>
      tpu.vector_store %arg12[%swap3A_140, %swap3A_141], %swap3A_144 {strides = array<i32>} : memref<160x64xf32, #tpu.memory_space<vmem>>, vector<1x16xf32>,
      %swap3A_145 = arith.index_cast %add3A_130 : i32 to index
      %swap3A_146 = arith.constant 48 : index
      %swap3A_147 = tpu.vector_load %arg12[%swap3A_145, %swap3A_146] {strides = array<i32>} : memref<160x64xf32, #tpu.memory_space<vmem>>, vector<1x16xf32>,
      %swap3A_148 = vector.shape_cast %swap3A_147 : vector<1x16xf32> to vector<16xf32>
      %swap3A_149 = vector.shape_cast %broadcast_in_dim3A_3 : vector<16xf32> to vector<1x16xf32>
      tpu.vector_store %arg12[%swap3A_145, %swap3A_146], %swap3A_149 {strides = array<i32>} : memref<160x64xf32, #tpu.memory_space<vmem>>, vector<1x16xf32>,
      %scan3A_150 = arith.constant 1 : i32
      %scan3A_151 = arith.addi %scan3A_126, %scan3A_150 : i32
      %mul3A_152 = arith.constant 1 : i32
      %mul3A_153 = arith.muli %scan3A_151, %mul3A_152 : i32
      %add3A_154 = arith.constant 0 : i32
      %add3A_155 = arith.addi %add3A_154, %mul3A_153 : i32
      %swap3A_156 = arith.index_cast %add3A_155 : i32 to index
      %swap3A_157 = arith.constant 0 : index
      %swap3A_158 = tpu.vector_load %arg12[%swap3A_156, %swap3A_157] {strides = array<i32>} : memref<160x64xf32, #tpu.memory_space<vmem>>, vector<1x16xf32>,
      %swap3A_159 = vector.shape_cast %swap3A_158 : vector<1x16xf32> to vector<16xf32>
      %swap3A_160 = vector.shape_cast %broadcast_in_dim3A_3 : vector<16xf32> to vector<1x16xf32>
      tpu.vector_store %arg12[%swap3A_156, %swap3A_157], %swap3A_160 {strides = array<i32>} : memref<160x64xf32, #tpu.memory_space<vmem>>, vector<1x16xf32>,
      %swap3A_161 = arith.index_cast %add3A_155 : i32 to index
      %swap3A_162 = arith.constant 16 : index
      %swap3A_163 = tpu.vector_load %arg12[%swap3A_161, %swap3A_162] {strides = array<i32>} : memref<160x64xf32, #tpu.memory_space<vmem>>, vector<1x16xf32>,
      %swap3A_164 = vector.shape_cast %swap3A_163 : vector<1x16xf32> to vector<16xf32>
      %swap3A_165 = vector.shape_cast %broadcast_in_dim3A_3 : vector<16xf32> to vector<1x16xf32>
      tpu.vector_store %arg12[%swap3A_161, %swap3A_162], %swap3A_165 {strides = array<i32>} : memref<160x64xf32, #tpu.memory_space<vmem>>, vector<1x16xf32>,
      %swap3A_166 = arith.index_cast %add3A_155 : i32 to index
      %swap3A_167 = arith.constant 32 : index
      %swap3A_168 = tpu.vector_load %arg12[%swap3A_166, %swap3A_167] {strides = array<i32>} : memref<160x64xf32, #tpu.memory_space<vmem>>, vector<1x16xf32>,
      %swap3A_169 = vector.shape_cast %swap3A_168 : vector<1x16xf32> to vector<16xf32>
      %swap3A_170 = vector.shape_cast %broadcast_in_dim3A_3 : vector<16xf32> to vector<1x16xf32>
      tpu.vector_store %arg12[%swap3A_166, %swap3A_167], %swap3A_170 {strides = array<i32>} : memref<160x64xf32, #tpu.memory_space<vmem>>, vector<1x16xf32>,
      %swap3A_171 = arith.index_cast %add3A_155 : i32 to index
      %swap3A_172 = arith.constant 48 : index
      %swap3A_173 = tpu.vector_load %arg12[%swap3A_171, %swap3A_172] {strides = array<i32>} : memref<160x64xf32, #tpu.memory_space<vmem>>, vector<1x16xf32>,
      %swap3A_174 = vector.shape_cast %swap3A_173 : vector<1x16xf32> to vector<16xf32>
      %swap3A_175 = vector.shape_cast %broadcast_in_dim3A_3 : vector<16xf32> to vector<1x16xf32>
      tpu.vector_store %arg12[%swap3A_171, %swap3A_172], %swap3A_175 {strides = array<i32>} : memref<160x64xf32, #tpu.memory_space<vmem>>, vector<1x16xf32>,
      %scan3A_176 = arith.constant 2 : i32
      %scan3A_177 = arith.addi %scan3A_126, %scan3A_176 : i32
      %mul3A_178 = arith.constant 1 : i32
      %mul3A_179 = arith.muli %scan3A_177, %mul3A_178 : i32
      %add3A_180 = arith.constant 0 : i32
      %add3A_181 = arith.addi %add3A_180, %mul3A_179 : i32
      %swap3A_182 = arith.index_cast %add3A_181 : i32 to index
      %swap3A_183 = arith.constant 0 : index
      %swap3A_184 = tpu.vector_load %arg12[%swap3A_182, %swap3A_183] {strides = array<i32>} : memref<160x64xf32, #tpu.memory_space<vmem>>, vector<1x16xf32>,
      %swap3A_185 = vector.shape_cast %swap3A_184 : vector<1x16xf32> to vector<16xf32>
      %swap3A_186 = vector.shape_cast %broadcast_in_dim3A_3 : vector<16xf32> to vector<1x16xf32>
      tpu.vector_store %arg12[%swap3A_182, %swap3A_183], %swap3A_186 {strides = array<i32>} : memref<160x64xf32, #tpu.memory_space<vmem>>, vector<1x16xf32>,
      %swap3A_187 = arith.index_cast %add3A_181 : i32 to index
      %swap3A_188 = arith.constant 16 : index
      %swap3A_189 = tpu.vector_load %arg12[%swap3A_187, %swap3A_188] {strides = array<i32>} : memref<160x64xf32, #tpu.memory_space<vmem>>, vector<1x16xf32>,
      %swap3A_190 = vector.shape_cast %swap3A_189 : vector<1x16xf32> to vector<16xf32>
      %swap3A_191 = vector.shape_cast %broadcast_in_dim3A_3 : vector<16xf32> to vector<1x16xf32>
      tpu.vector_store %arg12[%swap3A_187, %swap3A_188], %swap3A_191 {strides = array<i32>} : memref<160x64xf32, #tpu.memory_space<vmem>>, vector<1x16xf32>,
      %swap3A_192 = arith.index_cast %add3A_181 : i32 to index
      %swap3A_193 = arith.constant 32 : index
      %swap3A_194 = tpu.vector_load %arg12[%swap3A_192, %swap3A_193] {strides = array<i32>} : memref<160x64xf32, #tpu.memory_space<vmem>>, vector<1x16xf32>,
      %swap3A_195 = vector.shape_cast %swap3A_194 : vector<1x16xf32> to vector<16xf32>
      %swap3A_196 = vector.shape_cast %broadcast_in_dim3A_3 : vector<16xf32> to vector<1x16xf32>
      tpu.vector_store %arg12[%swap3A_192, %swap3A_193], %swap3A_196 {strides = array<i32>} : memref<160x64xf32, #tpu.memory_space<vmem>>, vector<1x16xf32>,
      %swap3A_197 = arith.index_cast %add3A_181 : i32 to index
      %swap3A_198 = arith.constant 48 : index
      %swap3A_199 = tpu.vector_load %arg12[%swap3A_197, %swap3A_198] {strides = array<i32>} : memref<160x64xf32, #tpu.memory_space<vmem>>, vector<1x16xf32>,
      %swap3A_200 = vector.shape_cast %swap3A_199 : vector<1x16xf32> to vector<16xf32>
      %swap3A_201 = vector.shape_cast %broadcast_in_dim3A_3 : vector<16xf32> to vector<1x16xf32>
      tpu.vector_store %arg12[%swap3A_197, %swap3A_198], %swap3A_201 {strides = array<i32>} : memref<160x64xf32, #tpu.memory_space<vmem>>, vector<1x16xf32>,
      %scan3A_202 = arith.constant 3 : i32
      %scan3A_203 = arith.addi %scan3A_126, %scan3A_202 : i32
      %mul3A_204 = arith.constant 1 : i32
      %mul3A_205 = arith.muli %scan3A_203, %mul3A_204 : i32
      %add3A_206 = arith.constant 0 : i32
      %add3A_207 = arith.addi %add3A_206, %mul3A_205 : i32
      %swap3A_208 = arith.index_cast %add3A_207 : i32 to index
      %swap3A_209 = arith.constant 0 : index
      %swap3A_210 = tpu.vector_load %arg12[%swap3A_208, %swap3A_209] {strides = array<i32>} : memref<160x64xf32, #tpu.memory_space<vmem>>, vector<1x16xf32>,
      %swap3A_211 = vector.shape_cast %swap3A_210 : vector<1x16xf32> to vector<16xf32>
      %swap3A_212 = vector.shape_cast %broadcast_in_dim3A_3 : vector<16xf32> to vector<1x16xf32>
      tpu.vector_store %arg12[%swap3A_208, %swap3A_209], %swap3A_212 {strides = array<i32>} : memref<160x64xf32, #tpu.memory_space<vmem>>, vector<1x16xf32>,
      %swap3A_213 = arith.index_cast %add3A_207 : i32 to index
      %swap3A_214 = arith.constant 16 : index
      %swap3A_215 = tpu.vector_load %arg12[%swap3A_213, %swap3A_214] {strides = array<i32>} : memref<160x64xf32, #tpu.memory_space<vmem>>, vector<1x16xf32>,
      %swap3A_216 = vector.shape_cast %swap3A_215 : vector<1x16xf32> to vector<16xf32>
      %swap3A_217 = vector.shape_cast %broadcast_in_dim3A_3 : vector<16xf32> to vector<1x16xf32>
      tpu.vector_store %arg12[%swap3A_213, %swap3A_214], %swap3A_217 {strides = array<i32>} : memref<160x64xf32, #tpu.memory_space<vmem>>, vector<1x16xf32>,
      %swap3A_218 = arith.index_cast %add3A_207 : i32 to index
      %swap3A_219 = arith.constant 32 : index
      %swap3A_220 = tpu.vector_load %arg12[%swap3A_218, %swap3A_219] {strides = array<i32>} : memref<160x64xf32, #tpu.memory_space<vmem>>, vector<1x16xf32>,
      %swap3A_221 = vector.shape_cast %swap3A_220 : vector<1x16xf32> to vector<16xf32>
      %swap3A_222 = vector.shape_cast %broadcast_in_dim3A_3 : vector<16xf32> to vector<1x16xf32>
      tpu.vector_store %arg12[%swap3A_218, %swap3A_219], %swap3A_222 {strides = array<i32>} : memref<160x64xf32, #tpu.memory_space<vmem>>, vector<1x16xf32>,
      %swap3A_223 = arith.index_cast %add3A_207 : i32 to index
      %swap3A_224 = arith.constant 48 : index
      %swap3A_225 = tpu.vector_load %arg12[%swap3A_223, %swap3A_224] {strides = array<i32>} : memref<160x64xf32, #tpu.memory_space<vmem>>, vector<1x16xf32>,
      %swap3A_226 = vector.shape_cast %swap3A_225 : vector<1x16xf32> to vector<16xf32>
      %swap3A_227 = vector.shape_cast %broadcast_in_dim3A_3 : vector<16xf32> to vector<1x16xf32>
      tpu.vector_store %arg12[%swap3A_223, %swap3A_224], %swap3A_227 {strides = array<i32>} : memref<160x64xf32, #tpu.memory_space<vmem>>, vector<1x16xf32>,
    }
    %scan3A_7 = arith.constant 160 : i32
    %broadcast_in_dim3A_8 = arith.constant 0.000000e+00 : f32
    %broadcast_in_dim3A_9 = vector.broadcast %broadcast_in_dim3A_8 : f32 to vector<16xf32>
    %scan3A_10 = arith.constant 0 : i32
    %scan3A_11 = arith.constant 640 : i32
    %scan3A_12 = arith.addi %scan3A_10, %scan3A_11 : i32
    %scan3A_13 = arith.constant 4 : i32
    scf.for %scan3A_126 = %scan3A_10 to %scan3A_12 step %scan3A_13  : i32 {
      %mul3A_127 = arith.constant 1 : i32
      %mul3A_128 = arith.muli %scan3A_126, %mul3A_127 : i32
      %add3A_129 = arith.constant 0 : i32
      %add3A_130 = arith.addi %add3A_129, %mul3A_128 : i32
      %swap3A = arith.index_cast %add3A_130 : i32 to index
      %swap3A_131 = arith.constant 0 : index
      %swap3A_132 = tpu.vector_load %arg13[%swap3A, %swap3A_131] {strides = array<i32>} : memref<640x16xf32, #tpu.memory_space<vmem>>, vector<1x16xf32>,
      %swap3A_133 = vector.shape_cast %swap3A_132 : vector<1x16xf32> to vector<16xf32>
      %swap3A_134 = vector.shape_cast %broadcast_in_dim3A_9 : vector<16xf32> to vector<1x16xf32>
      tpu.vector_store %arg13[%swap3A, %swap3A_131], %swap3A_134 {strides = array<i32>} : memref<640x16xf32, #tpu.memory_space<vmem>>, vector<1x16xf32>,
      %scan3A_135 = arith.constant 1 : i32
      %scan3A_136 = arith.addi %scan3A_126, %scan3A_135 : i32
      %mul3A_137 = arith.constant 1 : i32
      %mul3A_138 = arith.muli %scan3A_136, %mul3A_137 : i32
      %add3A_139 = arith.constant 0 : i32
      %add3A_140 = arith.addi %add3A_139, %mul3A_138 : i32
      %swap3A_141 = arith.index_cast %add3A_140 : i32 to index
      %swap3A_142 = arith.constant 0 : index
      %swap3A_143 = tpu.vector_load %arg13[%swap3A_141, %swap3A_142] {strides = array<i32>} : memref<640x16xf32, #tpu.memory_space<vmem>>, vector<1x16xf32>,
      %swap3A_144 = vector.shape_cast %swap3A_143 : vector<1x16xf32> to vector<16xf32>
      %swap3A_145 = vector.shape_cast %broadcast_in_dim3A_9 : vector<16xf32> to vector<1x16xf32>
      tpu.vector_store %arg13[%swap3A_141, %swap3A_142], %swap3A_145 {strides = array<i32>} : memref<640x16xf32, #tpu.memory_space<vmem>>, vector<1x16xf32>,
      %scan3A_146 = arith.constant 2 : i32
      %scan3A_147 = arith.addi %scan3A_126, %scan3A_146 : i32
      %mul3A_148 = arith.constant 1 : i32
      %mul3A_149 = arith.muli %scan3A_147, %mul3A_148 : i32
      %add3A_150 = arith.constant 0 : i32
      %add3A_151 = arith.addi %add3A_150, %mul3A_149 : i32
      %swap3A_152 = arith.index_cast %add3A_151 : i32 to index
      %swap3A_153 = arith.constant 0 : index
      %swap3A_154 = tpu.vector_load %arg13[%swap3A_152, %swap3A_153] {strides = array<i32>} : memref<640x16xf32, #tpu.memory_space<vmem>>, vector<1x16xf32>,
      %swap3A_155 = vector.shape_cast %swap3A_154 : vector<1x16xf32> to vector<16xf32>
      %swap3A_156 = vector.shape_cast %broadcast_in_dim3A_9 : vector<16xf32> to vector<1x16xf32>
      tpu.vector_store %arg13[%swap3A_152, %swap3A_153], %swap3A_156 {strides = array<i32>} : memref<640x16xf32, #tpu.memory_space<vmem>>, vector<1x16xf32>,
      %scan3A_157 = arith.constant 3 : i32
      %scan3A_158 = arith.addi %scan3A_126, %scan3A_157 : i32
      %mul3A_159 = arith.constant 1 : i32
      %mul3A_160 = arith.muli %scan3A_158, %mul3A_159 : i32
      %add3A_161 = arith.constant 0 : i32
      %add3A_162 = arith.addi %add3A_161, %mul3A_160 : i32
      %swap3A_163 = arith.index_cast %add3A_162 : i32 to index
      %swap3A_164 = arith.constant 0 : index
      %swap3A_165 = tpu.vector_load %arg13[%swap3A_163, %swap3A_164] {strides = array<i32>} : memref<640x16xf32, #tpu.memory_space<vmem>>, vector<1x16xf32>,
      %swap3A_166 = vector.shape_cast %swap3A_165 : vector<1x16xf32> to vector<16xf32>
      %swap3A_167 = vector.shape_cast %broadcast_in_dim3A_9 : vector<16xf32> to vector<1x16xf32>
      tpu.vector_store %arg13[%swap3A_163, %swap3A_164], %swap3A_167 {strides = array<i32>} : memref<640x16xf32, #tpu.memory_space<vmem>>, vector<1x16xf32>,
    }
    %scan3A_14 = arith.constant 640 : i32
    %broadcast_in_dim3A_15 = arith.constant 1.000000e+00 : f32
    %broadcast_in_dim3A_16 = vector.broadcast %broadcast_in_dim3A_15 : f32 to vector<16xf32>
    %scan3A_17 = arith.constant 0 : i32
    %scan3A_18 = arith.constant 80 : i32
    %scan3A_19 = arith.addi %scan3A_17, %scan3A_18 : i32
    %scan3A_20 = arith.constant 8 : i32
    scf.for %scan3A_126 = %scan3A_17 to %scan3A_19 step %scan3A_20  : i32 {
      %mul3A_127 = arith.constant 1 : i32
      %mul3A_128 = arith.muli %scan3A_126, %mul3A_127 : i32
      %add3A_129 = arith.constant 0 : i32
      %add3A_130 = arith.addi %add3A_129, %mul3A_128 : i32
      %swap3A = arith.index_cast %add3A_130 : i32 to index
      %swap3A_131 = arith.constant 0 : index
      %swap3A_132 = tpu.vector_load %arg11[%swap3A, %swap3A_131] {strides = array<i32>} : memref<80x16xf32, #tpu.memory_space<vmem>>, vector<1x16xf32>,
      %swap3A_133 = vector.shape_cast %swap3A_132 : vector<1x16xf32> to vector<16xf32>
      %swap3A_134 = vector.shape_cast %broadcast_in_dim3A_16 : vector<16xf32> to vector<1x16xf32>
      tpu.vector_store %arg11[%swap3A, %swap3A_131], %swap3A_134 {strides = array<i32>} : memref<80x16xf32, #tpu.memory_space<vmem>>, vector<1x16xf32>,
      %scan3A_135 = arith.constant 1 : i32
      %scan3A_136 = arith.addi %scan3A_126, %scan3A_135 : i32
      %mul3A_137 = arith.constant 1 : i32
      %mul3A_138 = arith.muli %scan3A_136, %mul3A_137 : i32
      %add3A_139 = arith.constant 0 : i32
      %add3A_140 = arith.addi %add3A_139, %mul3A_138 : i32
      %swap3A_141 = arith.index_cast %add3A_140 : i32 to index
      %swap3A_142 = arith.constant 0 : index
      %swap3A_143 = tpu.vector_load %arg11[%swap3A_141, %swap3A_142] {strides = array<i32>} : memref<80x16xf32, #tpu.memory_space<vmem>>, vector<1x16xf32>,
      %swap3A_144 = vector.shape_cast %swap3A_143 : vector<1x16xf32> to vector<16xf32>
      %swap3A_145 = vector.shape_cast %broadcast_in_dim3A_16 : vector<16xf32> to vector<1x16xf32>
      tpu.vector_store %arg11[%swap3A_141, %swap3A_142], %swap3A_145 {strides = array<i32>} : memref<80x16xf32, #tpu.memory_space<vmem>>, vector<1x16xf32>,
      %scan3A_146 = arith.constant 2 : i32
      %scan3A_147 = arith.addi %scan3A_126, %scan3A_146 : i32
      %mul3A_148 = arith.constant 1 : i32
      %mul3A_149 = arith.muli %scan3A_147, %mul3A_148 : i32
      %add3A_150 = arith.constant 0 : i32
      %add3A_151 = arith.addi %add3A_150, %mul3A_149 : i32
      %swap3A_152 = arith.index_cast %add3A_151 : i32 to index
      %swap3A_153 = arith.constant 0 : index
      %swap3A_154 = tpu.vector_load %arg11[%swap3A_152, %swap3A_153] {strides = array<i32>} : memref<80x16xf32, #tpu.memory_space<vmem>>, vector<1x16xf32>,
      %swap3A_155 = vector.shape_cast %swap3A_154 : vector<1x16xf32> to vector<16xf32>
      %swap3A_156 = vector.shape_cast %broadcast_in_dim3A_16 : vector<16xf32> to vector<1x16xf32>
      tpu.vector_store %arg11[%swap3A_152, %swap3A_153], %swap3A_156 {strides = array<i32>} : memref<80x16xf32, #tpu.memory_space<vmem>>, vector<1x16xf32>,
      %scan3A_157 = arith.constant 3 : i32
      %scan3A_158 = arith.addi %scan3A_126, %scan3A_157 : i32
      %mul3A_159 = arith.constant 1 : i32
      %mul3A_160 = arith.muli %scan3A_158, %mul3A_159 : i32
      %add3A_161 = arith.constant 0 : i32
      %add3A_162 = arith.addi %add3A_161, %mul3A_160 : i32
      %swap3A_163 = arith.index_cast %add3A_162 : i32 to index
      %swap3A_164 = arith.constant 0 : index
      %swap3A_165 = tpu.vector_load %arg11[%swap3A_163, %swap3A_164] {strides = array<i32>} : memref<80x16xf32, #tpu.memory_space<vmem>>, vector<1x16xf32>,
      %swap3A_166 = vector.shape_cast %swap3A_165 : vector<1x16xf32> to vector<16xf32>
      %swap3A_167 = vector.shape_cast %broadcast_in_dim3A_16 : vector<16xf32> to vector<1x16xf32>
      tpu.vector_store %arg11[%swap3A_163, %swap3A_164], %swap3A_167 {strides = array<i32>} : memref<80x16xf32, #tpu.memory_space<vmem>>, vector<1x16xf32>,
      %scan3A_168 = arith.constant 4 : i32
      %scan3A_169 = arith.addi %scan3A_126, %scan3A_168 : i32
      %mul3A_170 = arith.constant 1 : i32
      %mul3A_171 = arith.muli %scan3A_169, %mul3A_170 : i32
      %add3A_172 = arith.constant 0 : i32
      %add3A_173 = arith.addi %add3A_172, %mul3A_171 : i32
      %swap3A_174 = arith.index_cast %add3A_173 : i32 to index
      %swap3A_175 = arith.constant 0 : index
      %swap3A_176 = tpu.vector_load %arg11[%swap3A_174, %swap3A_175] {strides = array<i32>} : memref<80x16xf32, #tpu.memory_space<vmem>>, vector<1x16xf32>,
      %swap3A_177 = vector.shape_cast %swap3A_176 : vector<1x16xf32> to vector<16xf32>
      %swap3A_178 = vector.shape_cast %broadcast_in_dim3A_16 : vector<16xf32> to vector<1x16xf32>
      tpu.vector_store %arg11[%swap3A_174, %swap3A_175], %swap3A_178 {strides = array<i32>} : memref<80x16xf32, #tpu.memory_space<vmem>>, vector<1x16xf32>,
      %scan3A_179 = arith.constant 5 : i32
      %scan3A_180 = arith.addi %scan3A_126, %scan3A_179 : i32
      %mul3A_181 = arith.constant 1 : i32
      %mul3A_182 = arith.muli %scan3A_180, %mul3A_181 : i32
      %add3A_183 = arith.constant 0 : i32
      %add3A_184 = arith.addi %add3A_183, %mul3A_182 : i32
      %swap3A_185 = arith.index_cast %add3A_184 : i32 to index
      %swap3A_186 = arith.constant 0 : index
      %swap3A_187 = tpu.vector_load %arg11[%swap3A_185, %swap3A_186] {strides = array<i32>} : memref<80x16xf32, #tpu.memory_space<vmem>>, vector<1x16xf32>,
      %swap3A_188 = vector.shape_cast %swap3A_187 : vector<1x16xf32> to vector<16xf32>
      %swap3A_189 = vector.shape_cast %broadcast_in_dim3A_16 : vector<16xf32> to vector<1x16xf32>
      tpu.vector_store %arg11[%swap3A_185, %swap3A_186], %swap3A_189 {strides = array<i32>} : memref<80x16xf32, #tpu.memory_space<vmem>>, vector<1x16xf32>,
      %scan3A_190 = arith.constant 6 : i32
      %scan3A_191 = arith.addi %scan3A_126, %scan3A_190 : i32
      %mul3A_192 = arith.constant 1 : i32
      %mul3A_193 = arith.muli %scan3A_191, %mul3A_192 : i32
      %add3A_194 = arith.constant 0 : i32
      %add3A_195 = arith.addi %add3A_194, %mul3A_193 : i32
      %swap3A_196 = arith.index_cast %add3A_195 : i32 to index
      %swap3A_197 = arith.constant 0 : index
      %swap3A_198 = tpu.vector_load %arg11[%swap3A_196, %swap3A_197] {strides = array<i32>} : memref<80x16xf32, #tpu.memory_space<vmem>>, vector<1x16xf32>,
      %swap3A_199 = vector.shape_cast %swap3A_198 : vector<1x16xf32> to vector<16xf32>
      %swap3A_200 = vector.shape_cast %broadcast_in_dim3A_16 : vector<16xf32> to vector<1x16xf32>
      tpu.vector_store %arg11[%swap3A_196, %swap3A_197], %swap3A_200 {strides = array<i32>} : memref<80x16xf32, #tpu.memory_space<vmem>>, vector<1x16xf32>,
      %scan3A_201 = arith.constant 7 : i32
      %scan3A_202 = arith.addi %scan3A_126, %scan3A_201 : i32
      %mul3A_203 = arith.constant 1 : i32
      %mul3A_204 = arith.muli %scan3A_202, %mul3A_203 : i32
      %add3A_205 = arith.constant 0 : i32
      %add3A_206 = arith.addi %add3A_205, %mul3A_204 : i32
      %swap3A_207 = arith.index_cast %add3A_206 : i32 to index
      %swap3A_208 = arith.constant 0 : index
      %swap3A_209 = tpu.vector_load %arg11[%swap3A_207, %swap3A_208] {strides = array<i32>} : memref<80x16xf32, #tpu.memory_space<vmem>>, vector<1x16xf32>,
      %swap3A_210 = vector.shape_cast %swap3A_209 : vector<1x16xf32> to vector<16xf32>
      %swap3A_211 = vector.shape_cast %broadcast_in_dim3A_16 : vector<16xf32> to vector<1x16xf32>
      tpu.vector_store %arg11[%swap3A_207, %swap3A_208], %swap3A_211 {strides = array<i32>} : memref<80x16xf32, #tpu.memory_space<vmem>>, vector<1x16xf32>,
    }
    %scan3A_21 = arith.constant 80 : i32
    %mul3A_22 = arith.constant 640 : i32
    %mul3A_23 = arith.muli %arg1, %mul3A_22 : i32
    %add3A_24 = arith.constant 0 : i32
    %add3A_25 = arith.addi %mul3A_23, %add3A_24 : i32
    "tpu.region"() ({
      %run_scoped3A = tpu.sem_alloc : memref<!tpu.dma_semaphore, #tpu.memory_space<semaphore_mem>>
      %dma_start3A_126 = arith.constant 0 : i32
      %dma_start3A_127 = tpu.memref_slice %arg14[%add3A_25, %dma_start3A_126] : memref<10240x64xf32, #tpu.memory_space<vmem_shared>> -> memref<160x64xf32, #tpu.memory_space<vmem_shared>>
      %dma_start3A_128 = arith.constant 0 : i32
      %dma_start3A_129 = tpu.memref_slice %arg14[%add3A_25, %dma_start3A_128] : memref<10240x64xf32, #tpu.memory_space<vmem_shared>> -> memref<160x64xf32, #tpu.memory_space<vmem_shared>>
      tpu.enqueue_dma source(%arg12 : memref<160x64xf32, #tpu.memory_space<vmem>>) target(%dma_start3A_129 : memref<160x64xf32, #tpu.memory_space<vmem_shared>>) target_semaphore(%run_scoped3A : memref<!tpu.dma_semaphore, #tpu.memory_space<semaphore_mem>>)
      %dma_wait3A_130 = arith.constant 0 : i32
      %dma_wait3A_131 = tpu.memref_slice %arg14[%add3A_25, %dma_wait3A_130] : memref<10240x64xf32, #tpu.memory_space<vmem_shared>> -> memref<160x64xf32, #tpu.memory_space<vmem_shared>>
      %dma_wait3A_132 = arith.constant 0 : i32
      %dma_wait3A_133 = tpu.memref_slice %arg14[%add3A_25, %dma_wait3A_132] : memref<10240x64xf32, #tpu.memory_space<vmem_shared>> -> memref<160x64xf32, #tpu.memory_space<vmem_shared>>
      tpu.wait_dma2 semaphore(%run_scoped3A : memref<!tpu.dma_semaphore, #tpu.memory_space<semaphore_mem>>) src(%arg12 : memref<160x64xf32, #tpu.memory_space<vmem>>) dst(%dma_wait3A_133 : memref<160x64xf32, #tpu.memory_space<vmem_shared>>)
      tpu.yield
    }) : () -> ()
    %add3A_26 = arith.constant 160 : i32
    %add3A_27 = arith.addi %mul3A_23, %add3A_26 : i32
    "tpu.region"() ({
      %run_scoped3A = tpu.sem_alloc : memref<!tpu.dma_semaphore, #tpu.memory_space<semaphore_mem>>
      %dma_start3A_126 = arith.constant 0 : i32
      %dma_start3A_127 = tpu.memref_slice %arg14[%add3A_27, %dma_start3A_126] : memref<10240x64xf32, #tpu.memory_space<vmem_shared>> -> memref<160x64xf32, #tpu.memory_space<vmem_shared>>
      %dma_start3A_128 = arith.constant 0 : i32
      %dma_start3A_129 = tpu.memref_slice %arg14[%add3A_27, %dma_start3A_128] : memref<10240x64xf32, #tpu.memory_space<vmem_shared>> -> memref<160x64xf32, #tpu.memory_space<vmem_shared>>
      tpu.enqueue_dma source(%arg12 : memref<160x64xf32, #tpu.memory_space<vmem>>) target(%dma_start3A_129 : memref<160x64xf32, #tpu.memory_space<vmem_shared>>) target_semaphore(%run_scoped3A : memref<!tpu.dma_semaphore, #tpu.memory_space<semaphore_mem>>)
      %dma_wait3A_130 = arith.constant 0 : i32
      %dma_wait3A_131 = tpu.memref_slice %arg14[%add3A_27, %dma_wait3A_130] : memref<10240x64xf32, #tpu.memory_space<vmem_shared>> -> memref<160x64xf32, #tpu.memory_space<vmem_shared>>
      %dma_wait3A_132 = arith.constant 0 : i32
      %dma_wait3A_133 = tpu.memref_slice %arg14[%add3A_27, %dma_wait3A_132] : memref<10240x64xf32, #tpu.memory_space<vmem_shared>> -> memref<160x64xf32, #tpu.memory_space<vmem_shared>>
      tpu.wait_dma2 semaphore(%run_scoped3A : memref<!tpu.dma_semaphore, #tpu.memory_space<semaphore_mem>>) src(%arg12 : memref<160x64xf32, #tpu.memory_space<vmem>>) dst(%dma_wait3A_133 : memref<160x64xf32, #tpu.memory_space<vmem_shared>>)
      tpu.yield
    }) : () -> ()
    %add3A_28 = arith.constant 320 : i32
    %add3A_29 = arith.addi %mul3A_23, %add3A_28 : i32
    "tpu.region"() ({
      %run_scoped3A = tpu.sem_alloc : memref<!tpu.dma_semaphore, #tpu.memory_space<semaphore_mem>>
      %dma_start3A_126 = arith.constant 0 : i32
      %dma_start3A_127 = tpu.memref_slice %arg14[%add3A_29, %dma_start3A_126] : memref<10240x64xf32, #tpu.memory_space<vmem_shared>> -> memref<160x64xf32, #tpu.memory_space<vmem_shared>>
      %dma_start3A_128 = arith.constant 0 : i32
      %dma_start3A_129 = tpu.memref_slice %arg14[%add3A_29, %dma_start3A_128] : memref<10240x64xf32, #tpu.memory_space<vmem_shared>> -> memref<160x64xf32, #tpu.memory_space<vmem_shared>>
      tpu.enqueue_dma source(%arg12 : memref<160x64xf32, #tpu.memory_space<vmem>>) target(%dma_start3A_129 : memref<160x64xf32, #tpu.memory_space<vmem_shared>>) target_semaphore(%run_scoped3A : memref<!tpu.dma_semaphore, #tpu.memory_space<semaphore_mem>>)
      %dma_wait3A_130 = arith.constant 0 : i32
      %dma_wait3A_131 = tpu.memref_slice %arg14[%add3A_29, %dma_wait3A_130] : memref<10240x64xf32, #tpu.memory_space<vmem_shared>> -> memref<160x64xf32, #tpu.memory_space<vmem_shared>>
      %dma_wait3A_132 = arith.constant 0 : i32
      %dma_wait3A_133 = tpu.memref_slice %arg14[%add3A_29, %dma_wait3A_132] : memref<10240x64xf32, #tpu.memory_space<vmem_shared>> -> memref<160x64xf32, #tpu.memory_space<vmem_shared>>
      tpu.wait_dma2 semaphore(%run_scoped3A : memref<!tpu.dma_semaphore, #tpu.memory_space<semaphore_mem>>) src(%arg12 : memref<160x64xf32, #tpu.memory_space<vmem>>) dst(%dma_wait3A_133 : memref<160x64xf32, #tpu.memory_space<vmem_shared>>)
      tpu.yield
    }) : () -> ()
    %add3A_30 = arith.constant 480 : i32
    %add3A_31 = arith.addi %mul3A_23, %add3A_30 : i32
    "tpu.region"() ({
      %run_scoped3A = tpu.sem_alloc : memref<!tpu.dma_semaphore, #tpu.memory_space<semaphore_mem>>
      %dma_start3A_126 = arith.constant 0 : i32
      %dma_start3A_127 = tpu.memref_slice %arg14[%add3A_31, %dma_start3A_126] : memref<10240x64xf32, #tpu.memory_space<vmem_shared>> -> memref<160x64xf32, #tpu.memory_space<vmem_shared>>
      %dma_start3A_128 = arith.constant 0 : i32
      %dma_start3A_129 = tpu.memref_slice %arg14[%add3A_31, %dma_start3A_128] : memref<10240x64xf32, #tpu.memory_space<vmem_shared>> -> memref<160x64xf32, #tpu.memory_space<vmem_shared>>
      tpu.enqueue_dma source(%arg12 : memref<160x64xf32, #tpu.memory_space<vmem>>) target(%dma_start3A_129 : memref<160x64xf32, #tpu.memory_space<vmem_shared>>) target_semaphore(%run_scoped3A : memref<!tpu.dma_semaphore, #tpu.memory_space<semaphore_mem>>)
      %dma_wait3A_130 = arith.constant 0 : i32
      %dma_wait3A_131 = tpu.memref_slice %arg14[%add3A_31, %dma_wait3A_130] : memref<10240x64xf32, #tpu.memory_space<vmem_shared>> -> memref<160x64xf32, #tpu.memory_space<vmem_shared>>
      %dma_wait3A_132 = arith.constant 0 : i32
      %dma_wait3A_133 = tpu.memref_slice %arg14[%add3A_31, %dma_wait3A_132] : memref<10240x64xf32, #tpu.memory_space<vmem_shared>> -> memref<160x64xf32, #tpu.memory_space<vmem_shared>>
      tpu.wait_dma2 semaphore(%run_scoped3A : memref<!tpu.dma_semaphore, #tpu.memory_space<semaphore_mem>>) src(%arg12 : memref<160x64xf32, #tpu.memory_space<vmem>>) dst(%dma_wait3A_133 : memref<160x64xf32, #tpu.memory_space<vmem_shared>>)
      tpu.yield
    }) : () -> ()
    "tpu.region"() ({
      %run_scoped3A = tpu.sem_alloc : memref<!tpu.dma_semaphore, #tpu.memory_space<semaphore_mem>>
      %dma_start3A_126 = arith.constant 0 : i32
      %dma_start3A_127 = tpu.memref_slice %arg15[%mul3A_23, %dma_start3A_126] : memref<10240x16xf32, #tpu.memory_space<vmem_shared>> -> memref<640x16xf32, #tpu.memory_space<vmem_shared>>
      %dma_start3A_128 = arith.constant 0 : i32
      %dma_start3A_129 = tpu.memref_slice %arg15[%mul3A_23, %dma_start3A_128] : memref<10240x16xf32, #tpu.memory_space<vmem_shared>> -> memref<640x16xf32, #tpu.memory_space<vmem_shared>>
      tpu.enqueue_dma source(%arg13 : memref<640x16xf32, #tpu.memory_space<vmem>>) target(%dma_start3A_129 : memref<640x16xf32, #tpu.memory_space<vmem_shared>>) target_semaphore(%run_scoped3A : memref<!tpu.dma_semaphore, #tpu.memory_space<semaphore_mem>>)
      %dma_wait3A_130 = arith.constant 0 : i32
      %dma_wait3A_131 = tpu.memref_slice %arg15[%mul3A_23, %dma_wait3A_130] : memref<10240x16xf32, #tpu.memory_space<vmem_shared>> -> memref<640x16xf32, #tpu.memory_space<vmem_shared>>
      %dma_wait3A_132 = arith.constant 0 : i32
      %dma_wait3A_133 = tpu.memref_slice %arg15[%mul3A_23, %dma_wait3A_132] : memref<10240x16xf32, #tpu.memory_space<vmem_shared>> -> memref<640x16xf32, #tpu.memory_space<vmem_shared>>
      tpu.wait_dma2 semaphore(%run_scoped3A : memref<!tpu.dma_semaphore, #tpu.memory_space<semaphore_mem>>) src(%arg13 : memref<640x16xf32, #tpu.memory_space<vmem>>) dst(%dma_wait3A_133 : memref<640x16xf32, #tpu.memory_space<vmem_shared>>)
      tpu.yield
    }) : () -> ()
    %barrier3A = arith.constant 0 : index
    tpu.barrier barrier_id(%barrier3A)
    %dma_start3A = arith.constant 0 : i32
    %dma_start3A_32 = tpu.memref_slice %arg7[%dma_start3A] : memref<10000xi32, #tpu.memory_space<vmem>> -> memref<80xi32, #tpu.memory_space<vmem>>
    %dma_start3A_33 = arith.constant 0 : i32
    %dma_start3A_34 = arith.constant 0 : i32
    %dma_start3A_35 = tpu.memref_slice %arg2[%dma_start3A_33, %dma_start3A_34] : memref<10000x64xf32, #tpu.memory_space<hbm>> -> memref<10000x64xf32, #tpu.memory_space<hbm>>
    tpu.enqueue_indirect_dma source(%dma_start3A_35 : memref<10000x64xf32, #tpu.memory_space<hbm>>) target(%arg9 : memref<80x64xf32, #tpu.memory_space<vmem>>) offsets(%dma_start3A_32 : memref<80xi32, #tpu.memory_space<vmem>>) semaphore(%arg16 : memref<!tpu.dma_semaphore, #tpu.memory_space<semaphore_mem>>)
    %dma_start3A_36 = arith.constant 80 : i32
    %dma_start3A_37 = tpu.memref_slice %arg7[%dma_start3A_36] : memref<10000xi32, #tpu.memory_space<vmem>> -> memref<80xi32, #tpu.memory_space<vmem>>
    %dma_start3A_38 = arith.constant 0 : i32
    %dma_start3A_39 = arith.constant 0 : i32
    %dma_start3A_40 = tpu.memref_slice %arg2[%dma_start3A_38, %dma_start3A_39] : memref<10000x64xf32, #tpu.memory_space<hbm>> -> memref<10000x64xf32, #tpu.memory_space<hbm>>
    tpu.enqueue_indirect_dma source(%dma_start3A_40 : memref<10000x64xf32, #tpu.memory_space<hbm>>) target(%arg10 : memref<80x64xf32, #tpu.memory_space<vmem>>) offsets(%dma_start3A_37 : memref<80xi32, #tpu.memory_space<vmem>>) semaphore(%arg17 : memref<!tpu.dma_semaphore, #tpu.memory_space<semaphore_mem>>)
    %scan3A_41 = arith.constant 0 : i32
    %scan3A_42 = arith.constant 61 : i32
    %scan3A_43 = arith.addi %scan3A_41, %scan3A_42 : i32
    %scan3A_44 = arith.constant 1 : i32
    scf.for %scan3A_126 = %scan3A_41 to %scan3A_43 step %scan3A_44  : i32 {
      %mul3A_127 = arith.constant 1 : i32
      %mul3A_128 = arith.muli %scan3A_126, %mul3A_127 : i32
      %add3A_129 = arith.constant 0 : i32
      %add3A_130 = arith.addi %add3A_129, %mul3A_128 : i32
      %mul3A_131 = arith.constant 2 : i32
      %mul3A_132 = arith.muli %mul3A_131, %add3A_130 : i32
      %dma_wait3A_133 = arith.constant 0 : i32
      %dma_wait3A_134 = tpu.memref_slice %arg7[%dma_wait3A_133] : memref<10000xi32, #tpu.memory_space<vmem>> -> memref<80xi32, #tpu.memory_space<vmem>>
      %dma_wait3A_135 = arith.constant 0 : i32
      %dma_wait3A_136 = arith.constant 0 : i32
      %dma_wait3A_137 = tpu.memref_slice %arg2[%dma_wait3A_135, %dma_wait3A_136] : memref<10000x64xf32, #tpu.memory_space<hbm>> -> memref<10000x64xf32, #tpu.memory_space<hbm>>
      tpu.wait_indirect_dma semaphore(%arg16 : memref<!tpu.dma_semaphore, #tpu.memory_space<semaphore_mem>>) src(%dma_wait3A_137 : memref<10000x64xf32, #tpu.memory_space<hbm>>) dst(%arg9 : memref<80x64xf32, #tpu.memory_space<vmem>>)
      %mul3A_138 = arith.constant 80 : i32
      %mul3A_139 = arith.muli %mul3A_132, %mul3A_138 : i32
      %dma_start3A_140 = tpu.memref_slice %arg8[%mul3A_139] : memref<10000xi32, #tpu.memory_space<vmem>> -> memref<80xi32, #tpu.memory_space<vmem>>
      %dma_start3A_141 = arith.constant 0 : i32
      %dma_start3A_142 = arith.constant 0 : i32
      %dma_start3A_143 = tpu.memref_slice %arg14[%dma_start3A_141, %dma_start3A_142] : memref<10240x64xf32, #tpu.memory_space<vmem_shared>> -> memref<10240x64xf32, #tpu.memory_space<vmem_shared>>
      tpu.enqueue_indirect_dma source(%arg9 : memref<80x64xf32, #tpu.memory_space<vmem>>) target(%dma_start3A_143 : memref<10240x64xf32, #tpu.memory_space<vmem_shared>>) offsets(%dma_start3A_140 : memref<80xi32, #tpu.memory_space<vmem>>) semaphore(%arg18 : memref<!tpu.dma_semaphore, #tpu.memory_space<semaphore_mem>>) {add = true}
      %dma_start3A_144 = tpu.memref_slice %arg8[%mul3A_139] : memref<10000xi32, #tpu.memory_space<vmem>> -> memref<80xi32, #tpu.memory_space<vmem>>
      %dma_start3A_145 = arith.constant 0 : i32
      %dma_start3A_146 = arith.constant 0 : i32
      %dma_start3A_147 = tpu.memref_slice %arg15[%dma_start3A_145, %dma_start3A_146] : memref<10240x16xf32, #tpu.memory_space<vmem_shared>> -> memref<10240x16xf32, #tpu.memory_space<vmem_shared>>
      tpu.enqueue_indirect_dma source(%arg11 : memref<80x16xf32, #tpu.memory_space<vmem>>) target(%dma_start3A_147 : memref<10240x16xf32, #tpu.memory_space<vmem_shared>>) offsets(%dma_start3A_144 : memref<80xi32, #tpu.memory_space<vmem>>) semaphore(%arg18 : memref<!tpu.dma_semaphore, #tpu.memory_space<semaphore_mem>>) {add = true}
      %dma_wait3A_148 = arith.constant 0 : i32
      %dma_wait3A_149 = tpu.memref_slice %arg7[%dma_wait3A_148] : memref<10000xi32, #tpu.memory_space<vmem>> -> memref<80xi32, #tpu.memory_space<vmem>>
      %dma_wait3A_150 = arith.constant 0 : i32
      %dma_wait3A_151 = arith.constant 0 : i32
      %dma_wait3A_152 = tpu.memref_slice %arg2[%dma_wait3A_150, %dma_wait3A_151] : memref<10000x64xf32, #tpu.memory_space<hbm>> -> memref<10000x64xf32, #tpu.memory_space<hbm>>
      tpu.wait_indirect_dma semaphore(%arg17 : memref<!tpu.dma_semaphore, #tpu.memory_space<semaphore_mem>>) src(%dma_wait3A_152 : memref<10000x64xf32, #tpu.memory_space<hbm>>) dst(%arg10 : memref<80x64xf32, #tpu.memory_space<vmem>>)
      %add3A_153 = arith.constant 1 : i32
      %add3A_154 = arith.addi %mul3A_132, %add3A_153 : i32
      %mul3A_155 = arith.constant 80 : i32
      %mul3A_156 = arith.muli %add3A_154, %mul3A_155 : i32
      %dma_start3A_157 = tpu.memref_slice %arg8[%mul3A_156] : memref<10000xi32, #tpu.memory_space<vmem>> -> memref<80xi32, #tpu.memory_space<vmem>>
      %dma_start3A_158 = arith.constant 0 : i32
      %dma_start3A_159 = arith.constant 0 : i32
      %dma_start3A_160 = tpu.memref_slice %arg14[%dma_start3A_158, %dma_start3A_159] : memref<10240x64xf32, #tpu.memory_space<vmem_shared>> -> memref<10240x64xf32, #tpu.memory_space<vmem_shared>>
      tpu.enqueue_indirect_dma source(%arg10 : memref<80x64xf32, #tpu.memory_space<vmem>>) target(%dma_start3A_160 : memref<10240x64xf32, #tpu.memory_space<vmem_shared>>) offsets(%dma_start3A_157 : memref<80xi32, #tpu.memory_space<vmem>>) semaphore(%arg19 : memref<!tpu.dma_semaphore, #tpu.memory_space<semaphore_mem>>) {add = true}
      %dma_start3A_161 = tpu.memref_slice %arg8[%mul3A_156] : memref<10000xi32, #tpu.memory_space<vmem>> -> memref<80xi32, #tpu.memory_space<vmem>>
      %dma_start3A_162 = arith.constant 0 : i32
      %dma_start3A_163 = arith.constant 0 : i32
      %dma_start3A_164 = tpu.memref_slice %arg15[%dma_start3A_162, %dma_start3A_163] : memref<10240x16xf32, #tpu.memory_space<vmem_shared>> -> memref<10240x16xf32, #tpu.memory_space<vmem_shared>>
      tpu.enqueue_indirect_dma source(%arg11 : memref<80x16xf32, #tpu.memory_space<vmem>>) target(%dma_start3A_164 : memref<10240x16xf32, #tpu.memory_space<vmem_shared>>) offsets(%dma_start3A_161 : memref<80xi32, #tpu.memory_space<vmem>>) semaphore(%arg19 : memref<!tpu.dma_semaphore, #tpu.memory_space<semaphore_mem>>) {add = true}
      %dma_wait3A_165 = arith.constant 0 : i32
      %dma_wait3A_166 = tpu.memref_slice %arg8[%dma_wait3A_165] : memref<10000xi32, #tpu.memory_space<vmem>> -> memref<80xi32, #tpu.memory_space<vmem>>
      %dma_wait3A_167 = arith.constant 0 : i32
      %dma_wait3A_168 = arith.constant 0 : i32
      %dma_wait3A_169 = tpu.memref_slice %arg14[%dma_wait3A_167, %dma_wait3A_168] : memref<10240x64xf32, #tpu.memory_space<vmem_shared>> -> memref<10240x64xf32, #tpu.memory_space<vmem_shared>>
      tpu.wait_indirect_dma semaphore(%arg18 : memref<!tpu.dma_semaphore, #tpu.memory_space<semaphore_mem>>) src(%arg9 : memref<80x64xf32, #tpu.memory_space<vmem>>) dst(%dma_wait3A_169 : memref<10240x64xf32, #tpu.memory_space<vmem_shared>>)
      %dma_wait3A_170 = arith.constant 0 : i32
      %dma_wait3A_171 = tpu.memref_slice %arg8[%dma_wait3A_170] : memref<10000xi32, #tpu.memory_space<vmem>> -> memref<80xi32, #tpu.memory_space<vmem>>
      %dma_wait3A_172 = arith.constant 0 : i32
      %dma_wait3A_173 = arith.constant 0 : i32
      %dma_wait3A_174 = tpu.memref_slice %arg15[%dma_wait3A_172, %dma_wait3A_173] : memref<10240x16xf32, #tpu.memory_space<vmem_shared>> -> memref<10240x16xf32, #tpu.memory_space<vmem_shared>>
      tpu.wait_indirect_dma semaphore(%arg18 : memref<!tpu.dma_semaphore, #tpu.memory_space<semaphore_mem>>) src(%arg11 : memref<80x16xf32, #tpu.memory_space<vmem>>) dst(%dma_wait3A_174 : memref<10240x16xf32, #tpu.memory_space<vmem_shared>>)
      %add3A_175 = arith.constant 2 : i32
      %add3A_176 = arith.addi %mul3A_132, %add3A_175 : i32
      %mul3A_177 = arith.constant 80 : i32
      %mul3A_178 = arith.muli %add3A_176, %mul3A_177 : i32
      %dma_start3A_179 = tpu.memref_slice %arg7[%mul3A_178] : memref<10000xi32, #tpu.memory_space<vmem>> -> memref<80xi32, #tpu.memory_space<vmem>>
      %dma_start3A_180 = arith.constant 0 : i32
      %dma_start3A_181 = arith.constant 0 : i32
      %dma_start3A_182 = tpu.memref_slice %arg2[%dma_start3A_180, %dma_start3A_181] : memref<10000x64xf32, #tpu.memory_space<hbm>> -> memref<10000x64xf32, #tpu.memory_space<hbm>>
      tpu.enqueue_indirect_dma source(%dma_start3A_182 : memref<10000x64xf32, #tpu.memory_space<hbm>>) target(%arg9 : memref<80x64xf32, #tpu.memory_space<vmem>>) offsets(%dma_start3A_179 : memref<80xi32, #tpu.memory_space<vmem>>) semaphore(%arg16 : memref<!tpu.dma_semaphore, #tpu.memory_space<semaphore_mem>>)
      %dma_wait3A_183 = arith.constant 0 : i32
      %dma_wait3A_184 = tpu.memref_slice %arg8[%dma_wait3A_183] : memref<10000xi32, #tpu.memory_space<vmem>> -> memref<80xi32, #tpu.memory_space<vmem>>
      %dma_wait3A_185 = arith.constant 0 : i32
      %dma_wait3A_186 = arith.constant 0 : i32
      %dma_wait3A_187 = tpu.memref_slice %arg14[%dma_wait3A_185, %dma_wait3A_186] : memref<10240x64xf32, #tpu.memory_space<vmem_shared>> -> memref<10240x64xf32, #tpu.memory_space<vmem_shared>>
      tpu.wait_indirect_dma semaphore(%arg19 : memref<!tpu.dma_semaphore, #tpu.memory_space<semaphore_mem>>) src(%arg10 : memref<80x64xf32, #tpu.memory_space<vmem>>) dst(%dma_wait3A_187 : memref<10240x64xf32, #tpu.memory_space<vmem_shared>>)
      %dma_wait3A_188 = arith.constant 0 : i32
      %dma_wait3A_189 = tpu.memref_slice %arg8[%dma_wait3A_188] : memref<10000xi32, #tpu.memory_space<vmem>> -> memref<80xi32, #tpu.memory_space<vmem>>
      %dma_wait3A_190 = arith.constant 0 : i32
      %dma_wait3A_191 = arith.constant 0 : i32
      %dma_wait3A_192 = tpu.memref_slice %arg15[%dma_wait3A_190, %dma_wait3A_191] : memref<10240x16xf32, #tpu.memory_space<vmem_shared>> -> memref<10240x16xf32, #tpu.memory_space<vmem_shared>>
      tpu.wait_indirect_dma semaphore(%arg19 : memref<!tpu.dma_semaphore, #tpu.memory_space<semaphore_mem>>) src(%arg11 : memref<80x16xf32, #tpu.memory_space<vmem>>) dst(%dma_wait3A_192 : memref<10240x16xf32, #tpu.memory_space<vmem_shared>>)
      %add3A_193 = arith.constant 3 : i32
      %add3A_194 = arith.addi %mul3A_132, %add3A_193 : i32
      %mul3A_195 = arith.constant 80 : i32
      %mul3A_196 = arith.muli %add3A_194, %mul3A_195 : i32
      %dma_start3A_197 = tpu.memref_slice %arg7[%mul3A_196] : memref<10000xi32, #tpu.memory_space<vmem>> -> memref<80xi32, #tpu.memory_space<vmem>>
      %dma_start3A_198 = arith.constant 0 : i32
      %dma_start3A_199 = arith.constant 0 : i32
      %dma_start3A_200 = tpu.memref_slice %arg2[%dma_start3A_198, %dma_start3A_199] : memref<10000x64xf32, #tpu.memory_space<hbm>> -> memref<10000x64xf32, #tpu.memory_space<hbm>>
      tpu.enqueue_indirect_dma source(%dma_start3A_200 : memref<10000x64xf32, #tpu.memory_space<hbm>>) target(%arg10 : memref<80x64xf32, #tpu.memory_space<vmem>>) offsets(%dma_start3A_197 : memref<80xi32, #tpu.memory_space<vmem>>) semaphore(%arg17 : memref<!tpu.dma_semaphore, #tpu.memory_space<semaphore_mem>>)
    }
    %scan3A_45 = arith.constant 61 : i32
    %dma_wait3A = arith.constant 0 : i32
    %dma_wait3A_46 = tpu.memref_slice %arg7[%dma_wait3A] : memref<10000xi32, #tpu.memory_space<vmem>> -> memref<80xi32, #tpu.memory_space<vmem>>
    %dma_wait3A_47 = arith.constant 0 : i32
    %dma_wait3A_48 = arith.constant 0 : i32
    %dma_wait3A_49 = tpu.memref_slice %arg2[%dma_wait3A_47, %dma_wait3A_48] : memref<10000x64xf32, #tpu.memory_space<hbm>> -> memref<10000x64xf32, #tpu.memory_space<hbm>>
    tpu.wait_indirect_dma semaphore(%arg16 : memref<!tpu.dma_semaphore, #tpu.memory_space<semaphore_mem>>) src(%dma_wait3A_49 : memref<10000x64xf32, #tpu.memory_space<hbm>>) dst(%arg9 : memref<80x64xf32, #tpu.memory_space<vmem>>)
    %dma_start3A_50 = arith.constant 9760 : i32
    %dma_start3A_51 = tpu.memref_slice %arg8[%dma_start3A_50] : memref<10000xi32, #tpu.memory_space<vmem>> -> memref<80xi32, #tpu.memory_space<vmem>>
    %dma_start3A_52 = arith.constant 0 : i32
    %dma_start3A_53 = arith.constant 0 : i32
    %dma_start3A_54 = tpu.memref_slice %arg14[%dma_start3A_52, %dma_start3A_53] : memref<10240x64xf32, #tpu.memory_space<vmem_shared>> -> memref<10240x64xf32, #tpu.memory_space<vmem_shared>>
    tpu.enqueue_indirect_dma source(%arg9 : memref<80x64xf32, #tpu.memory_space<vmem>>) target(%dma_start3A_54 : memref<10240x64xf32, #tpu.memory_space<vmem_shared>>) offsets(%dma_start3A_51 : memref<80xi32, #tpu.memory_space<vmem>>) semaphore(%arg18 : memref<!tpu.dma_semaphore, #tpu.memory_space<semaphore_mem>>) {add = true}
    %dma_start3A_55 = arith.constant 9760 : i32
    %dma_start3A_56 = tpu.memref_slice %arg8[%dma_start3A_55] : memref<10000xi32, #tpu.memory_space<vmem>> -> memref<80xi32, #tpu.memory_space<vmem>>
    %dma_start3A_57 = arith.constant 0 : i32
    %dma_start3A_58 = arith.constant 0 : i32
    %dma_start3A_59 = tpu.memref_slice %arg15[%dma_start3A_57, %dma_start3A_58] : memref<10240x16xf32, #tpu.memory_space<vmem_shared>> -> memref<10240x16xf32, #tpu.memory_space<vmem_shared>>
    tpu.enqueue_indirect_dma source(%arg11 : memref<80x16xf32, #tpu.memory_space<vmem>>) target(%dma_start3A_59 : memref<10240x16xf32, #tpu.memory_space<vmem_shared>>) offsets(%dma_start3A_56 : memref<80xi32, #tpu.memory_space<vmem>>) semaphore(%arg18 : memref<!tpu.dma_semaphore, #tpu.memory_space<semaphore_mem>>) {add = true}
    %dma_wait3A_60 = arith.constant 0 : i32
    %dma_wait3A_61 = tpu.memref_slice %arg8[%dma_wait3A_60] : memref<10000xi32, #tpu.memory_space<vmem>> -> memref<80xi32, #tpu.memory_space<vmem>>
    %dma_wait3A_62 = arith.constant 0 : i32
    %dma_wait3A_63 = arith.constant 0 : i32
    %dma_wait3A_64 = tpu.memref_slice %arg14[%dma_wait3A_62, %dma_wait3A_63] : memref<10240x64xf32, #tpu.memory_space<vmem_shared>> -> memref<10240x64xf32, #tpu.memory_space<vmem_shared>>
    tpu.wait_indirect_dma semaphore(%arg18 : memref<!tpu.dma_semaphore, #tpu.memory_space<semaphore_mem>>) src(%arg9 : memref<80x64xf32, #tpu.memory_space<vmem>>) dst(%dma_wait3A_64 : memref<10240x64xf32, #tpu.memory_space<vmem_shared>>)
    %dma_wait3A_65 = arith.constant 0 : i32
    %dma_wait3A_66 = tpu.memref_slice %arg8[%dma_wait3A_65] : memref<10000xi32, #tpu.memory_space<vmem>> -> memref<80xi32, #tpu.memory_space<vmem>>
    %dma_wait3A_67 = arith.constant 0 : i32
    %dma_wait3A_68 = arith.constant 0 : i32
    %dma_wait3A_69 = tpu.memref_slice %arg15[%dma_wait3A_67, %dma_wait3A_68] : memref<10240x16xf32, #tpu.memory_space<vmem_shared>> -> memref<10240x16xf32, #tpu.memory_space<vmem_shared>>
    tpu.wait_indirect_dma semaphore(%arg18 : memref<!tpu.dma_semaphore, #tpu.memory_space<semaphore_mem>>) src(%arg11 : memref<80x16xf32, #tpu.memory_space<vmem>>) dst(%dma_wait3A_69 : memref<10240x16xf32, #tpu.memory_space<vmem_shared>>)
    %dma_start3A_70 = arith.constant 9920 : i32
    %dma_start3A_71 = tpu.memref_slice %arg7[%dma_start3A_70] : memref<10000xi32, #tpu.memory_space<vmem>> -> memref<80xi32, #tpu.memory_space<vmem>>
    %dma_start3A_72 = arith.constant 0 : i32
    %dma_start3A_73 = arith.constant 0 : i32
    %dma_start3A_74 = tpu.memref_slice %arg2[%dma_start3A_72, %dma_start3A_73] : memref<10000x64xf32, #tpu.memory_space<hbm>> -> memref<10000x64xf32, #tpu.memory_space<hbm>>
    tpu.enqueue_indirect_dma source(%dma_start3A_74 : memref<10000x64xf32, #tpu.memory_space<hbm>>) target(%arg9 : memref<80x64xf32, #tpu.memory_space<vmem>>) offsets(%dma_start3A_71 : memref<80xi32, #tpu.memory_space<vmem>>) semaphore(%arg16 : memref<!tpu.dma_semaphore, #tpu.memory_space<semaphore_mem>>)
    %dma_wait3A_75 = arith.constant 0 : i32
    %dma_wait3A_76 = tpu.memref_slice %arg7[%dma_wait3A_75] : memref<10000xi32, #tpu.memory_space<vmem>> -> memref<80xi32, #tpu.memory_space<vmem>>
    %dma_wait3A_77 = arith.constant 0 : i32
    %dma_wait3A_78 = arith.constant 0 : i32
    %dma_wait3A_79 = tpu.memref_slice %arg2[%dma_wait3A_77, %dma_wait3A_78] : memref<10000x64xf32, #tpu.memory_space<hbm>> -> memref<10000x64xf32, #tpu.memory_space<hbm>>
    tpu.wait_indirect_dma semaphore(%arg17 : memref<!tpu.dma_semaphore, #tpu.memory_space<semaphore_mem>>) src(%dma_wait3A_79 : memref<10000x64xf32, #tpu.memory_space<hbm>>) dst(%arg10 : memref<80x64xf32, #tpu.memory_space<vmem>>)
    %dma_start3A_80 = arith.constant 9840 : i32
    %dma_start3A_81 = tpu.memref_slice %arg8[%dma_start3A_80] : memref<10000xi32, #tpu.memory_space<vmem>> -> memref<80xi32, #tpu.memory_space<vmem>>
    %dma_start3A_82 = arith.constant 0 : i32
    %dma_start3A_83 = arith.constant 0 : i32
    %dma_start3A_84 = tpu.memref_slice %arg14[%dma_start3A_82, %dma_start3A_83] : memref<10240x64xf32, #tpu.memory_space<vmem_shared>> -> memref<10240x64xf32, #tpu.memory_space<vmem_shared>>
    tpu.enqueue_indirect_dma source(%arg10 : memref<80x64xf32, #tpu.memory_space<vmem>>) target(%dma_start3A_84 : memref<10240x64xf32, #tpu.memory_space<vmem_shared>>) offsets(%dma_start3A_81 : memref<80xi32, #tpu.memory_space<vmem>>) semaphore(%arg19 : memref<!tpu.dma_semaphore, #tpu.memory_space<semaphore_mem>>) {add = true}
    %dma_start3A_85 = arith.constant 9840 : i32
    %dma_start3A_86 = tpu.memref_slice %arg8[%dma_start3A_85] : memref<10000xi32, #tpu.memory_space<vmem>> -> memref<80xi32, #tpu.memory_space<vmem>>
    %dma_start3A_87 = arith.constant 0 : i32
    %dma_start3A_88 = arith.constant 0 : i32
    %dma_start3A_89 = tpu.memref_slice %arg15[%dma_start3A_87, %dma_start3A_88] : memref<10240x16xf32, #tpu.memory_space<vmem_shared>> -> memref<10240x16xf32, #tpu.memory_space<vmem_shared>>
    tpu.enqueue_indirect_dma source(%arg11 : memref<80x16xf32, #tpu.memory_space<vmem>>) target(%dma_start3A_89 : memref<10240x16xf32, #tpu.memory_space<vmem_shared>>) offsets(%dma_start3A_86 : memref<80xi32, #tpu.memory_space<vmem>>) semaphore(%arg19 : memref<!tpu.dma_semaphore, #tpu.memory_space<semaphore_mem>>) {add = true}
    %dma_wait3A_90 = arith.constant 0 : i32
    %dma_wait3A_91 = tpu.memref_slice %arg7[%dma_wait3A_90] : memref<10000xi32, #tpu.memory_space<vmem>> -> memref<80xi32, #tpu.memory_space<vmem>>
    %dma_wait3A_92 = arith.constant 0 : i32
    %dma_wait3A_93 = arith.constant 0 : i32
    %dma_wait3A_94 = tpu.memref_slice %arg2[%dma_wait3A_92, %dma_wait3A_93] : memref<10000x64xf32, #tpu.memory_space<hbm>> -> memref<10000x64xf32, #tpu.memory_space<hbm>>
    tpu.wait_indirect_dma semaphore(%arg16 : memref<!tpu.dma_semaphore, #tpu.memory_space<semaphore_mem>>) src(%dma_wait3A_94 : memref<10000x64xf32, #tpu.memory_space<hbm>>) dst(%arg9 : memref<80x64xf32, #tpu.memory_space<vmem>>)
    %dma_start3A_95 = arith.constant 9920 : i32
    %dma_start3A_96 = tpu.memref_slice %arg8[%dma_start3A_95] : memref<10000xi32, #tpu.memory_space<vmem>> -> memref<80xi32, #tpu.memory_space<vmem>>
    %dma_start3A_97 = arith.constant 0 : i32
    %dma_start3A_98 = arith.constant 0 : i32
    %dma_start3A_99 = tpu.memref_slice %arg14[%dma_start3A_97, %dma_start3A_98] : memref<10240x64xf32, #tpu.memory_space<vmem_shared>> -> memref<10240x64xf32, #tpu.memory_space<vmem_shared>>
    tpu.enqueue_indirect_dma source(%arg9 : memref<80x64xf32, #tpu.memory_space<vmem>>) target(%dma_start3A_99 : memref<10240x64xf32, #tpu.memory_space<vmem_shared>>) offsets(%dma_start3A_96 : memref<80xi32, #tpu.memory_space<vmem>>) semaphore(%arg18 : memref<!tpu.dma_semaphore, #tpu.memory_space<semaphore_mem>>) {add = true}
    %dma_start3A_100 = arith.constant 9920 : i32
    %dma_start3A_101 = tpu.memref_slice %arg8[%dma_start3A_100] : memref<10000xi32, #tpu.memory_space<vmem>> -> memref<80xi32, #tpu.memory_space<vmem>>
    %dma_start3A_102 = arith.constant 0 : i32
    %dma_start3A_103 = arith.constant 0 : i32
    %dma_start3A_104 = tpu.memref_slice %arg15[%dma_start3A_102, %dma_start3A_103] : memref<10240x16xf32, #tpu.memory_space<vmem_shared>> -> memref<10240x16xf32, #tpu.memory_space<vmem_shared>>
    tpu.enqueue_indirect_dma source(%arg11 : memref<80x16xf32, #tpu.memory_space<vmem>>) target(%dma_start3A_104 : memref<10240x16xf32, #tpu.memory_space<vmem_shared>>) offsets(%dma_start3A_101 : memref<80xi32, #tpu.memory_space<vmem>>) semaphore(%arg18 : memref<!tpu.dma_semaphore, #tpu.memory_space<semaphore_mem>>) {add = true}
    %dma_wait3A_105 = arith.constant 0 : i32
    %dma_wait3A_106 = tpu.memref_slice %arg8[%dma_wait3A_105] : memref<10000xi32, #tpu.memory_space<vmem>> -> memref<80xi32, #tpu.memory_space<vmem>>
    %dma_wait3A_107 = arith.constant 0 : i32
    %dma_wait3A_108 = arith.constant 0 : i32
    %dma_wait3A_109 = tpu.memref_slice %arg14[%dma_wait3A_107, %dma_wait3A_108] : memref<10240x64xf32, #tpu.memory_space<vmem_shared>> -> memref<10240x64xf32, #tpu.memory_space<vmem_shared>>
    tpu.wait_indirect_dma semaphore(%arg18 : memref<!tpu.dma_semaphore, #tpu.memory_space<semaphore_mem>>) src(%arg9 : memref<80x64xf32, #tpu.memory_space<vmem>>) dst(%dma_wait3A_109 : memref<10240x64xf32, #tpu.memory_space<vmem_shared>>)
    %dma_wait3A_110 = arith.constant 0 : i32
    %dma_wait3A_111 = tpu.memref_slice %arg8[%dma_wait3A_110] : memref<10000xi32, #tpu.memory_space<vmem>> -> memref<80xi32, #tpu.memory_space<vmem>>
    %dma_wait3A_112 = arith.constant 0 : i32
    %dma_wait3A_113 = arith.constant 0 : i32
    %dma_wait3A_114 = tpu.memref_slice %arg15[%dma_wait3A_112, %dma_wait3A_113] : memref<10240x16xf32, #tpu.memory_space<vmem_shared>> -> memref<10240x16xf32, #tpu.memory_space<vmem_shared>>
    tpu.wait_indirect_dma semaphore(%arg18 : memref<!tpu.dma_semaphore, #tpu.memory_space<semaphore_mem>>) src(%arg11 : memref<80x16xf32, #tpu.memory_space<vmem>>) dst(%dma_wait3A_114 : memref<10240x16xf32, #tpu.memory_space<vmem_shared>>)
    %dma_wait3A_115 = arith.constant 0 : i32
    %dma_wait3A_116 = tpu.memref_slice %arg8[%dma_wait3A_115] : memref<10000xi32, #tpu.memory_space<vmem>> -> memref<80xi32, #tpu.memory_space<vmem>>
    %dma_wait3A_117 = arith.constant 0 : i32
    %dma_wait3A_118 = arith.constant 0 : i32
    %dma_wait3A_119 = tpu.memref_slice %arg14[%dma_wait3A_117, %dma_wait3A_118] : memref<10240x64xf32, #tpu.memory_space<vmem_shared>> -> memref<10240x64xf32, #tpu.memory_space<vmem_shared>>
    tpu.wait_indirect_dma semaphore(%arg19 : memref<!tpu.dma_semaphore, #tpu.memory_space<semaphore_mem>>) src(%arg10 : memref<80x64xf32, #tpu.memory_space<vmem>>) dst(%dma_wait3A_119 : memref<10240x64xf32, #tpu.memory_space<vmem_shared>>)
    %dma_wait3A_120 = arith.constant 0 : i32
    %dma_wait3A_121 = tpu.memref_slice %arg8[%dma_wait3A_120] : memref<10000xi32, #tpu.memory_space<vmem>> -> memref<80xi32, #tpu.memory_space<vmem>>
    %dma_wait3A_122 = arith.constant 0 : i32
    %dma_wait3A_123 = arith.constant 0 : i32
    %dma_wait3A_124 = tpu.memref_slice %arg15[%dma_wait3A_122, %dma_wait3A_123] : memref<10240x16xf32, #tpu.memory_space<vmem_shared>> -> memref<10240x16xf32, #tpu.memory_space<vmem_shared>>
    tpu.wait_indirect_dma semaphore(%arg19 : memref<!tpu.dma_semaphore, #tpu.memory_space<semaphore_mem>>) src(%arg11 : memref<80x16xf32, #tpu.memory_space<vmem>>) dst(%dma_wait3A_124 : memref<10240x16xf32, #tpu.memory_space<vmem_shared>>)
    %barrier3A_125 = arith.constant 0 : index
    tpu.barrier barrier_id(%barrier3A_125)
    "tpu.region"() ({
      %run_scoped3A = tpu.sem_alloc : memref<!tpu.dma_semaphore, #tpu.memory_space<semaphore_mem>>
      %dma_start3A_126 = arith.constant 0 : i32
      %dma_start3A_127 = tpu.memref_slice %arg5[%arg0, %mul3A_23, %dma_start3A_126] : memref<2x10240x64xf32, #tpu.memory_space<hbm>> -> memref<1x640x64xf32, #tpu.memory_space<hbm>>
      %dma_start3A_128 = tpu.memref_squeeze %dma_start3A_127 : memref<1x640x64xf32, #tpu.memory_space<hbm>> -> memref<640x64xf32, #tpu.memory_space<hbm>>
      %dma_start3A_129 = arith.constant 0 : i32
      %dma_start3A_130 = tpu.memref_slice %arg14[%mul3A_23, %dma_start3A_129] : memref<10240x64xf32, #tpu.memory_space<vmem_shared>> -> memref<640x64xf32, #tpu.memory_space<vmem_shared>>
      tpu.enqueue_dma source(%dma_start3A_130 : memref<640x64xf32, #tpu.memory_space<vmem_shared>>) target(%dma_start3A_128 : memref<640x64xf32, #tpu.memory_space<hbm>>) target_semaphore(%run_scoped3A : memref<!tpu.dma_semaphore, #tpu.memory_space<semaphore_mem>>)
      %dma_wait3A_131 = arith.constant 0 : i32
      %dma_wait3A_132 = tpu.memref_slice %arg5[%arg0, %mul3A_23, %dma_wait3A_131] : memref<2x10240x64xf32, #tpu.memory_space<hbm>> -> memref<1x640x64xf32, #tpu.memory_space<hbm>>
      %dma_wait3A_133 = tpu.memref_squeeze %dma_wait3A_132 : memref<1x640x64xf32, #tpu.memory_space<hbm>> -> memref<640x64xf32, #tpu.memory_space<hbm>>
      %dma_wait3A_134 = arith.constant 0 : i32
      %dma_wait3A_135 = tpu.memref_slice %arg14[%mul3A_23, %dma_wait3A_134] : memref<10240x64xf32, #tpu.memory_space<vmem_shared>> -> memref<640x64xf32, #tpu.memory_space<vmem_shared>>
      tpu.wait_dma2 semaphore(%run_scoped3A : memref<!tpu.dma_semaphore, #tpu.memory_space<semaphore_mem>>) src(%dma_wait3A_135 : memref<640x64xf32, #tpu.memory_space<vmem_shared>>) dst(%dma_wait3A_133 : memref<640x64xf32, #tpu.memory_space<hbm>>)
      tpu.yield
    }) : () -> ()
    "tpu.region"() ({
      %run_scoped3A = tpu.sem_alloc : memref<!tpu.dma_semaphore, #tpu.memory_space<semaphore_mem>>
      %dma_start3A_126 = arith.constant 0 : i32
      %dma_start3A_127 = tpu.memref_slice %arg6[%arg0, %mul3A_23, %dma_start3A_126] : memref<2x10240x16xf32, #tpu.memory_space<hbm>> -> memref<1x640x16xf32, #tpu.memory_space<hbm>>
      %dma_start3A_128 = tpu.memref_squeeze %dma_start3A_127 : memref<1x640x16xf32, #tpu.memory_space<hbm>> -> memref<640x16xf32, #tpu.memory_space<hbm>>
      %dma_start3A_129 = arith.constant 0 : i32
      %dma_start3A_130 = tpu.memref_slice %arg15[%mul3A_23, %dma_start3A_129] : memref<10240x16xf32, #tpu.memory_space<vmem_shared>> -> memref<640x16xf32, #tpu.memory_space<vmem_shared>>
      tpu.enqueue_dma source(%dma_start3A_130 : memref<640x16xf32, #tpu.memory_space<vmem_shared>>) target(%dma_start3A_128 : memref<640x16xf32, #tpu.memory_space<hbm>>) target_semaphore(%run_scoped3A : memref<!tpu.dma_semaphore, #tpu.memory_space<semaphore_mem>>)
      %dma_wait3A_131 = arith.constant 0 : i32
      %dma_wait3A_132 = tpu.memref_slice %arg6[%arg0, %mul3A_23, %dma_wait3A_131] : memref<2x10240x16xf32, #tpu.memory_space<hbm>> -> memref<1x640x16xf32, #tpu.memory_space<hbm>>
      %dma_wait3A_133 = tpu.memref_squeeze %dma_wait3A_132 : memref<1x640x16xf32, #tpu.memory_space<hbm>> -> memref<640x16xf32, #tpu.memory_space<hbm>>
      %dma_wait3A_134 = arith.constant 0 : i32
      %dma_wait3A_135 = tpu.memref_slice %arg15[%mul3A_23, %dma_wait3A_134] : memref<10240x16xf32, #tpu.memory_space<vmem_shared>> -> memref<640x16xf32, #tpu.memory_space<vmem_shared>>
      tpu.wait_dma2 semaphore(%run_scoped3A : memref<!tpu.dma_semaphore, #tpu.memory_space<semaphore_mem>>) src(%dma_wait3A_135 : memref<640x16xf32, #tpu.memory_space<vmem_shared>>) dst(%dma_wait3A_133 : memref<640x16xf32, #tpu.memory_space<hbm>>)
      tpu.yield
    }) : () -> ()
    return
  }
}

#map = affine_map<(d0, d1) -> (0, 0)>
#map1 = affine_map<(d0, d1) -> (0)>
#map2 = affine_map<(d0, d1) -> (0, 0, 0)>
module attributes {stable_mosaic.version = 14 : i64} {
  func.func @_seg_body_h(%arg0: i32, %arg1: i32, %arg2: memref<10000x64xf32, #tpu.memory_space<hbm>>, %arg3: memref<320000xi32, #tpu.memory_space<hbm>>, %arg4: memref<320000xi32, #tpu.memory_space<hbm>>, %arg5: memref<2x10240x64xf32, #tpu.memory_space<hbm>>, %arg6: memref<10000xi32, #tpu.memory_space<vmem>>, %arg7: memref<10000xi32, #tpu.memory_space<vmem>>, %arg8: memref<80x64xf32, #tpu.memory_space<vmem>>, %arg9: memref<80x64xf32, #tpu.memory_space<vmem>>, %arg10: memref<160x64xf32, #tpu.memory_space<vmem>>, %arg11: memref<10240x64xf32, #tpu.memory_space<vmem_shared>>, %arg12: memref<!tpu.dma_semaphore, #tpu.memory_space<semaphore_mem>>, %arg13: memref<!tpu.dma_semaphore, #tpu.memory_space<semaphore_mem>>, %arg14: memref<!tpu.dma_semaphore, #tpu.memory_space<semaphore_mem>>, %arg15: memref<!tpu.dma_semaphore, #tpu.memory_space<semaphore_mem>>) attributes {dimension_semantics = [#tpu.dimension_semantics<core_parallel>, #tpu.dimension_semantics<subcore_parallel>], iteration_bounds = array<i64: 2, 16>, scalar_prefetch = 0 : i64, scratch_operands = 10 : i64, tpu.core_type = #tpu.core_type<sc_vector_subcore>, window_params = [{transform_indices = #map}, {transform_indices = #map1}, {transform_indices = #map1}, {transform_indices = #map2}]} {
    %mul3A = arith.constant 16 : i32
    %mul3A_0 = arith.muli %arg0, %mul3A : i32
    %add3A = arith.addi %mul3A_0, %arg1 : i32
    %mul3A_1 = arith.constant 10000 : i32
    %mul3A_2 = arith.muli %add3A, %mul3A_1 : i32
    "tpu.region"() ({
      %run_scoped3A = tpu.sem_alloc : memref<!tpu.dma_semaphore, #tpu.memory_space<semaphore_mem>>
      %dma_start3A_82 = tpu.memref_slice %arg3[%mul3A_2] : memref<320000xi32, #tpu.memory_space<hbm>> -> memref<10000xi32, #tpu.memory_space<hbm>>
      %dma_start3A_83 = tpu.memref_slice %arg3[%mul3A_2] : memref<320000xi32, #tpu.memory_space<hbm>> -> memref<10000xi32, #tpu.memory_space<hbm>>
      tpu.enqueue_dma source(%dma_start3A_83 : memref<10000xi32, #tpu.memory_space<hbm>>) target(%arg6 : memref<10000xi32, #tpu.memory_space<vmem>>) target_semaphore(%run_scoped3A : memref<!tpu.dma_semaphore, #tpu.memory_space<semaphore_mem>>)
      %dma_wait3A_84 = tpu.memref_slice %arg3[%mul3A_2] : memref<320000xi32, #tpu.memory_space<hbm>> -> memref<10000xi32, #tpu.memory_space<hbm>>
      %dma_wait3A_85 = tpu.memref_slice %arg3[%mul3A_2] : memref<320000xi32, #tpu.memory_space<hbm>> -> memref<10000xi32, #tpu.memory_space<hbm>>
      tpu.wait_dma2 semaphore(%run_scoped3A : memref<!tpu.dma_semaphore, #tpu.memory_space<semaphore_mem>>) src(%dma_wait3A_85 : memref<10000xi32, #tpu.memory_space<hbm>>) dst(%arg6 : memref<10000xi32, #tpu.memory_space<vmem>>)
      tpu.yield
    }) : () -> ()
    "tpu.region"() ({
      %run_scoped3A = tpu.sem_alloc : memref<!tpu.dma_semaphore, #tpu.memory_space<semaphore_mem>>
      %dma_start3A_82 = tpu.memref_slice %arg4[%mul3A_2] : memref<320000xi32, #tpu.memory_space<hbm>> -> memref<10000xi32, #tpu.memory_space<hbm>>
      %dma_start3A_83 = tpu.memref_slice %arg4[%mul3A_2] : memref<320000xi32, #tpu.memory_space<hbm>> -> memref<10000xi32, #tpu.memory_space<hbm>>
      tpu.enqueue_dma source(%dma_start3A_83 : memref<10000xi32, #tpu.memory_space<hbm>>) target(%arg7 : memref<10000xi32, #tpu.memory_space<vmem>>) target_semaphore(%run_scoped3A : memref<!tpu.dma_semaphore, #tpu.memory_space<semaphore_mem>>)
      %dma_wait3A_84 = tpu.memref_slice %arg4[%mul3A_2] : memref<320000xi32, #tpu.memory_space<hbm>> -> memref<10000xi32, #tpu.memory_space<hbm>>
      %dma_wait3A_85 = tpu.memref_slice %arg4[%mul3A_2] : memref<320000xi32, #tpu.memory_space<hbm>> -> memref<10000xi32, #tpu.memory_space<hbm>>
      tpu.wait_dma2 semaphore(%run_scoped3A : memref<!tpu.dma_semaphore, #tpu.memory_space<semaphore_mem>>) src(%dma_wait3A_85 : memref<10000xi32, #tpu.memory_space<hbm>>) dst(%arg7 : memref<10000xi32, #tpu.memory_space<vmem>>)
      tpu.yield
    }) : () -> ()
    %broadcast_in_dim3A = arith.constant 0.000000e+00 : f32
    %broadcast_in_dim3A_3 = vector.broadcast %broadcast_in_dim3A : f32 to vector<16xf32>
    %scan3A = arith.constant 0 : i32
    %scan3A_4 = arith.constant 160 : i32
    %scan3A_5 = arith.addi %scan3A, %scan3A_4 : i32
    %scan3A_6 = arith.constant 4 : i32
    scf.for %scan3A_82 = %scan3A to %scan3A_5 step %scan3A_6  : i32 {
      %mul3A_83 = arith.constant 1 : i32
      %mul3A_84 = arith.muli %scan3A_82, %mul3A_83 : i32
      %add3A_85 = arith.constant 0 : i32
      %add3A_86 = arith.addi %add3A_85, %mul3A_84 : i32
      %swap3A = arith.index_cast %add3A_86 : i32 to index
      %swap3A_87 = arith.constant 0 : index
      %swap3A_88 = tpu.vector_load %arg10[%swap3A, %swap3A_87] {strides = array<i32>} : memref<160x64xf32, #tpu.memory_space<vmem>>, vector<1x16xf32>,
      %swap3A_89 = vector.shape_cast %swap3A_88 : vector<1x16xf32> to vector<16xf32>
      %swap3A_90 = vector.shape_cast %broadcast_in_dim3A_3 : vector<16xf32> to vector<1x16xf32>
      tpu.vector_store %arg10[%swap3A, %swap3A_87], %swap3A_90 {strides = array<i32>} : memref<160x64xf32, #tpu.memory_space<vmem>>, vector<1x16xf32>,
      %swap3A_91 = arith.index_cast %add3A_86 : i32 to index
      %swap3A_92 = arith.constant 16 : index
      %swap3A_93 = tpu.vector_load %arg10[%swap3A_91, %swap3A_92] {strides = array<i32>} : memref<160x64xf32, #tpu.memory_space<vmem>>, vector<1x16xf32>,
      %swap3A_94 = vector.shape_cast %swap3A_93 : vector<1x16xf32> to vector<16xf32>
      %swap3A_95 = vector.shape_cast %broadcast_in_dim3A_3 : vector<16xf32> to vector<1x16xf32>
      tpu.vector_store %arg10[%swap3A_91, %swap3A_92], %swap3A_95 {strides = array<i32>} : memref<160x64xf32, #tpu.memory_space<vmem>>, vector<1x16xf32>,
      %swap3A_96 = arith.index_cast %add3A_86 : i32 to index
      %swap3A_97 = arith.constant 32 : index
      %swap3A_98 = tpu.vector_load %arg10[%swap3A_96, %swap3A_97] {strides = array<i32>} : memref<160x64xf32, #tpu.memory_space<vmem>>, vector<1x16xf32>,
      %swap3A_99 = vector.shape_cast %swap3A_98 : vector<1x16xf32> to vector<16xf32>
      %swap3A_100 = vector.shape_cast %broadcast_in_dim3A_3 : vector<16xf32> to vector<1x16xf32>
      tpu.vector_store %arg10[%swap3A_96, %swap3A_97], %swap3A_100 {strides = array<i32>} : memref<160x64xf32, #tpu.memory_space<vmem>>, vector<1x16xf32>,
      %swap3A_101 = arith.index_cast %add3A_86 : i32 to index
      %swap3A_102 = arith.constant 48 : index
      %swap3A_103 = tpu.vector_load %arg10[%swap3A_101, %swap3A_102] {strides = array<i32>} : memref<160x64xf32, #tpu.memory_space<vmem>>, vector<1x16xf32>,
      %swap3A_104 = vector.shape_cast %swap3A_103 : vector<1x16xf32> to vector<16xf32>
      %swap3A_105 = vector.shape_cast %broadcast_in_dim3A_3 : vector<16xf32> to vector<1x16xf32>
      tpu.vector_store %arg10[%swap3A_101, %swap3A_102], %swap3A_105 {strides = array<i32>} : memref<160x64xf32, #tpu.memory_space<vmem>>, vector<1x16xf32>,
      %scan3A_106 = arith.constant 1 : i32
      %scan3A_107 = arith.addi %scan3A_82, %scan3A_106 : i32
      %mul3A_108 = arith.constant 1 : i32
      %mul3A_109 = arith.muli %scan3A_107, %mul3A_108 : i32
      %add3A_110 = arith.constant 0 : i32
      %add3A_111 = arith.addi %add3A_110, %mul3A_109 : i32
      %swap3A_112 = arith.index_cast %add3A_111 : i32 to index
      %swap3A_113 = arith.constant 0 : index
      %swap3A_114 = tpu.vector_load %arg10[%swap3A_112, %swap3A_113] {strides = array<i32>} : memref<160x64xf32, #tpu.memory_space<vmem>>, vector<1x16xf32>,
      %swap3A_115 = vector.shape_cast %swap3A_114 : vector<1x16xf32> to vector<16xf32>
      %swap3A_116 = vector.shape_cast %broadcast_in_dim3A_3 : vector<16xf32> to vector<1x16xf32>
      tpu.vector_store %arg10[%swap3A_112, %swap3A_113], %swap3A_116 {strides = array<i32>} : memref<160x64xf32, #tpu.memory_space<vmem>>, vector<1x16xf32>,
      %swap3A_117 = arith.index_cast %add3A_111 : i32 to index
      %swap3A_118 = arith.constant 16 : index
      %swap3A_119 = tpu.vector_load %arg10[%swap3A_117, %swap3A_118] {strides = array<i32>} : memref<160x64xf32, #tpu.memory_space<vmem>>, vector<1x16xf32>,
      %swap3A_120 = vector.shape_cast %swap3A_119 : vector<1x16xf32> to vector<16xf32>
      %swap3A_121 = vector.shape_cast %broadcast_in_dim3A_3 : vector<16xf32> to vector<1x16xf32>
      tpu.vector_store %arg10[%swap3A_117, %swap3A_118], %swap3A_121 {strides = array<i32>} : memref<160x64xf32, #tpu.memory_space<vmem>>, vector<1x16xf32>,
      %swap3A_122 = arith.index_cast %add3A_111 : i32 to index
      %swap3A_123 = arith.constant 32 : index
      %swap3A_124 = tpu.vector_load %arg10[%swap3A_122, %swap3A_123] {strides = array<i32>} : memref<160x64xf32, #tpu.memory_space<vmem>>, vector<1x16xf32>,
      %swap3A_125 = vector.shape_cast %swap3A_124 : vector<1x16xf32> to vector<16xf32>
      %swap3A_126 = vector.shape_cast %broadcast_in_dim3A_3 : vector<16xf32> to vector<1x16xf32>
      tpu.vector_store %arg10[%swap3A_122, %swap3A_123], %swap3A_126 {strides = array<i32>} : memref<160x64xf32, #tpu.memory_space<vmem>>, vector<1x16xf32>,
      %swap3A_127 = arith.index_cast %add3A_111 : i32 to index
      %swap3A_128 = arith.constant 48 : index
      %swap3A_129 = tpu.vector_load %arg10[%swap3A_127, %swap3A_128] {strides = array<i32>} : memref<160x64xf32, #tpu.memory_space<vmem>>, vector<1x16xf32>,
      %swap3A_130 = vector.shape_cast %swap3A_129 : vector<1x16xf32> to vector<16xf32>
      %swap3A_131 = vector.shape_cast %broadcast_in_dim3A_3 : vector<16xf32> to vector<1x16xf32>
      tpu.vector_store %arg10[%swap3A_127, %swap3A_128], %swap3A_131 {strides = array<i32>} : memref<160x64xf32, #tpu.memory_space<vmem>>, vector<1x16xf32>,
      %scan3A_132 = arith.constant 2 : i32
      %scan3A_133 = arith.addi %scan3A_82, %scan3A_132 : i32
      %mul3A_134 = arith.constant 1 : i32
      %mul3A_135 = arith.muli %scan3A_133, %mul3A_134 : i32
      %add3A_136 = arith.constant 0 : i32
      %add3A_137 = arith.addi %add3A_136, %mul3A_135 : i32
      %swap3A_138 = arith.index_cast %add3A_137 : i32 to index
      %swap3A_139 = arith.constant 0 : index
      %swap3A_140 = tpu.vector_load %arg10[%swap3A_138, %swap3A_139] {strides = array<i32>} : memref<160x64xf32, #tpu.memory_space<vmem>>, vector<1x16xf32>,
      %swap3A_141 = vector.shape_cast %swap3A_140 : vector<1x16xf32> to vector<16xf32>
      %swap3A_142 = vector.shape_cast %broadcast_in_dim3A_3 : vector<16xf32> to vector<1x16xf32>
      tpu.vector_store %arg10[%swap3A_138, %swap3A_139], %swap3A_142 {strides = array<i32>} : memref<160x64xf32, #tpu.memory_space<vmem>>, vector<1x16xf32>,
      %swap3A_143 = arith.index_cast %add3A_137 : i32 to index
      %swap3A_144 = arith.constant 16 : index
      %swap3A_145 = tpu.vector_load %arg10[%swap3A_143, %swap3A_144] {strides = array<i32>} : memref<160x64xf32, #tpu.memory_space<vmem>>, vector<1x16xf32>,
      %swap3A_146 = vector.shape_cast %swap3A_145 : vector<1x16xf32> to vector<16xf32>
      %swap3A_147 = vector.shape_cast %broadcast_in_dim3A_3 : vector<16xf32> to vector<1x16xf32>
      tpu.vector_store %arg10[%swap3A_143, %swap3A_144], %swap3A_147 {strides = array<i32>} : memref<160x64xf32, #tpu.memory_space<vmem>>, vector<1x16xf32>,
      %swap3A_148 = arith.index_cast %add3A_137 : i32 to index
      %swap3A_149 = arith.constant 32 : index
      %swap3A_150 = tpu.vector_load %arg10[%swap3A_148, %swap3A_149] {strides = array<i32>} : memref<160x64xf32, #tpu.memory_space<vmem>>, vector<1x16xf32>,
      %swap3A_151 = vector.shape_cast %swap3A_150 : vector<1x16xf32> to vector<16xf32>
      %swap3A_152 = vector.shape_cast %broadcast_in_dim3A_3 : vector<16xf32> to vector<1x16xf32>
      tpu.vector_store %arg10[%swap3A_148, %swap3A_149], %swap3A_152 {strides = array<i32>} : memref<160x64xf32, #tpu.memory_space<vmem>>, vector<1x16xf32>,
      %swap3A_153 = arith.index_cast %add3A_137 : i32 to index
      %swap3A_154 = arith.constant 48 : index
      %swap3A_155 = tpu.vector_load %arg10[%swap3A_153, %swap3A_154] {strides = array<i32>} : memref<160x64xf32, #tpu.memory_space<vmem>>, vector<1x16xf32>,
      %swap3A_156 = vector.shape_cast %swap3A_155 : vector<1x16xf32> to vector<16xf32>
      %swap3A_157 = vector.shape_cast %broadcast_in_dim3A_3 : vector<16xf32> to vector<1x16xf32>
      tpu.vector_store %arg10[%swap3A_153, %swap3A_154], %swap3A_157 {strides = array<i32>} : memref<160x64xf32, #tpu.memory_space<vmem>>, vector<1x16xf32>,
      %scan3A_158 = arith.constant 3 : i32
      %scan3A_159 = arith.addi %scan3A_82, %scan3A_158 : i32
      %mul3A_160 = arith.constant 1 : i32
      %mul3A_161 = arith.muli %scan3A_159, %mul3A_160 : i32
      %add3A_162 = arith.constant 0 : i32
      %add3A_163 = arith.addi %add3A_162, %mul3A_161 : i32
      %swap3A_164 = arith.index_cast %add3A_163 : i32 to index
      %swap3A_165 = arith.constant 0 : index
      %swap3A_166 = tpu.vector_load %arg10[%swap3A_164, %swap3A_165] {strides = array<i32>} : memref<160x64xf32, #tpu.memory_space<vmem>>, vector<1x16xf32>,
      %swap3A_167 = vector.shape_cast %swap3A_166 : vector<1x16xf32> to vector<16xf32>
      %swap3A_168 = vector.shape_cast %broadcast_in_dim3A_3 : vector<16xf32> to vector<1x16xf32>
      tpu.vector_store %arg10[%swap3A_164, %swap3A_165], %swap3A_168 {strides = array<i32>} : memref<160x64xf32, #tpu.memory_space<vmem>>, vector<1x16xf32>,
      %swap3A_169 = arith.index_cast %add3A_163 : i32 to index
      %swap3A_170 = arith.constant 16 : index
      %swap3A_171 = tpu.vector_load %arg10[%swap3A_169, %swap3A_170] {strides = array<i32>} : memref<160x64xf32, #tpu.memory_space<vmem>>, vector<1x16xf32>,
      %swap3A_172 = vector.shape_cast %swap3A_171 : vector<1x16xf32> to vector<16xf32>
      %swap3A_173 = vector.shape_cast %broadcast_in_dim3A_3 : vector<16xf32> to vector<1x16xf32>
      tpu.vector_store %arg10[%swap3A_169, %swap3A_170], %swap3A_173 {strides = array<i32>} : memref<160x64xf32, #tpu.memory_space<vmem>>, vector<1x16xf32>,
      %swap3A_174 = arith.index_cast %add3A_163 : i32 to index
      %swap3A_175 = arith.constant 32 : index
      %swap3A_176 = tpu.vector_load %arg10[%swap3A_174, %swap3A_175] {strides = array<i32>} : memref<160x64xf32, #tpu.memory_space<vmem>>, vector<1x16xf32>,
      %swap3A_177 = vector.shape_cast %swap3A_176 : vector<1x16xf32> to vector<16xf32>
      %swap3A_178 = vector.shape_cast %broadcast_in_dim3A_3 : vector<16xf32> to vector<1x16xf32>
      tpu.vector_store %arg10[%swap3A_174, %swap3A_175], %swap3A_178 {strides = array<i32>} : memref<160x64xf32, #tpu.memory_space<vmem>>, vector<1x16xf32>,
      %swap3A_179 = arith.index_cast %add3A_163 : i32 to index
      %swap3A_180 = arith.constant 48 : index
      %swap3A_181 = tpu.vector_load %arg10[%swap3A_179, %swap3A_180] {strides = array<i32>} : memref<160x64xf32, #tpu.memory_space<vmem>>, vector<1x16xf32>,
      %swap3A_182 = vector.shape_cast %swap3A_181 : vector<1x16xf32> to vector<16xf32>
      %swap3A_183 = vector.shape_cast %broadcast_in_dim3A_3 : vector<16xf32> to vector<1x16xf32>
      tpu.vector_store %arg10[%swap3A_179, %swap3A_180], %swap3A_183 {strides = array<i32>} : memref<160x64xf32, #tpu.memory_space<vmem>>, vector<1x16xf32>,
    }
    %scan3A_7 = arith.constant 160 : i32
    %mul3A_8 = arith.constant 640 : i32
    %mul3A_9 = arith.muli %arg1, %mul3A_8 : i32
    %add3A_10 = arith.constant 0 : i32
    %add3A_11 = arith.addi %mul3A_9, %add3A_10 : i32
    "tpu.region"() ({
      %run_scoped3A = tpu.sem_alloc : memref<!tpu.dma_semaphore, #tpu.memory_space<semaphore_mem>>
      %dma_start3A_82 = arith.constant 0 : i32
      %dma_start3A_83 = tpu.memref_slice %arg11[%add3A_11, %dma_start3A_82] : memref<10240x64xf32, #tpu.memory_space<vmem_shared>> -> memref<160x64xf32, #tpu.memory_space<vmem_shared>>
      %dma_start3A_84 = arith.constant 0 : i32
      %dma_start3A_85 = tpu.memref_slice %arg11[%add3A_11, %dma_start3A_84] : memref<10240x64xf32, #tpu.memory_space<vmem_shared>> -> memref<160x64xf32, #tpu.memory_space<vmem_shared>>
      tpu.enqueue_dma source(%arg10 : memref<160x64xf32, #tpu.memory_space<vmem>>) target(%dma_start3A_85 : memref<160x64xf32, #tpu.memory_space<vmem_shared>>) target_semaphore(%run_scoped3A : memref<!tpu.dma_semaphore, #tpu.memory_space<semaphore_mem>>)
      %dma_wait3A_86 = arith.constant 0 : i32
      %dma_wait3A_87 = tpu.memref_slice %arg11[%add3A_11, %dma_wait3A_86] : memref<10240x64xf32, #tpu.memory_space<vmem_shared>> -> memref<160x64xf32, #tpu.memory_space<vmem_shared>>
      %dma_wait3A_88 = arith.constant 0 : i32
      %dma_wait3A_89 = tpu.memref_slice %arg11[%add3A_11, %dma_wait3A_88] : memref<10240x64xf32, #tpu.memory_space<vmem_shared>> -> memref<160x64xf32, #tpu.memory_space<vmem_shared>>
      tpu.wait_dma2 semaphore(%run_scoped3A : memref<!tpu.dma_semaphore, #tpu.memory_space<semaphore_mem>>) src(%arg10 : memref<160x64xf32, #tpu.memory_space<vmem>>) dst(%dma_wait3A_89 : memref<160x64xf32, #tpu.memory_space<vmem_shared>>)
      tpu.yield
    }) : () -> ()
    %add3A_12 = arith.constant 160 : i32
    %add3A_13 = arith.addi %mul3A_9, %add3A_12 : i32
    "tpu.region"() ({
      %run_scoped3A = tpu.sem_alloc : memref<!tpu.dma_semaphore, #tpu.memory_space<semaphore_mem>>
      %dma_start3A_82 = arith.constant 0 : i32
      %dma_start3A_83 = tpu.memref_slice %arg11[%add3A_13, %dma_start3A_82] : memref<10240x64xf32, #tpu.memory_space<vmem_shared>> -> memref<160x64xf32, #tpu.memory_space<vmem_shared>>
      %dma_start3A_84 = arith.constant 0 : i32
      %dma_start3A_85 = tpu.memref_slice %arg11[%add3A_13, %dma_start3A_84] : memref<10240x64xf32, #tpu.memory_space<vmem_shared>> -> memref<160x64xf32, #tpu.memory_space<vmem_shared>>
      tpu.enqueue_dma source(%arg10 : memref<160x64xf32, #tpu.memory_space<vmem>>) target(%dma_start3A_85 : memref<160x64xf32, #tpu.memory_space<vmem_shared>>) target_semaphore(%run_scoped3A : memref<!tpu.dma_semaphore, #tpu.memory_space<semaphore_mem>>)
      %dma_wait3A_86 = arith.constant 0 : i32
      %dma_wait3A_87 = tpu.memref_slice %arg11[%add3A_13, %dma_wait3A_86] : memref<10240x64xf32, #tpu.memory_space<vmem_shared>> -> memref<160x64xf32, #tpu.memory_space<vmem_shared>>
      %dma_wait3A_88 = arith.constant 0 : i32
      %dma_wait3A_89 = tpu.memref_slice %arg11[%add3A_13, %dma_wait3A_88] : memref<10240x64xf32, #tpu.memory_space<vmem_shared>> -> memref<160x64xf32, #tpu.memory_space<vmem_shared>>
      tpu.wait_dma2 semaphore(%run_scoped3A : memref<!tpu.dma_semaphore, #tpu.memory_space<semaphore_mem>>) src(%arg10 : memref<160x64xf32, #tpu.memory_space<vmem>>) dst(%dma_wait3A_89 : memref<160x64xf32, #tpu.memory_space<vmem_shared>>)
      tpu.yield
    }) : () -> ()
    %add3A_14 = arith.constant 320 : i32
    %add3A_15 = arith.addi %mul3A_9, %add3A_14 : i32
    "tpu.region"() ({
      %run_scoped3A = tpu.sem_alloc : memref<!tpu.dma_semaphore, #tpu.memory_space<semaphore_mem>>
      %dma_start3A_82 = arith.constant 0 : i32
      %dma_start3A_83 = tpu.memref_slice %arg11[%add3A_15, %dma_start3A_82] : memref<10240x64xf32, #tpu.memory_space<vmem_shared>> -> memref<160x64xf32, #tpu.memory_space<vmem_shared>>
      %dma_start3A_84 = arith.constant 0 : i32
      %dma_start3A_85 = tpu.memref_slice %arg11[%add3A_15, %dma_start3A_84] : memref<10240x64xf32, #tpu.memory_space<vmem_shared>> -> memref<160x64xf32, #tpu.memory_space<vmem_shared>>
      tpu.enqueue_dma source(%arg10 : memref<160x64xf32, #tpu.memory_space<vmem>>) target(%dma_start3A_85 : memref<160x64xf32, #tpu.memory_space<vmem_shared>>) target_semaphore(%run_scoped3A : memref<!tpu.dma_semaphore, #tpu.memory_space<semaphore_mem>>)
      %dma_wait3A_86 = arith.constant 0 : i32
      %dma_wait3A_87 = tpu.memref_slice %arg11[%add3A_15, %dma_wait3A_86] : memref<10240x64xf32, #tpu.memory_space<vmem_shared>> -> memref<160x64xf32, #tpu.memory_space<vmem_shared>>
      %dma_wait3A_88 = arith.constant 0 : i32
      %dma_wait3A_89 = tpu.memref_slice %arg11[%add3A_15, %dma_wait3A_88] : memref<10240x64xf32, #tpu.memory_space<vmem_shared>> -> memref<160x64xf32, #tpu.memory_space<vmem_shared>>
      tpu.wait_dma2 semaphore(%run_scoped3A : memref<!tpu.dma_semaphore, #tpu.memory_space<semaphore_mem>>) src(%arg10 : memref<160x64xf32, #tpu.memory_space<vmem>>) dst(%dma_wait3A_89 : memref<160x64xf32, #tpu.memory_space<vmem_shared>>)
      tpu.yield
    }) : () -> ()
    %add3A_16 = arith.constant 480 : i32
    %add3A_17 = arith.addi %mul3A_9, %add3A_16 : i32
    "tpu.region"() ({
      %run_scoped3A = tpu.sem_alloc : memref<!tpu.dma_semaphore, #tpu.memory_space<semaphore_mem>>
      %dma_start3A_82 = arith.constant 0 : i32
      %dma_start3A_83 = tpu.memref_slice %arg11[%add3A_17, %dma_start3A_82] : memref<10240x64xf32, #tpu.memory_space<vmem_shared>> -> memref<160x64xf32, #tpu.memory_space<vmem_shared>>
      %dma_start3A_84 = arith.constant 0 : i32
      %dma_start3A_85 = tpu.memref_slice %arg11[%add3A_17, %dma_start3A_84] : memref<10240x64xf32, #tpu.memory_space<vmem_shared>> -> memref<160x64xf32, #tpu.memory_space<vmem_shared>>
      tpu.enqueue_dma source(%arg10 : memref<160x64xf32, #tpu.memory_space<vmem>>) target(%dma_start3A_85 : memref<160x64xf32, #tpu.memory_space<vmem_shared>>) target_semaphore(%run_scoped3A : memref<!tpu.dma_semaphore, #tpu.memory_space<semaphore_mem>>)
      %dma_wait3A_86 = arith.constant 0 : i32
      %dma_wait3A_87 = tpu.memref_slice %arg11[%add3A_17, %dma_wait3A_86] : memref<10240x64xf32, #tpu.memory_space<vmem_shared>> -> memref<160x64xf32, #tpu.memory_space<vmem_shared>>
      %dma_wait3A_88 = arith.constant 0 : i32
      %dma_wait3A_89 = tpu.memref_slice %arg11[%add3A_17, %dma_wait3A_88] : memref<10240x64xf32, #tpu.memory_space<vmem_shared>> -> memref<160x64xf32, #tpu.memory_space<vmem_shared>>
      tpu.wait_dma2 semaphore(%run_scoped3A : memref<!tpu.dma_semaphore, #tpu.memory_space<semaphore_mem>>) src(%arg10 : memref<160x64xf32, #tpu.memory_space<vmem>>) dst(%dma_wait3A_89 : memref<160x64xf32, #tpu.memory_space<vmem_shared>>)
      tpu.yield
    }) : () -> ()
    %barrier3A = arith.constant 0 : index
    tpu.barrier barrier_id(%barrier3A)
    %dma_start3A = arith.constant 0 : i32
    %dma_start3A_18 = tpu.memref_slice %arg6[%dma_start3A] : memref<10000xi32, #tpu.memory_space<vmem>> -> memref<80xi32, #tpu.memory_space<vmem>>
    %dma_start3A_19 = arith.constant 0 : i32
    %dma_start3A_20 = arith.constant 0 : i32
    %dma_start3A_21 = tpu.memref_slice %arg2[%dma_start3A_19, %dma_start3A_20] : memref<10000x64xf32, #tpu.memory_space<hbm>> -> memref<10000x64xf32, #tpu.memory_space<hbm>>
    tpu.enqueue_indirect_dma source(%dma_start3A_21 : memref<10000x64xf32, #tpu.memory_space<hbm>>) target(%arg8 : memref<80x64xf32, #tpu.memory_space<vmem>>) offsets(%dma_start3A_18 : memref<80xi32, #tpu.memory_space<vmem>>) semaphore(%arg12 : memref<!tpu.dma_semaphore, #tpu.memory_space<semaphore_mem>>)
    %dma_start3A_22 = arith.constant 80 : i32
    %dma_start3A_23 = tpu.memref_slice %arg6[%dma_start3A_22] : memref<10000xi32, #tpu.memory_space<vmem>> -> memref<80xi32, #tpu.memory_space<vmem>>
    %dma_start3A_24 = arith.constant 0 : i32
    %dma_start3A_25 = arith.constant 0 : i32
    %dma_start3A_26 = tpu.memref_slice %arg2[%dma_start3A_24, %dma_start3A_25] : memref<10000x64xf32, #tpu.memory_space<hbm>> -> memref<10000x64xf32, #tpu.memory_space<hbm>>
    tpu.enqueue_indirect_dma source(%dma_start3A_26 : memref<10000x64xf32, #tpu.memory_space<hbm>>) target(%arg9 : memref<80x64xf32, #tpu.memory_space<vmem>>) offsets(%dma_start3A_23 : memref<80xi32, #tpu.memory_space<vmem>>) semaphore(%arg13 : memref<!tpu.dma_semaphore, #tpu.memory_space<semaphore_mem>>)
    %scan3A_27 = arith.constant 0 : i32
    %scan3A_28 = arith.constant 61 : i32
    %scan3A_29 = arith.addi %scan3A_27, %scan3A_28 : i32
    %scan3A_30 = arith.constant 1 : i32
    scf.for %scan3A_82 = %scan3A_27 to %scan3A_29 step %scan3A_30  : i32 {
      %mul3A_83 = arith.constant 1 : i32
      %mul3A_84 = arith.muli %scan3A_82, %mul3A_83 : i32
      %add3A_85 = arith.constant 0 : i32
      %add3A_86 = arith.addi %add3A_85, %mul3A_84 : i32
      %mul3A_87 = arith.constant 2 : i32
      %mul3A_88 = arith.muli %mul3A_87, %add3A_86 : i32
      %dma_wait3A_89 = arith.constant 0 : i32
      %dma_wait3A_90 = tpu.memref_slice %arg6[%dma_wait3A_89] : memref<10000xi32, #tpu.memory_space<vmem>> -> memref<80xi32, #tpu.memory_space<vmem>>
      %dma_wait3A_91 = arith.constant 0 : i32
      %dma_wait3A_92 = arith.constant 0 : i32
      %dma_wait3A_93 = tpu.memref_slice %arg2[%dma_wait3A_91, %dma_wait3A_92] : memref<10000x64xf32, #tpu.memory_space<hbm>> -> memref<10000x64xf32, #tpu.memory_space<hbm>>
      tpu.wait_indirect_dma semaphore(%arg12 : memref<!tpu.dma_semaphore, #tpu.memory_space<semaphore_mem>>) src(%dma_wait3A_93 : memref<10000x64xf32, #tpu.memory_space<hbm>>) dst(%arg8 : memref<80x64xf32, #tpu.memory_space<vmem>>)
      %mul3A_94 = arith.constant 80 : i32
      %mul3A_95 = arith.muli %mul3A_88, %mul3A_94 : i32
      %dma_start3A_96 = tpu.memref_slice %arg7[%mul3A_95] : memref<10000xi32, #tpu.memory_space<vmem>> -> memref<80xi32, #tpu.memory_space<vmem>>
      %dma_start3A_97 = arith.constant 0 : i32
      %dma_start3A_98 = arith.constant 0 : i32
      %dma_start3A_99 = tpu.memref_slice %arg11[%dma_start3A_97, %dma_start3A_98] : memref<10240x64xf32, #tpu.memory_space<vmem_shared>> -> memref<10240x64xf32, #tpu.memory_space<vmem_shared>>
      tpu.enqueue_indirect_dma source(%arg8 : memref<80x64xf32, #tpu.memory_space<vmem>>) target(%dma_start3A_99 : memref<10240x64xf32, #tpu.memory_space<vmem_shared>>) offsets(%dma_start3A_96 : memref<80xi32, #tpu.memory_space<vmem>>) semaphore(%arg14 : memref<!tpu.dma_semaphore, #tpu.memory_space<semaphore_mem>>) {add = true}
      %dma_wait3A_100 = arith.constant 0 : i32
      %dma_wait3A_101 = tpu.memref_slice %arg6[%dma_wait3A_100] : memref<10000xi32, #tpu.memory_space<vmem>> -> memref<80xi32, #tpu.memory_space<vmem>>
      %dma_wait3A_102 = arith.constant 0 : i32
      %dma_wait3A_103 = arith.constant 0 : i32
      %dma_wait3A_104 = tpu.memref_slice %arg2[%dma_wait3A_102, %dma_wait3A_103] : memref<10000x64xf32, #tpu.memory_space<hbm>> -> memref<10000x64xf32, #tpu.memory_space<hbm>>
      tpu.wait_indirect_dma semaphore(%arg13 : memref<!tpu.dma_semaphore, #tpu.memory_space<semaphore_mem>>) src(%dma_wait3A_104 : memref<10000x64xf32, #tpu.memory_space<hbm>>) dst(%arg9 : memref<80x64xf32, #tpu.memory_space<vmem>>)
      %add3A_105 = arith.constant 1 : i32
      %add3A_106 = arith.addi %mul3A_88, %add3A_105 : i32
      %mul3A_107 = arith.constant 80 : i32
      %mul3A_108 = arith.muli %add3A_106, %mul3A_107 : i32
      %dma_start3A_109 = tpu.memref_slice %arg7[%mul3A_108] : memref<10000xi32, #tpu.memory_space<vmem>> -> memref<80xi32, #tpu.memory_space<vmem>>
      %dma_start3A_110 = arith.constant 0 : i32
      %dma_start3A_111 = arith.constant 0 : i32
      %dma_start3A_112 = tpu.memref_slice %arg11[%dma_start3A_110, %dma_start3A_111] : memref<10240x64xf32, #tpu.memory_space<vmem_shared>> -> memref<10240x64xf32, #tpu.memory_space<vmem_shared>>
      tpu.enqueue_indirect_dma source(%arg9 : memref<80x64xf32, #tpu.memory_space<vmem>>) target(%dma_start3A_112 : memref<10240x64xf32, #tpu.memory_space<vmem_shared>>) offsets(%dma_start3A_109 : memref<80xi32, #tpu.memory_space<vmem>>) semaphore(%arg15 : memref<!tpu.dma_semaphore, #tpu.memory_space<semaphore_mem>>) {add = true}
      %dma_wait3A_113 = arith.constant 0 : i32
      %dma_wait3A_114 = tpu.memref_slice %arg7[%dma_wait3A_113] : memref<10000xi32, #tpu.memory_space<vmem>> -> memref<80xi32, #tpu.memory_space<vmem>>
      %dma_wait3A_115 = arith.constant 0 : i32
      %dma_wait3A_116 = arith.constant 0 : i32
      %dma_wait3A_117 = tpu.memref_slice %arg11[%dma_wait3A_115, %dma_wait3A_116] : memref<10240x64xf32, #tpu.memory_space<vmem_shared>> -> memref<10240x64xf32, #tpu.memory_space<vmem_shared>>
      tpu.wait_indirect_dma semaphore(%arg14 : memref<!tpu.dma_semaphore, #tpu.memory_space<semaphore_mem>>) src(%arg8 : memref<80x64xf32, #tpu.memory_space<vmem>>) dst(%dma_wait3A_117 : memref<10240x64xf32, #tpu.memory_space<vmem_shared>>)
      %add3A_118 = arith.constant 2 : i32
      %add3A_119 = arith.addi %mul3A_88, %add3A_118 : i32
      %mul3A_120 = arith.constant 80 : i32
      %mul3A_121 = arith.muli %add3A_119, %mul3A_120 : i32
      %dma_start3A_122 = tpu.memref_slice %arg6[%mul3A_121] : memref<10000xi32, #tpu.memory_space<vmem>> -> memref<80xi32, #tpu.memory_space<vmem>>
      %dma_start3A_123 = arith.constant 0 : i32
      %dma_start3A_124 = arith.constant 0 : i32
      %dma_start3A_125 = tpu.memref_slice %arg2[%dma_start3A_123, %dma_start3A_124] : memref<10000x64xf32, #tpu.memory_space<hbm>> -> memref<10000x64xf32, #tpu.memory_space<hbm>>
      tpu.enqueue_indirect_dma source(%dma_start3A_125 : memref<10000x64xf32, #tpu.memory_space<hbm>>) target(%arg8 : memref<80x64xf32, #tpu.memory_space<vmem>>) offsets(%dma_start3A_122 : memref<80xi32, #tpu.memory_space<vmem>>) semaphore(%arg12 : memref<!tpu.dma_semaphore, #tpu.memory_space<semaphore_mem>>)
      %dma_wait3A_126 = arith.constant 0 : i32
      %dma_wait3A_127 = tpu.memref_slice %arg7[%dma_wait3A_126] : memref<10000xi32, #tpu.memory_space<vmem>> -> memref<80xi32, #tpu.memory_space<vmem>>
      %dma_wait3A_128 = arith.constant 0 : i32
      %dma_wait3A_129 = arith.constant 0 : i32
      %dma_wait3A_130 = tpu.memref_slice %arg11[%dma_wait3A_128, %dma_wait3A_129] : memref<10240x64xf32, #tpu.memory_space<vmem_shared>> -> memref<10240x64xf32, #tpu.memory_space<vmem_shared>>
      tpu.wait_indirect_dma semaphore(%arg15 : memref<!tpu.dma_semaphore, #tpu.memory_space<semaphore_mem>>) src(%arg9 : memref<80x64xf32, #tpu.memory_space<vmem>>) dst(%dma_wait3A_130 : memref<10240x64xf32, #tpu.memory_space<vmem_shared>>)
      %add3A_131 = arith.constant 3 : i32
      %add3A_132 = arith.addi %mul3A_88, %add3A_131 : i32
      %mul3A_133 = arith.constant 80 : i32
      %mul3A_134 = arith.muli %add3A_132, %mul3A_133 : i32
      %dma_start3A_135 = tpu.memref_slice %arg6[%mul3A_134] : memref<10000xi32, #tpu.memory_space<vmem>> -> memref<80xi32, #tpu.memory_space<vmem>>
      %dma_start3A_136 = arith.constant 0 : i32
      %dma_start3A_137 = arith.constant 0 : i32
      %dma_start3A_138 = tpu.memref_slice %arg2[%dma_start3A_136, %dma_start3A_137] : memref<10000x64xf32, #tpu.memory_space<hbm>> -> memref<10000x64xf32, #tpu.memory_space<hbm>>
      tpu.enqueue_indirect_dma source(%dma_start3A_138 : memref<10000x64xf32, #tpu.memory_space<hbm>>) target(%arg9 : memref<80x64xf32, #tpu.memory_space<vmem>>) offsets(%dma_start3A_135 : memref<80xi32, #tpu.memory_space<vmem>>) semaphore(%arg13 : memref<!tpu.dma_semaphore, #tpu.memory_space<semaphore_mem>>)
    }
    %scan3A_31 = arith.constant 61 : i32
    %dma_wait3A = arith.constant 0 : i32
    %dma_wait3A_32 = tpu.memref_slice %arg6[%dma_wait3A] : memref<10000xi32, #tpu.memory_space<vmem>> -> memref<80xi32, #tpu.memory_space<vmem>>
    %dma_wait3A_33 = arith.constant 0 : i32
    %dma_wait3A_34 = arith.constant 0 : i32
    %dma_wait3A_35 = tpu.memref_slice %arg2[%dma_wait3A_33, %dma_wait3A_34] : memref<10000x64xf32, #tpu.memory_space<hbm>> -> memref<10000x64xf32, #tpu.memory_space<hbm>>
    tpu.wait_indirect_dma semaphore(%arg12 : memref<!tpu.dma_semaphore, #tpu.memory_space<semaphore_mem>>) src(%dma_wait3A_35 : memref<10000x64xf32, #tpu.memory_space<hbm>>) dst(%arg8 : memref<80x64xf32, #tpu.memory_space<vmem>>)
    %dma_start3A_36 = arith.constant 9760 : i32
    %dma_start3A_37 = tpu.memref_slice %arg7[%dma_start3A_36] : memref<10000xi32, #tpu.memory_space<vmem>> -> memref<80xi32, #tpu.memory_space<vmem>>
    %dma_start3A_38 = arith.constant 0 : i32
    %dma_start3A_39 = arith.constant 0 : i32
    %dma_start3A_40 = tpu.memref_slice %arg11[%dma_start3A_38, %dma_start3A_39] : memref<10240x64xf32, #tpu.memory_space<vmem_shared>> -> memref<10240x64xf32, #tpu.memory_space<vmem_shared>>
    tpu.enqueue_indirect_dma source(%arg8 : memref<80x64xf32, #tpu.memory_space<vmem>>) target(%dma_start3A_40 : memref<10240x64xf32, #tpu.memory_space<vmem_shared>>) offsets(%dma_start3A_37 : memref<80xi32, #tpu.memory_space<vmem>>) semaphore(%arg14 : memref<!tpu.dma_semaphore, #tpu.memory_space<semaphore_mem>>) {add = true}
    %dma_wait3A_41 = arith.constant 0 : i32
    %dma_wait3A_42 = tpu.memref_slice %arg7[%dma_wait3A_41] : memref<10000xi32, #tpu.memory_space<vmem>> -> memref<80xi32, #tpu.memory_space<vmem>>
    %dma_wait3A_43 = arith.constant 0 : i32
    %dma_wait3A_44 = arith.constant 0 : i32
    %dma_wait3A_45 = tpu.memref_slice %arg11[%dma_wait3A_43, %dma_wait3A_44] : memref<10240x64xf32, #tpu.memory_space<vmem_shared>> -> memref<10240x64xf32, #tpu.memory_space<vmem_shared>>
    tpu.wait_indirect_dma semaphore(%arg14 : memref<!tpu.dma_semaphore, #tpu.memory_space<semaphore_mem>>) src(%arg8 : memref<80x64xf32, #tpu.memory_space<vmem>>) dst(%dma_wait3A_45 : memref<10240x64xf32, #tpu.memory_space<vmem_shared>>)
    %dma_start3A_46 = arith.constant 9920 : i32
    %dma_start3A_47 = tpu.memref_slice %arg6[%dma_start3A_46] : memref<10000xi32, #tpu.memory_space<vmem>> -> memref<80xi32, #tpu.memory_space<vmem>>
    %dma_start3A_48 = arith.constant 0 : i32
    %dma_start3A_49 = arith.constant 0 : i32
    %dma_start3A_50 = tpu.memref_slice %arg2[%dma_start3A_48, %dma_start3A_49] : memref<10000x64xf32, #tpu.memory_space<hbm>> -> memref<10000x64xf32, #tpu.memory_space<hbm>>
    tpu.enqueue_indirect_dma source(%dma_start3A_50 : memref<10000x64xf32, #tpu.memory_space<hbm>>) target(%arg8 : memref<80x64xf32, #tpu.memory_space<vmem>>) offsets(%dma_start3A_47 : memref<80xi32, #tpu.memory_space<vmem>>) semaphore(%arg12 : memref<!tpu.dma_semaphore, #tpu.memory_space<semaphore_mem>>)
    %dma_wait3A_51 = arith.constant 0 : i32
    %dma_wait3A_52 = tpu.memref_slice %arg6[%dma_wait3A_51] : memref<10000xi32, #tpu.memory_space<vmem>> -> memref<80xi32, #tpu.memory_space<vmem>>
    %dma_wait3A_53 = arith.constant 0 : i32
    %dma_wait3A_54 = arith.constant 0 : i32
    %dma_wait3A_55 = tpu.memref_slice %arg2[%dma_wait3A_53, %dma_wait3A_54] : memref<10000x64xf32, #tpu.memory_space<hbm>> -> memref<10000x64xf32, #tpu.memory_space<hbm>>
    tpu.wait_indirect_dma semaphore(%arg13 : memref<!tpu.dma_semaphore, #tpu.memory_space<semaphore_mem>>) src(%dma_wait3A_55 : memref<10000x64xf32, #tpu.memory_space<hbm>>) dst(%arg9 : memref<80x64xf32, #tpu.memory_space<vmem>>)
    %dma_start3A_56 = arith.constant 9840 : i32
    %dma_start3A_57 = tpu.memref_slice %arg7[%dma_start3A_56] : memref<10000xi32, #tpu.memory_space<vmem>> -> memref<80xi32, #tpu.memory_space<vmem>>
    %dma_start3A_58 = arith.constant 0 : i32
    %dma_start3A_59 = arith.constant 0 : i32
    %dma_start3A_60 = tpu.memref_slice %arg11[%dma_start3A_58, %dma_start3A_59] : memref<10240x64xf32, #tpu.memory_space<vmem_shared>> -> memref<10240x64xf32, #tpu.memory_space<vmem_shared>>
    tpu.enqueue_indirect_dma source(%arg9 : memref<80x64xf32, #tpu.memory_space<vmem>>) target(%dma_start3A_60 : memref<10240x64xf32, #tpu.memory_space<vmem_shared>>) offsets(%dma_start3A_57 : memref<80xi32, #tpu.memory_space<vmem>>) semaphore(%arg15 : memref<!tpu.dma_semaphore, #tpu.memory_space<semaphore_mem>>) {add = true}
    %dma_wait3A_61 = arith.constant 0 : i32
    %dma_wait3A_62 = tpu.memref_slice %arg6[%dma_wait3A_61] : memref<10000xi32, #tpu.memory_space<vmem>> -> memref<80xi32, #tpu.memory_space<vmem>>
    %dma_wait3A_63 = arith.constant 0 : i32
    %dma_wait3A_64 = arith.constant 0 : i32
    %dma_wait3A_65 = tpu.memref_slice %arg2[%dma_wait3A_63, %dma_wait3A_64] : memref<10000x64xf32, #tpu.memory_space<hbm>> -> memref<10000x64xf32, #tpu.memory_space<hbm>>
    tpu.wait_indirect_dma semaphore(%arg12 : memref<!tpu.dma_semaphore, #tpu.memory_space<semaphore_mem>>) src(%dma_wait3A_65 : memref<10000x64xf32, #tpu.memory_space<hbm>>) dst(%arg8 : memref<80x64xf32, #tpu.memory_space<vmem>>)
    %dma_start3A_66 = arith.constant 9920 : i32
    %dma_start3A_67 = tpu.memref_slice %arg7[%dma_start3A_66] : memref<10000xi32, #tpu.memory_space<vmem>> -> memref<80xi32, #tpu.memory_space<vmem>>
    %dma_start3A_68 = arith.constant 0 : i32
    %dma_start3A_69 = arith.constant 0 : i32
    %dma_start3A_70 = tpu.memref_slice %arg11[%dma_start3A_68, %dma_start3A_69] : memref<10240x64xf32, #tpu.memory_space<vmem_shared>> -> memref<10240x64xf32, #tpu.memory_space<vmem_shared>>
    tpu.enqueue_indirect_dma source(%arg8 : memref<80x64xf32, #tpu.memory_space<vmem>>) target(%dma_start3A_70 : memref<10240x64xf32, #tpu.memory_space<vmem_shared>>) offsets(%dma_start3A_67 : memref<80xi32, #tpu.memory_space<vmem>>) semaphore(%arg14 : memref<!tpu.dma_semaphore, #tpu.memory_space<semaphore_mem>>) {add = true}
    %dma_wait3A_71 = arith.constant 0 : i32
    %dma_wait3A_72 = tpu.memref_slice %arg7[%dma_wait3A_71] : memref<10000xi32, #tpu.memory_space<vmem>> -> memref<80xi32, #tpu.memory_space<vmem>>
    %dma_wait3A_73 = arith.constant 0 : i32
    %dma_wait3A_74 = arith.constant 0 : i32
    %dma_wait3A_75 = tpu.memref_slice %arg11[%dma_wait3A_73, %dma_wait3A_74] : memref<10240x64xf32, #tpu.memory_space<vmem_shared>> -> memref<10240x64xf32, #tpu.memory_space<vmem_shared>>
    tpu.wait_indirect_dma semaphore(%arg14 : memref<!tpu.dma_semaphore, #tpu.memory_space<semaphore_mem>>) src(%arg8 : memref<80x64xf32, #tpu.memory_space<vmem>>) dst(%dma_wait3A_75 : memref<10240x64xf32, #tpu.memory_space<vmem_shared>>)
    %dma_wait3A_76 = arith.constant 0 : i32
    %dma_wait3A_77 = tpu.memref_slice %arg7[%dma_wait3A_76] : memref<10000xi32, #tpu.memory_space<vmem>> -> memref<80xi32, #tpu.memory_space<vmem>>
    %dma_wait3A_78 = arith.constant 0 : i32
    %dma_wait3A_79 = arith.constant 0 : i32
    %dma_wait3A_80 = tpu.memref_slice %arg11[%dma_wait3A_78, %dma_wait3A_79] : memref<10240x64xf32, #tpu.memory_space<vmem_shared>> -> memref<10240x64xf32, #tpu.memory_space<vmem_shared>>
    tpu.wait_indirect_dma semaphore(%arg15 : memref<!tpu.dma_semaphore, #tpu.memory_space<semaphore_mem>>) src(%arg9 : memref<80x64xf32, #tpu.memory_space<vmem>>) dst(%dma_wait3A_80 : memref<10240x64xf32, #tpu.memory_space<vmem_shared>>)
    %barrier3A_81 = arith.constant 0 : index
    tpu.barrier barrier_id(%barrier3A_81)
    "tpu.region"() ({
      %run_scoped3A = tpu.sem_alloc : memref<!tpu.dma_semaphore, #tpu.memory_space<semaphore_mem>>
      %dma_start3A_82 = arith.constant 0 : i32
      %dma_start3A_83 = tpu.memref_slice %arg5[%arg0, %mul3A_9, %dma_start3A_82] : memref<2x10240x64xf32, #tpu.memory_space<hbm>> -> memref<1x640x64xf32, #tpu.memory_space<hbm>>
      %dma_start3A_84 = tpu.memref_squeeze %dma_start3A_83 : memref<1x640x64xf32, #tpu.memory_space<hbm>> -> memref<640x64xf32, #tpu.memory_space<hbm>>
      %dma_start3A_85 = arith.constant 0 : i32
      %dma_start3A_86 = tpu.memref_slice %arg11[%mul3A_9, %dma_start3A_85] : memref<10240x64xf32, #tpu.memory_space<vmem_shared>> -> memref<640x64xf32, #tpu.memory_space<vmem_shared>>
      tpu.enqueue_dma source(%dma_start3A_86 : memref<640x64xf32, #tpu.memory_space<vmem_shared>>) target(%dma_start3A_84 : memref<640x64xf32, #tpu.memory_space<hbm>>) target_semaphore(%run_scoped3A : memref<!tpu.dma_semaphore, #tpu.memory_space<semaphore_mem>>)
      %dma_wait3A_87 = arith.constant 0 : i32
      %dma_wait3A_88 = tpu.memref_slice %arg5[%arg0, %mul3A_9, %dma_wait3A_87] : memref<2x10240x64xf32, #tpu.memory_space<hbm>> -> memref<1x640x64xf32, #tpu.memory_space<hbm>>
      %dma_wait3A_89 = tpu.memref_squeeze %dma_wait3A_88 : memref<1x640x64xf32, #tpu.memory_space<hbm>> -> memref<640x64xf32, #tpu.memory_space<hbm>>
      %dma_wait3A_90 = arith.constant 0 : i32
      %dma_wait3A_91 = tpu.memref_slice %arg11[%mul3A_9, %dma_wait3A_90] : memref<10240x64xf32, #tpu.memory_space<vmem_shared>> -> memref<640x64xf32, #tpu.memory_space<vmem_shared>>
      tpu.wait_dma2 semaphore(%run_scoped3A : memref<!tpu.dma_semaphore, #tpu.memory_space<semaphore_mem>>) src(%dma_wait3A_91 : memref<640x64xf32, #tpu.memory_space<vmem_shared>>) dst(%dma_wait3A_89 : memref<640x64xf32, #tpu.memory_space<hbm>>)
      tpu.yield
    }) : () -> ()
    return
  }
}

module attributes {stable_mosaic.version = 14 : i64} {
  func.func @_tc0_body(%arg0: i32, %arg1: memref<2000x128xf32, #tpu.memory_space<vmem>>, %arg2: memref<144x64xf32, #tpu.memory_space<vmem>>, %arg3: memref<2000x64xf32, #tpu.memory_space<vmem>>) attributes {dimension_semantics = [#tpu.dimension_semantics<arbitrary>], iteration_bounds = array<i64: 5>, scalar_prefetch = 0 : i64, scratch_operands = 0 : i64, tpu.core_type = #tpu.core_type<tc>, window_params = [{transform_indices = @transform_0, window_bounds = array<i64: 2000, 128>}, {pipeline_mode = #tpu.pipeline_mode<synchronous>, transform_indices = @transform_1, window_bounds = array<i64: 144, 64>}, {transform_indices = @transform_2, window_bounds = array<i64: 2000, 64>}]} {
    %get3A = arith.constant 0 : index
    %get3A_0 = arith.constant 0 : index
    %get3A_1 = vector.load %arg1[%get3A, %get3A_0] : memref<2000x128xf32, #tpu.memory_space<vmem>>, vector<2000x128xf32>
    %get3A_2 = arith.constant 0 : index
    %get3A_3 = arith.constant 0 : index
    %get3A_4 = vector.load %arg2[%get3A_2, %get3A_3] : memref<144x64xf32, #tpu.memory_space<vmem>>, vector<144x64xf32>
    %slice3A = vector.extract_strided_slice %get3A_4 {offsets = [0, 0], sizes = [128, 64], strides = [1, 1]} : vector<144x64xf32> to vector<128x64xf32>
    %dot_general3A = arith.constant dense<0.000000e+00> : vector<2000x64xf32>
    %dot_general3A_5 = tpu.matmul %get3A_1, %slice3A, %dot_general3A {dimension_numbers = #tpu.dot_dimension_numbers<[1], [0], [0], [1], [0, 0, 1, 1], [], []>, transpose_lhs_hint = false} : vector<2000x128xf32>, vector<128x64xf32>, vector<2000x64xf32> -> vector<2000x64xf32>
    %swap3A = arith.constant 0 : index
    %swap3A_6 = arith.constant 0 : index
    %swap3A_7 = vector.load %arg3[%swap3A, %swap3A_6] : memref<2000x64xf32, #tpu.memory_space<vmem>>, vector<2000x64xf32>
    tpu.vector_store %arg3[%swap3A, %swap3A_6], %dot_general3A_5 {strides = array<i32>} : memref<2000x64xf32, #tpu.memory_space<vmem>>, vector<2000x64xf32>,
    return
  }
  func.func @transform_0(%arg0: i32) -> (i32, i32) {
    %c0_i32 = arith.constant 0 : i32
    %c0_i32_0 = arith.constant 0 : i32
    return %arg0, %c0_i32 : i32, i32
  }
  func.func @transform_1(%arg0: i32) -> (i32, i32) {
    %c0_i32 = arith.constant 0 : i32
    %c0_i32_0 = arith.constant 0 : i32
    %c0_i32_1 = arith.constant 0 : i32
    return %c0_i32, %c0_i32_0 : i32, i32
  }
  func.func @transform_2(%arg0: i32) -> (i32, i32) {
    %c0_i32 = arith.constant 0 : i32
    %c0_i32_0 = arith.constant 0 : i32
    return %arg0, %c0_i32 : i32, i32
  }
}

module attributes {stable_mosaic.version = 14 : i64} {
  func.func @_tc1_body(%arg0: i32, %arg1: memref<2000x128xf32, #tpu.memory_space<vmem>>, %arg2: memref<2x2000x64xf32, #tpu.memory_space<vmem>>, %arg3: memref<2x2000x16xf32, #tpu.memory_space<vmem>>, %arg4: memref<2x2000x16xf32, #tpu.memory_space<vmem>>, %arg5: memref<144x64xf32, #tpu.memory_space<vmem>>, %arg6: memref<1x64xf32, #tpu.memory_space<vmem>>, %arg7: memref<128x64xf32, #tpu.memory_space<vmem>>, %arg8: memref<1x64xf32, #tpu.memory_space<vmem>>, %arg9: memref<80x64xf32, #tpu.memory_space<vmem>>, %arg10: memref<2000x64xf32, #tpu.memory_space<vmem>>, %arg11: memref<2000x64xf32, #tpu.memory_space<vmem>>) attributes {dimension_semantics = [#tpu.dimension_semantics<arbitrary>], iteration_bounds = array<i64: 5>, scalar_prefetch = 0 : i64, scratch_operands = 0 : i64, tpu.core_type = #tpu.core_type<tc>, window_params = [{transform_indices = @transform_0, window_bounds = array<i64: 2000, 128>}, {transform_indices = @transform_1, window_bounds = array<i64: 2, 2000, 64>}, {transform_indices = @transform_2, window_bounds = array<i64: 2, 2000, 16>}, {transform_indices = @transform_3, window_bounds = array<i64: 2, 2000, 16>}, {pipeline_mode = #tpu.pipeline_mode<synchronous>, transform_indices = @transform_4, window_bounds = array<i64: 144, 64>}, {pipeline_mode = #tpu.pipeline_mode<synchronous>, transform_indices = @transform_5, window_bounds = array<i64: 1, 64>}, {pipeline_mode = #tpu.pipeline_mode<synchronous>, transform_indices = @transform_6, window_bounds = array<i64: 128, 64>}, {pipeline_mode = #tpu.pipeline_mode<synchronous>, transform_indices = @transform_7, window_bounds = array<i64: 1, 64>}, {pipeline_mode = #tpu.pipeline_mode<synchronous>, transform_indices = @transform_8, window_bounds = array<i64: 80, 64>}, {transform_indices = @transform_9, window_bounds = array<i64: 2000, 64>}, {transform_indices = @transform_10, window_bounds = array<i64: 2000, 64>}]} {
    %get3A = arith.constant 0 : index
    %get3A_0 = arith.constant 0 : index
    %get3A_1 = arith.constant 0 : index
    %get3A_2 = vector.load %arg4[%get3A, %get3A_0, %get3A_1] : memref<2x2000x16xf32, #tpu.memory_space<vmem>>, vector<1x2000x1xf32>
    %get3A_3 = vector.shape_cast %get3A_2 : vector<1x2000x1xf32> to vector<2000x1xf32>
    %get3A_4 = arith.constant 1 : index
    %get3A_5 = arith.constant 0 : index
    %get3A_6 = arith.constant 0 : index
    %get3A_7 = vector.load %arg4[%get3A_4, %get3A_5, %get3A_6] : memref<2x2000x16xf32, #tpu.memory_space<vmem>>, vector<1x2000x1xf32>
    %get3A_8 = vector.shape_cast %get3A_7 : vector<1x2000x1xf32> to vector<2000x1xf32>
    %add3A = arith.addf %get3A_3, %get3A_8 : vector<2000x1xf32>
    %max3A = arith.constant 1.000000e+00 : f32
    %max3A_9 = vector.broadcast %max3A : f32 to vector<2000x1xf32>
    %max3A_10 = arith.maximumf %add3A, %max3A_9 : vector<2000x1xf32>
    %div3A = arith.constant 1.000000e+00 : f32
    %div3A_11 = vector.broadcast %div3A : f32 to vector<2000x1xf32>
    %div3A_12 = arith.divf %div3A_11, %max3A_10 : vector<2000x1xf32>
    %get3A_13 = arith.constant 0 : index
    %get3A_14 = arith.constant 0 : index
    %get3A_15 = arith.constant 0 : index
    %get3A_16 = vector.load %arg3[%get3A_13, %get3A_14, %get3A_15] : memref<2x2000x16xf32, #tpu.memory_space<vmem>>, vector<1x2000x16xf32>
    %get3A_17 = vector.shape_cast %get3A_16 : vector<1x2000x16xf32> to vector<2000x16xf32>
    %get3A_18 = arith.constant 1 : index
    %get3A_19 = arith.constant 0 : index
    %get3A_20 = arith.constant 0 : index
    %get3A_21 = vector.load %arg3[%get3A_18, %get3A_19, %get3A_20] : memref<2x2000x16xf32, #tpu.memory_space<vmem>>, vector<1x2000x16xf32>
    %get3A_22 = vector.shape_cast %get3A_21 : vector<1x2000x16xf32> to vector<2000x16xf32>
    %add3A_23 = arith.addf %get3A_17, %get3A_22 : vector<2000x16xf32>
    %get3A_24 = arith.constant 0 : index
    %get3A_25 = arith.constant 0 : index
    %get3A_26 = arith.constant 0 : index
    %get3A_27 = vector.load %arg2[%get3A_24, %get3A_25, %get3A_26] : memref<2x2000x64xf32, #tpu.memory_space<vmem>>, vector<1x2000x64xf32>
    %get3A_28 = vector.shape_cast %get3A_27 : vector<1x2000x64xf32> to vector<2000x64xf32>
    %get3A_29 = arith.constant 1 : index
    %get3A_30 = arith.constant 0 : index
    %get3A_31 = arith.constant 0 : index
    %get3A_32 = vector.load %arg2[%get3A_29, %get3A_30, %get3A_31] : memref<2x2000x64xf32, #tpu.memory_space<vmem>>, vector<1x2000x64xf32>
    %get3A_33 = vector.shape_cast %get3A_32 : vector<1x2000x64xf32> to vector<2000x64xf32>
    %add3A_34 = arith.addf %get3A_28, %get3A_33 : vector<2000x64xf32>
    %get3A_35 = arith.constant 0 : index
    %get3A_36 = arith.constant 0 : index
    %get3A_37 = vector.load %arg5[%get3A_35, %get3A_36] : memref<144x64xf32, #tpu.memory_space<vmem>>, vector<144x64xf32>
    %slice3A = vector.extract_strided_slice %get3A_37 {offsets = [128, 0], sizes = [16, 64], strides = [1, 1]} : vector<144x64xf32> to vector<16x64xf32>
    %dot_general3A = arith.constant dense<0.000000e+00> : vector<2000x64xf32>
    %dot_general3A_38 = tpu.matmul %add3A_23, %slice3A, %dot_general3A {dimension_numbers = #tpu.dot_dimension_numbers<[1], [0], [0], [1], [0, 0, 1, 1], [], []>, transpose_lhs_hint = false} : vector<2000x16xf32>, vector<16x64xf32>, vector<2000x64xf32> -> vector<2000x64xf32>
    %add3A_39 = arith.addf %add3A_34, %dot_general3A_38 : vector<2000x64xf32>
    %get3A_40 = arith.constant 0 : index
    %get3A_41 = arith.constant 0 : index
    %get3A_42 = vector.load %arg6[%get3A_40, %get3A_41] : memref<1x64xf32, #tpu.memory_space<vmem>>, vector<1x64xf32>
    %mul3A = vector.broadcast %add3A : vector<2000x1xf32> to vector<2000x64xf32>
    %mul3A_43 = vector.broadcast %get3A_42 : vector<1x64xf32> to vector<2000x64xf32>
    %mul3A_44 = arith.mulf %mul3A, %mul3A_43 : vector<2000x64xf32>
    %add3A_45 = arith.addf %add3A_39, %mul3A_44 : vector<2000x64xf32>
    %mul3A_46 = vector.broadcast %div3A_12 : vector<2000x1xf32> to vector<2000x64xf32>
    %mul3A_47 = arith.mulf %add3A_45, %mul3A_46 : vector<2000x64xf32>
    %get3A_48 = arith.constant 0 : index
    %get3A_49 = arith.constant 0 : index
    %get3A_50 = vector.load %arg1[%get3A_48, %get3A_49] : memref<2000x128xf32, #tpu.memory_space<vmem>>, vector<2000x128xf32>
    %get3A_51 = arith.constant 0 : index
    %get3A_52 = arith.constant 0 : index
    %get3A_53 = vector.load %arg7[%get3A_51, %get3A_52] : memref<128x64xf32, #tpu.memory_space<vmem>>, vector<128x64xf32>
    %dot_general3A_54 = arith.constant dense<0.000000e+00> : vector<2000x64xf32>
    %dot_general3A_55 = tpu.matmul %get3A_50, %get3A_53, %dot_general3A_54 {dimension_numbers = #tpu.dot_dimension_numbers<[1], [0], [0], [1], [0, 0, 1, 1], [], []>, transpose_lhs_hint = false} : vector<2000x128xf32>, vector<128x64xf32>, vector<2000x64xf32> -> vector<2000x64xf32>
    %get3A_56 = arith.constant 0 : index
    %get3A_57 = arith.constant 0 : index
    %get3A_58 = vector.load %arg8[%get3A_56, %get3A_57] : memref<1x64xf32, #tpu.memory_space<vmem>>, vector<1x64xf32>
    %add3A_59 = vector.broadcast %get3A_58 : vector<1x64xf32> to vector<2000x64xf32>
    %add3A_60 = arith.addf %dot_general3A_55, %add3A_59 : vector<2000x64xf32>
    %add3A_61 = arith.addf %add3A_60, %mul3A_47 : vector<2000x64xf32>
    %max3A_62 = arith.constant 0.000000e+00 : f32
    %max3A_63 = vector.broadcast %max3A_62 : f32 to vector<2000x64xf32>
    %max3A_64 = arith.maximumf %add3A_61, %max3A_63 : vector<2000x64xf32>
    %swap3A = arith.constant 0 : index
    %swap3A_65 = arith.constant 0 : index
    %swap3A_66 = vector.load %arg10[%swap3A, %swap3A_65] : memref<2000x64xf32, #tpu.memory_space<vmem>>, vector<2000x64xf32>
    tpu.vector_store %arg10[%swap3A, %swap3A_65], %max3A_64 {strides = array<i32>} : memref<2000x64xf32, #tpu.memory_space<vmem>>, vector<2000x64xf32>,
    %get3A_67 = arith.constant 0 : index
    %get3A_68 = arith.constant 0 : index
    %get3A_69 = vector.load %arg9[%get3A_67, %get3A_68] : memref<80x64xf32, #tpu.memory_space<vmem>>, vector<80x64xf32>
    %slice3A_70 = vector.extract_strided_slice %get3A_69 {offsets = [0, 0], sizes = [64, 64], strides = [1, 1]} : vector<80x64xf32> to vector<64x64xf32>
    %dot_general3A_71 = arith.constant dense<0.000000e+00> : vector<2000x64xf32>
    %dot_general3A_72 = tpu.matmul %max3A_64, %slice3A_70, %dot_general3A_71 {dimension_numbers = #tpu.dot_dimension_numbers<[1], [0], [0], [1], [0, 0, 1, 1], [], []>, transpose_lhs_hint = false} : vector<2000x64xf32>, vector<64x64xf32>, vector<2000x64xf32> -> vector<2000x64xf32>
    %swap3A_73 = arith.constant 0 : index
    %swap3A_74 = arith.constant 0 : index
    %swap3A_75 = vector.load %arg11[%swap3A_73, %swap3A_74] : memref<2000x64xf32, #tpu.memory_space<vmem>>, vector<2000x64xf32>
    tpu.vector_store %arg11[%swap3A_73, %swap3A_74], %dot_general3A_72 {strides = array<i32>} : memref<2000x64xf32, #tpu.memory_space<vmem>>, vector<2000x64xf32>,
    return
  }
  func.func @transform_0(%arg0: i32) -> (i32, i32) {
    %c0_i32 = arith.constant 0 : i32
    %c0_i32_0 = arith.constant 0 : i32
    return %arg0, %c0_i32 : i32, i32
  }
  func.func @transform_1(%arg0: i32) -> (i32, i32, i32) {
    %c0_i32 = arith.constant 0 : i32
    %c0_i32_0 = arith.constant 0 : i32
    %c0_i32_1 = arith.constant 0 : i32
    return %c0_i32, %arg0, %c0_i32_0 : i32, i32, i32
  }
  func.func @transform_2(%arg0: i32) -> (i32, i32, i32) {
    %c0_i32 = arith.constant 0 : i32
    %c0_i32_0 = arith.constant 0 : i32
    %c0_i32_1 = arith.constant 0 : i32
    return %c0_i32, %arg0, %c0_i32_0 : i32, i32, i32
  }
  func.func @transform_3(%arg0: i32) -> (i32, i32, i32) {
    %c0_i32 = arith.constant 0 : i32
    %c0_i32_0 = arith.constant 0 : i32
    %c0_i32_1 = arith.constant 0 : i32
    return %c0_i32, %arg0, %c0_i32_0 : i32, i32, i32
  }
  func.func @transform_4(%arg0: i32) -> (i32, i32) {
    %c0_i32 = arith.constant 0 : i32
    %c0_i32_0 = arith.constant 0 : i32
    %c0_i32_1 = arith.constant 0 : i32
    return %c0_i32, %c0_i32_0 : i32, i32
  }
  func.func @transform_5(%arg0: i32) -> (i32, i32) {
    %c0_i32 = arith.constant 0 : i32
    %c0_i32_0 = arith.constant 0 : i32
    %c0_i32_1 = arith.constant 0 : i32
    return %c0_i32, %c0_i32_0 : i32, i32
  }
  func.func @transform_6(%arg0: i32) -> (i32, i32) {
    %c0_i32 = arith.constant 0 : i32
    %c0_i32_0 = arith.constant 0 : i32
    %c0_i32_1 = arith.constant 0 : i32
    return %c0_i32, %c0_i32_0 : i32, i32
  }
  func.func @transform_7(%arg0: i32) -> (i32, i32) {
    %c0_i32 = arith.constant 0 : i32
    %c0_i32_0 = arith.constant 0 : i32
    %c0_i32_1 = arith.constant 0 : i32
    return %c0_i32, %c0_i32_0 : i32, i32
  }
  func.func @transform_8(%arg0: i32) -> (i32, i32) {
    %c0_i32 = arith.constant 0 : i32
    %c0_i32_0 = arith.constant 0 : i32
    %c0_i32_1 = arith.constant 0 : i32
    return %c0_i32, %c0_i32_0 : i32, i32
  }
  func.func @transform_9(%arg0: i32) -> (i32, i32) {
    %c0_i32 = arith.constant 0 : i32
    %c0_i32_0 = arith.constant 0 : i32
    return %arg0, %c0_i32 : i32, i32
  }
  func.func @transform_10(%arg0: i32) -> (i32, i32) {
    %c0_i32 = arith.constant 0 : i32
    %c0_i32_0 = arith.constant 0 : i32
    return %arg0, %c0_i32 : i32, i32
  }
}

module attributes {stable_mosaic.version = 14 : i64} {
  func.func @_tc2_body(%arg0: i32, %arg1: memref<2000x64xf32, #tpu.memory_space<vmem>>, %arg2: memref<2x2000x64xf32, #tpu.memory_space<vmem>>, %arg3: memref<2x2000x16xf32, #tpu.memory_space<vmem>>, %arg4: memref<2x2000x16xf32, #tpu.memory_space<vmem>>, %arg5: memref<80x64xf32, #tpu.memory_space<vmem>>, %arg6: memref<1x64xf32, #tpu.memory_space<vmem>>, %arg7: memref<64x64xf32, #tpu.memory_space<vmem>>, %arg8: memref<1x64xf32, #tpu.memory_space<vmem>>, %arg9: memref<64x256xf32, #tpu.memory_space<vmem>>, %arg10: memref<1x256xf32, #tpu.memory_space<vmem>>, %arg11: memref<256x128xf32, #tpu.memory_space<vmem>>, %arg12: memref<1x128xf32, #tpu.memory_space<vmem>>, %arg13: memref<128x64xf32, #tpu.memory_space<vmem>>, %arg14: memref<1x64xf32, #tpu.memory_space<vmem>>, %arg15: memref<64x128xf32, #tpu.memory_space<vmem>>, %arg16: memref<1x128xf32, #tpu.memory_space<vmem>>, %arg17: memref<128x64xf32, #tpu.memory_space<vmem>>, %arg18: memref<1x64xf32, #tpu.memory_space<vmem>>, %arg19: memref<64x64xf32, #tpu.memory_space<vmem>>, %arg20: memref<1x64xf32, #tpu.memory_space<vmem>>, %arg21: memref<1x128xf32, #tpu.memory_space<vmem>>, %arg22: memref<1x64xf32, #tpu.memory_space<vmem>>, %arg23: memref<1x64xf32, #tpu.memory_space<vmem>>) attributes {dimension_semantics = [#tpu.dimension_semantics<arbitrary>], iteration_bounds = array<i64: 5>, scalar_prefetch = 0 : i64, scratch_operands = 1 : i64, tpu.core_type = #tpu.core_type<tc>, window_params = [{transform_indices = @transform_0, window_bounds = array<i64: 2000, 64>}, {transform_indices = @transform_1, window_bounds = array<i64: 2, 2000, 64>}, {transform_indices = @transform_2, window_bounds = array<i64: 2, 2000, 16>}, {transform_indices = @transform_3, window_bounds = array<i64: 2, 2000, 16>}, {pipeline_mode = #tpu.pipeline_mode<synchronous>, transform_indices = @transform_4, window_bounds = array<i64: 80, 64>}, {pipeline_mode = #tpu.pipeline_mode<synchronous>, transform_indices = @transform_5, window_bounds = array<i64: 1, 64>}, {pipeline_mode = #tpu.pipeline_mode<synchronous>, transform_indices = @transform_6, window_bounds = array<i64: 64, 64>}, {pipeline_mode = #tpu.pipeline_mode<synchronous>, transform_indices = @transform_7, window_bounds = array<i64: 1, 64>}, {pipeline_mode = #tpu.pipeline_mode<synchronous>, transform_indices = @transform_8, window_bounds = array<i64: 64, 256>}, {pipeline_mode = #tpu.pipeline_mode<synchronous>, transform_indices = @transform_9, window_bounds = array<i64: 1, 256>}, {pipeline_mode = #tpu.pipeline_mode<synchronous>, transform_indices = @transform_10, window_bounds = array<i64: 256, 128>}, {pipeline_mode = #tpu.pipeline_mode<synchronous>, transform_indices = @transform_11, window_bounds = array<i64: 1, 128>}, {pipeline_mode = #tpu.pipeline_mode<synchronous>, transform_indices = @transform_12, window_bounds = array<i64: 128, 64>}, {pipeline_mode = #tpu.pipeline_mode<synchronous>, transform_indices = @transform_13, window_bounds = array<i64: 1, 64>}, {pipeline_mode = #tpu.pipeline_mode<synchronous>, transform_indices = @transform_14, window_bounds = array<i64: 64, 128>}, {pipeline_mode = #tpu.pipeline_mode<synchronous>, transform_indices = @transform_15, window_bounds = array<i64: 1, 128>}, {pipeline_mode = #tpu.pipeline_mode<synchronous>, transform_indices = @transform_16, window_bounds = array<i64: 128, 64>}, {pipeline_mode = #tpu.pipeline_mode<synchronous>, transform_indices = @transform_17, window_bounds = array<i64: 1, 64>}, {pipeline_mode = #tpu.pipeline_mode<synchronous>, transform_indices = @transform_18, window_bounds = array<i64: 64, 64>}, {pipeline_mode = #tpu.pipeline_mode<synchronous>, transform_indices = @transform_19, window_bounds = array<i64: 1, 64>}, {pipeline_mode = #tpu.pipeline_mode<synchronous>, transform_indices = @transform_20, window_bounds = array<i64: 1, 128>}, {pipeline_mode = #tpu.pipeline_mode<synchronous>, transform_indices = @transform_21, window_bounds = array<i64: 1, 64>}]} {
    %eq3A = arith.constant 0 : i32
    %eq3A_0 = arith.cmpi eq, %arg0, %eq3A : i32
    %convert_element_type3A = arith.extui %eq3A_0 : i1 to i32
    %cond3A = arith.constant 0 : i32
    %cond3A_1 = arith.cmpi ne, %convert_element_type3A, %cond3A : i32
    scf.if %cond3A_1 {
      %broadcast_in_dim3A_79 = arith.constant 0.000000e+00 : f32
      %broadcast_in_dim3A_80 = vector.broadcast %broadcast_in_dim3A_79 : f32 to vector<1x64xf32>
      %swap3A_81 = arith.constant 0 : index
      %swap3A_82 = arith.constant 0 : index
      %swap3A_83 = vector.load %arg23[%swap3A_81, %swap3A_82] : memref<1x64xf32, #tpu.memory_space<vmem>>, vector<1x64xf32>
      tpu.vector_store %arg23[%swap3A_81, %swap3A_82], %broadcast_in_dim3A_80 {strides = array<i32>} : memref<1x64xf32, #tpu.memory_space<vmem>>, vector<1x64xf32>,
    } else {
    }
    %get3A = arith.constant 0 : index
    %get3A_2 = arith.constant 0 : index
    %get3A_3 = arith.constant 0 : index
    %get3A_4 = vector.load %arg4[%get3A, %get3A_2, %get3A_3] : memref<2x2000x16xf32, #tpu.memory_space<vmem>>, vector<1x2000x1xf32>
    %get3A_5 = vector.shape_cast %get3A_4 : vector<1x2000x1xf32> to vector<2000x1xf32>
    %get3A_6 = arith.constant 1 : index
    %get3A_7 = arith.constant 0 : index
    %get3A_8 = arith.constant 0 : index
    %get3A_9 = vector.load %arg4[%get3A_6, %get3A_7, %get3A_8] : memref<2x2000x16xf32, #tpu.memory_space<vmem>>, vector<1x2000x1xf32>
    %get3A_10 = vector.shape_cast %get3A_9 : vector<1x2000x1xf32> to vector<2000x1xf32>
    %add3A = arith.addf %get3A_5, %get3A_10 : vector<2000x1xf32>
    %max3A = arith.constant 1.000000e+00 : f32
    %max3A_11 = vector.broadcast %max3A : f32 to vector<2000x1xf32>
    %max3A_12 = arith.maximumf %add3A, %max3A_11 : vector<2000x1xf32>
    %div3A = arith.constant 1.000000e+00 : f32
    %div3A_13 = vector.broadcast %div3A : f32 to vector<2000x1xf32>
    %div3A_14 = arith.divf %div3A_13, %max3A_12 : vector<2000x1xf32>
    %get3A_15 = arith.constant 0 : index
    %get3A_16 = arith.constant 0 : index
    %get3A_17 = arith.constant 0 : index
    %get3A_18 = vector.load %arg3[%get3A_15, %get3A_16, %get3A_17] : memref<2x2000x16xf32, #tpu.memory_space<vmem>>, vector<1x2000x16xf32>
    %get3A_19 = vector.shape_cast %get3A_18 : vector<1x2000x16xf32> to vector<2000x16xf32>
    %get3A_20 = arith.constant 1 : index
    %get3A_21 = arith.constant 0 : index
    %get3A_22 = arith.constant 0 : index
    %get3A_23 = vector.load %arg3[%get3A_20, %get3A_21, %get3A_22] : memref<2x2000x16xf32, #tpu.memory_space<vmem>>, vector<1x2000x16xf32>
    %get3A_24 = vector.shape_cast %get3A_23 : vector<1x2000x16xf32> to vector<2000x16xf32>
    %add3A_25 = arith.addf %get3A_19, %get3A_24 : vector<2000x16xf32>
    %get3A_26 = arith.constant 0 : index
    %get3A_27 = arith.constant 0 : index
    %get3A_28 = arith.constant 0 : index
    %get3A_29 = vector.load %arg2[%get3A_26, %get3A_27, %get3A_28] : memref<2x2000x64xf32, #tpu.memory_space<vmem>>, vector<1x2000x64xf32>
    %get3A_30 = vector.shape_cast %get3A_29 : vector<1x2000x64xf32> to vector<2000x64xf32>
    %get3A_31 = arith.constant 1 : index
    %get3A_32 = arith.constant 0 : index
    %get3A_33 = arith.constant 0 : index
    %get3A_34 = vector.load %arg2[%get3A_31, %get3A_32, %get3A_33] : memref<2x2000x64xf32, #tpu.memory_space<vmem>>, vector<1x2000x64xf32>
    %get3A_35 = vector.shape_cast %get3A_34 : vector<1x2000x64xf32> to vector<2000x64xf32>
    %add3A_36 = arith.addf %get3A_30, %get3A_35 : vector<2000x64xf32>
    %get3A_37 = arith.constant 0 : index
    %get3A_38 = arith.constant 0 : index
    %get3A_39 = vector.load %arg5[%get3A_37, %get3A_38] : memref<80x64xf32, #tpu.memory_space<vmem>>, vector<80x64xf32>
    %slice3A = vector.extract_strided_slice %get3A_39 {offsets = [64, 0], sizes = [16, 64], strides = [1, 1]} : vector<80x64xf32> to vector<16x64xf32>
    %dot_general3A = arith.constant dense<0.000000e+00> : vector<2000x64xf32>
    %dot_general3A_40 = tpu.matmul %add3A_25, %slice3A, %dot_general3A {dimension_numbers = #tpu.dot_dimension_numbers<[1], [0], [0], [1], [0, 0, 1, 1], [], []>, transpose_lhs_hint = false} : vector<2000x16xf32>, vector<16x64xf32>, vector<2000x64xf32> -> vector<2000x64xf32>
    %add3A_41 = arith.addf %add3A_36, %dot_general3A_40 : vector<2000x64xf32>
    %get3A_42 = arith.constant 0 : index
    %get3A_43 = arith.constant 0 : index
    %get3A_44 = vector.load %arg6[%get3A_42, %get3A_43] : memref<1x64xf32, #tpu.memory_space<vmem>>, vector<1x64xf32>
    %mul3A = vector.broadcast %add3A : vector<2000x1xf32> to vector<2000x64xf32>
    %mul3A_45 = vector.broadcast %get3A_44 : vector<1x64xf32> to vector<2000x64xf32>
    %mul3A_46 = arith.mulf %mul3A, %mul3A_45 : vector<2000x64xf32>
    %add3A_47 = arith.addf %add3A_41, %mul3A_46 : vector<2000x64xf32>
    %mul3A_48 = vector.broadcast %div3A_14 : vector<2000x1xf32> to vector<2000x64xf32>
    %mul3A_49 = arith.mulf %add3A_47, %mul3A_48 : vector<2000x64xf32>
    %get3A_50 = arith.constant 0 : index
    %get3A_51 = arith.constant 0 : index
    %get3A_52 = vector.load %arg1[%get3A_50, %get3A_51] : memref<2000x64xf32, #tpu.memory_space<vmem>>, vector<2000x64xf32>
    %get3A_53 = arith.constant 0 : index
    %get3A_54 = arith.constant 0 : index
    %get3A_55 = vector.load %arg7[%get3A_53, %get3A_54] : memref<64x64xf32, #tpu.memory_space<vmem>>, vector<64x64xf32>
    %dot_general3A_56 = arith.constant dense<0.000000e+00> : vector<2000x64xf32>
    %dot_general3A_57 = tpu.matmul %get3A_52, %get3A_55, %dot_general3A_56 {dimension_numbers = #tpu.dot_dimension_numbers<[1], [0], [0], [1], [0, 0, 1, 1], [], []>, transpose_lhs_hint = false} : vector<2000x64xf32>, vector<64x64xf32>, vector<2000x64xf32> -> vector<2000x64xf32>
    %get3A_58 = arith.constant 0 : index
    %get3A_59 = arith.constant 0 : index
    %get3A_60 = vector.load %arg8[%get3A_58, %get3A_59] : memref<1x64xf32, #tpu.memory_space<vmem>>, vector<1x64xf32>
    %add3A_61 = vector.broadcast %get3A_60 : vector<1x64xf32> to vector<2000x64xf32>
    %add3A_62 = arith.addf %dot_general3A_57, %add3A_61 : vector<2000x64xf32>
    %add3A_63 = arith.addf %add3A_62, %mul3A_49 : vector<2000x64xf32>
    %max3A_64 = arith.constant 0.000000e+00 : f32
    %max3A_65 = vector.broadcast %max3A_64 : f32 to vector<2000x64xf32>
    %max3A_66 = arith.maximumf %add3A_63, %max3A_65 : vector<2000x64xf32>
    %get3A_67 = arith.constant 0 : index
    %get3A_68 = arith.constant 0 : index
    %get3A_69 = vector.load %arg23[%get3A_67, %get3A_68] : memref<1x64xf32, #tpu.memory_space<vmem>>, vector<1x64xf32>
    %reduce_sum3A = arith.constant dense<0.000000e+00> : vector<64xf32>
    %reduce_sum3A_70 = vector.multi_reduction <add>, %max3A_66, %reduce_sum3A [0] : vector<2000x64xf32> to vector<64xf32>
    %broadcast_in_dim3A = vector.shape_cast %reduce_sum3A_70 : vector<64xf32> to vector<1x64xf32>
    %add3A_71 = arith.addf %get3A_69, %broadcast_in_dim3A : vector<1x64xf32>
    %swap3A = arith.constant 0 : index
    %swap3A_72 = arith.constant 0 : index
    %swap3A_73 = vector.load %arg23[%swap3A, %swap3A_72] : memref<1x64xf32, #tpu.memory_space<vmem>>, vector<1x64xf32>
    tpu.vector_store %arg23[%swap3A, %swap3A_72], %add3A_71 {strides = array<i32>} : memref<1x64xf32, #tpu.memory_space<vmem>>, vector<1x64xf32>,
    %eq3A_74 = arith.constant 4 : i32
    %eq3A_75 = arith.cmpi eq, %arg0, %eq3A_74 : i32
    %convert_element_type3A_76 = arith.extui %eq3A_75 : i1 to i32
    %cond3A_77 = arith.constant 0 : i32
    %cond3A_78 = arith.cmpi ne, %convert_element_type3A_76, %cond3A_77 : i32
    scf.if %cond3A_78 {
      %get3A_79 = arith.constant 0 : index
      %get3A_80 = arith.constant 0 : index
      %get3A_81 = vector.load %arg23[%get3A_79, %get3A_80] : memref<1x64xf32, #tpu.memory_space<vmem>>, vector<1x64xf32>
      %mul3A_82 = arith.constant 9.99999974E-5 : f32
      %mul3A_83 = vector.broadcast %mul3A_82 : f32 to vector<1x64xf32>
      %mul3A_84 = arith.mulf %get3A_81, %mul3A_83 : vector<1x64xf32>
      %get3A_85 = arith.constant 0 : index
      %get3A_86 = arith.constant 0 : index
      %get3A_87 = vector.load %arg9[%get3A_85, %get3A_86] : memref<64x256xf32, #tpu.memory_space<vmem>>, vector<64x256xf32>
      %dot_general3A_88 = arith.constant dense<0.000000e+00> : vector<1x256xf32>
      %dot_general3A_89 = tpu.matmul %mul3A_84, %get3A_87, %dot_general3A_88 {dimension_numbers = #tpu.dot_dimension_numbers<[1], [0], [0], [1], [0, 0, 1, 1], [], []>, transpose_lhs_hint = false} : vector<1x64xf32>, vector<64x256xf32>, vector<1x256xf32> -> vector<1x256xf32>
      %get3A_90 = arith.constant 0 : index
      %get3A_91 = arith.constant 0 : index
      %get3A_92 = vector.load %arg10[%get3A_90, %get3A_91] : memref<1x256xf32, #tpu.memory_space<vmem>>, vector<1x256xf32>
      %add3A_93 = arith.addf %dot_general3A_89, %get3A_92 : vector<1x256xf32>
      %max3A_94 = arith.constant 0.000000e+00 : f32
      %max3A_95 = vector.broadcast %max3A_94 : f32 to vector<1x256xf32>
      %max3A_96 = arith.maximumf %add3A_93, %max3A_95 : vector<1x256xf32>
      %get3A_97 = arith.constant 0 : index
      %get3A_98 = arith.constant 0 : index
      %get3A_99 = vector.load %arg11[%get3A_97, %get3A_98] : memref<256x128xf32, #tpu.memory_space<vmem>>, vector<256x128xf32>
      %dot_general3A_100 = arith.constant dense<0.000000e+00> : vector<1x128xf32>
      %dot_general3A_101 = tpu.matmul %max3A_96, %get3A_99, %dot_general3A_100 {dimension_numbers = #tpu.dot_dimension_numbers<[1], [0], [0], [1], [0, 0, 1, 1], [], []>, transpose_lhs_hint = false} : vector<1x256xf32>, vector<256x128xf32>, vector<1x128xf32> -> vector<1x128xf32>
      %get3A_102 = arith.constant 0 : index
      %get3A_103 = arith.constant 0 : index
      %get3A_104 = vector.load %arg12[%get3A_102, %get3A_103] : memref<1x128xf32, #tpu.memory_space<vmem>>, vector<1x128xf32>
      %add3A_105 = arith.addf %dot_general3A_101, %get3A_104 : vector<1x128xf32>
      %max3A_106 = arith.constant 0.000000e+00 : f32
      %max3A_107 = vector.broadcast %max3A_106 : f32 to vector<1x128xf32>
      %max3A_108 = arith.maximumf %add3A_105, %max3A_107 : vector<1x128xf32>
      %get3A_109 = arith.constant 0 : index
      %get3A_110 = arith.constant 0 : index
      %get3A_111 = vector.load %arg13[%get3A_109, %get3A_110] : memref<128x64xf32, #tpu.memory_space<vmem>>, vector<128x64xf32>
      %dot_general3A_112 = arith.constant dense<0.000000e+00> : vector<1x64xf32>
      %dot_general3A_113 = tpu.matmul %max3A_108, %get3A_111, %dot_general3A_112 {dimension_numbers = #tpu.dot_dimension_numbers<[1], [0], [0], [1], [0, 0, 1, 1], [], []>, transpose_lhs_hint = false} : vector<1x128xf32>, vector<128x64xf32>, vector<1x64xf32> -> vector<1x64xf32>
      %get3A_114 = arith.constant 0 : index
      %get3A_115 = arith.constant 0 : index
      %get3A_116 = vector.load %arg14[%get3A_114, %get3A_115] : memref<1x64xf32, #tpu.memory_space<vmem>>, vector<1x64xf32>
      %add3A_117 = arith.addf %dot_general3A_113, %get3A_116 : vector<1x64xf32>
      %max3A_118 = arith.constant 0.000000e+00 : f32
      %max3A_119 = vector.broadcast %max3A_118 : f32 to vector<1x64xf32>
      %max3A_120 = arith.maximumf %add3A_117, %max3A_119 : vector<1x64xf32>
      %get3A_121 = arith.constant 0 : index
      %get3A_122 = arith.constant 0 : index
      %get3A_123 = vector.load %arg15[%get3A_121, %get3A_122] : memref<64x128xf32, #tpu.memory_space<vmem>>, vector<64x128xf32>
      %dot_general3A_124 = arith.constant dense<0.000000e+00> : vector<1x128xf32>
      %dot_general3A_125 = tpu.matmul %max3A_120, %get3A_123, %dot_general3A_124 {dimension_numbers = #tpu.dot_dimension_numbers<[1], [0], [0], [1], [0, 0, 1, 1], [], []>, transpose_lhs_hint = false} : vector<1x64xf32>, vector<64x128xf32>, vector<1x128xf32> -> vector<1x128xf32>
      %get3A_126 = arith.constant 0 : index
      %get3A_127 = arith.constant 0 : index
      %get3A_128 = vector.load %arg16[%get3A_126, %get3A_127] : memref<1x128xf32, #tpu.memory_space<vmem>>, vector<1x128xf32>
      %add3A_129 = arith.addf %dot_general3A_125, %get3A_128 : vector<1x128xf32>
      %logistic3A = arith.negf %add3A_129 : vector<1x128xf32>
      %logistic3A_130 = math.exp %logistic3A : vector<1x128xf32>
      %logistic3A_131 = arith.constant 1.000000e+00 : f32
      %logistic3A_132 = vector.broadcast %logistic3A_131 : f32 to vector<1x128xf32>
      %logistic3A_133 = arith.addf %logistic3A_132, %logistic3A_130 : vector<1x128xf32>
      %logistic3A_134 = arith.divf %logistic3A_132, %logistic3A_133 : vector<1x128xf32>
      %swap3A_135 = arith.constant 0 : index
      %swap3A_136 = arith.constant 0 : index
      %swap3A_137 = vector.load %arg21[%swap3A_135, %swap3A_136] : memref<1x128xf32, #tpu.memory_space<vmem>>, vector<1x128xf32>
      tpu.vector_store %arg21[%swap3A_135, %swap3A_136], %logistic3A_134 {strides = array<i32>} : memref<1x128xf32, #tpu.memory_space<vmem>>, vector<1x128xf32>,
      %get3A_138 = arith.constant 0 : index
      %get3A_139 = arith.constant 0 : index
      %get3A_140 = vector.load %arg17[%get3A_138, %get3A_139] : memref<128x64xf32, #tpu.memory_space<vmem>>, vector<128x64xf32>
      %dot_general3A_141 = arith.constant dense<0.000000e+00> : vector<1x64xf32>
      %dot_general3A_142 = tpu.matmul %max3A_108, %get3A_140, %dot_general3A_141 {dimension_numbers = #tpu.dot_dimension_numbers<[1], [0], [0], [1], [0, 0, 1, 1], [], []>, transpose_lhs_hint = false} : vector<1x128xf32>, vector<128x64xf32>, vector<1x64xf32> -> vector<1x64xf32>
      %get3A_143 = arith.constant 0 : index
      %get3A_144 = arith.constant 0 : index
      %get3A_145 = vector.load %arg18[%get3A_143, %get3A_144] : memref<1x64xf32, #tpu.memory_space<vmem>>, vector<1x64xf32>
      %add3A_146 = arith.addf %dot_general3A_142, %get3A_145 : vector<1x64xf32>
      %max3A_147 = arith.constant 0.000000e+00 : f32
      %max3A_148 = vector.broadcast %max3A_147 : f32 to vector<1x64xf32>
      %max3A_149 = arith.maximumf %add3A_146, %max3A_148 : vector<1x64xf32>
      %get3A_150 = arith.constant 0 : index
      %get3A_151 = arith.constant 0 : index
      %get3A_152 = vector.load %arg19[%get3A_150, %get3A_151] : memref<64x64xf32, #tpu.memory_space<vmem>>, vector<64x64xf32>
      %dot_general3A_153 = arith.constant dense<0.000000e+00> : vector<1x64xf32>
      %dot_general3A_154 = tpu.matmul %max3A_149, %get3A_152, %dot_general3A_153 {dimension_numbers = #tpu.dot_dimension_numbers<[1], [0], [0], [1], [0, 0, 1, 1], [], []>, transpose_lhs_hint = false} : vector<1x64xf32>, vector<64x64xf32>, vector<1x64xf32> -> vector<1x64xf32>
      %get3A_155 = arith.constant 0 : index
      %get3A_156 = arith.constant 0 : index
      %get3A_157 = vector.load %arg20[%get3A_155, %get3A_156] : memref<1x64xf32, #tpu.memory_space<vmem>>, vector<1x64xf32>
      %add3A_158 = arith.addf %dot_general3A_154, %get3A_157 : vector<1x64xf32>
      %logistic3A_159 = arith.negf %add3A_158 : vector<1x64xf32>
      %logistic3A_160 = math.exp %logistic3A_159 : vector<1x64xf32>
      %logistic3A_161 = arith.constant 1.000000e+00 : f32
      %logistic3A_162 = vector.broadcast %logistic3A_161 : f32 to vector<1x64xf32>
      %logistic3A_163 = arith.addf %logistic3A_162, %logistic3A_160 : vector<1x64xf32>
      %logistic3A_164 = arith.divf %logistic3A_162, %logistic3A_163 : vector<1x64xf32>
      %swap3A_165 = arith.constant 0 : index
      %swap3A_166 = arith.constant 0 : index
      %swap3A_167 = vector.load %arg22[%swap3A_165, %swap3A_166] : memref<1x64xf32, #tpu.memory_space<vmem>>, vector<1x64xf32>
      tpu.vector_store %arg22[%swap3A_165, %swap3A_166], %logistic3A_164 {strides = array<i32>} : memref<1x64xf32, #tpu.memory_space<vmem>>, vector<1x64xf32>,
    } else {
    }
    return
  }
  func.func @transform_0(%arg0: i32) -> (i32, i32) {
    %c0_i32 = arith.constant 0 : i32
    %c0_i32_0 = arith.constant 0 : i32
    return %arg0, %c0_i32 : i32, i32
  }
  func.func @transform_1(%arg0: i32) -> (i32, i32, i32) {
    %c0_i32 = arith.constant 0 : i32
    %c0_i32_0 = arith.constant 0 : i32
    %c0_i32_1 = arith.constant 0 : i32
    return %c0_i32, %arg0, %c0_i32_0 : i32, i32, i32
  }
  func.func @transform_2(%arg0: i32) -> (i32, i32, i32) {
    %c0_i32 = arith.constant 0 : i32
    %c0_i32_0 = arith.constant 0 : i32
    %c0_i32_1 = arith.constant 0 : i32
    return %c0_i32, %arg0, %c0_i32_0 : i32, i32, i32
  }
  func.func @transform_3(%arg0: i32) -> (i32, i32, i32) {
    %c0_i32 = arith.constant 0 : i32
    %c0_i32_0 = arith.constant 0 : i32
    %c0_i32_1 = arith.constant 0 : i32
    return %c0_i32, %arg0, %c0_i32_0 : i32, i32, i32
  }
  func.func @transform_4(%arg0: i32) -> (i32, i32) {
    %c0_i32 = arith.constant 0 : i32
    %c0_i32_0 = arith.constant 0 : i32
    %c0_i32_1 = arith.constant 0 : i32
    return %c0_i32, %c0_i32_0 : i32, i32
  }
  func.func @transform_5(%arg0: i32) -> (i32, i32) {
    %c0_i32 = arith.constant 0 : i32
    %c0_i32_0 = arith.constant 0 : i32
    %c0_i32_1 = arith.constant 0 : i32
    return %c0_i32, %c0_i32_0 : i32, i32
  }
  func.func @transform_6(%arg0: i32) -> (i32, i32) {
    %c0_i32 = arith.constant 0 : i32
    %c0_i32_0 = arith.constant 0 : i32
    %c0_i32_1 = arith.constant 0 : i32
    return %c0_i32, %c0_i32_0 : i32, i32
  }
  func.func @transform_7(%arg0: i32) -> (i32, i32) {
    %c0_i32 = arith.constant 0 : i32
    %c0_i32_0 = arith.constant 0 : i32
    %c0_i32_1 = arith.constant 0 : i32
    return %c0_i32, %c0_i32_0 : i32, i32
  }
  func.func @transform_8(%arg0: i32) -> (i32, i32) {
    %c0_i32 = arith.constant 0 : i32
    %c0_i32_0 = arith.constant 0 : i32
    %c0_i32_1 = arith.constant 0 : i32
    return %c0_i32, %c0_i32_0 : i32, i32
  }
  func.func @transform_9(%arg0: i32) -> (i32, i32) {
    %c0_i32 = arith.constant 0 : i32
    %c0_i32_0 = arith.constant 0 : i32
    %c0_i32_1 = arith.constant 0 : i32
    return %c0_i32, %c0_i32_0 : i32, i32
  }
  func.func @transform_10(%arg0: i32) -> (i32, i32) {
    %c0_i32 = arith.constant 0 : i32
    %c0_i32_0 = arith.constant 0 : i32
    %c0_i32_1 = arith.constant 0 : i32
    return %c0_i32, %c0_i32_0 : i32, i32
  }
  func.func @transform_11(%arg0: i32) -> (i32, i32) {
    %c0_i32 = arith.constant 0 : i32
    %c0_i32_0 = arith.constant 0 : i32
    %c0_i32_1 = arith.constant 0 : i32
    return %c0_i32, %c0_i32_0 : i32, i32
  }
  func.func @transform_12(%arg0: i32) -> (i32, i32) {
    %c0_i32 = arith.constant 0 : i32
    %c0_i32_0 = arith.constant 0 : i32
    %c0_i32_1 = arith.constant 0 : i32
    return %c0_i32, %c0_i32_0 : i32, i32
  }
  func.func @transform_13(%arg0: i32) -> (i32, i32) {
    %c0_i32 = arith.constant 0 : i32
    %c0_i32_0 = arith.constant 0 : i32
    %c0_i32_1 = arith.constant 0 : i32
    return %c0_i32, %c0_i32_0 : i32, i32
  }
  func.func @transform_14(%arg0: i32) -> (i32, i32) {
    %c0_i32 = arith.constant 0 : i32
    %c0_i32_0 = arith.constant 0 : i32
    %c0_i32_1 = arith.constant 0 : i32
    return %c0_i32, %c0_i32_0 : i32, i32
  }
  func.func @transform_15(%arg0: i32) -> (i32, i32) {
    %c0_i32 = arith.constant 0 : i32
    %c0_i32_0 = arith.constant 0 : i32
    %c0_i32_1 = arith.constant 0 : i32
    return %c0_i32, %c0_i32_0 : i32, i32
  }
  func.func @transform_16(%arg0: i32) -> (i32, i32) {
    %c0_i32 = arith.constant 0 : i32
    %c0_i32_0 = arith.constant 0 : i32
    %c0_i32_1 = arith.constant 0 : i32
    return %c0_i32, %c0_i32_0 : i32, i32
  }
  func.func @transform_17(%arg0: i32) -> (i32, i32) {
    %c0_i32 = arith.constant 0 : i32
    %c0_i32_0 = arith.constant 0 : i32
    %c0_i32_1 = arith.constant 0 : i32
    return %c0_i32, %c0_i32_0 : i32, i32
  }
  func.func @transform_18(%arg0: i32) -> (i32, i32) {
    %c0_i32 = arith.constant 0 : i32
    %c0_i32_0 = arith.constant 0 : i32
    %c0_i32_1 = arith.constant 0 : i32
    return %c0_i32, %c0_i32_0 : i32, i32
  }
  func.func @transform_19(%arg0: i32) -> (i32, i32) {
    %c0_i32 = arith.constant 0 : i32
    %c0_i32_0 = arith.constant 0 : i32
    %c0_i32_1 = arith.constant 0 : i32
    return %c0_i32, %c0_i32_0 : i32, i32
  }
  func.func @transform_20(%arg0: i32) -> (i32, i32) {
    %c0_i32 = arith.constant 0 : i32
    %c0_i32_0 = arith.constant 0 : i32
    %c0_i32_1 = arith.constant 0 : i32
    return %c0_i32, %c0_i32_0 : i32, i32
  }
  func.func @transform_21(%arg0: i32) -> (i32, i32) {
    %c0_i32 = arith.constant 0 : i32
    %c0_i32_0 = arith.constant 0 : i32
    %c0_i32_1 = arith.constant 0 : i32
    return %c0_i32, %c0_i32_0 : i32, i32
  }
}

</mosaic_0001>

<sc_bundles>
// kernel: kernel.11.cloned.1.call-start
scs
__scs_entry_jumppad:
0x0: {  	(pc) =	sbr.rel $0x88, $3  }
0x1: {  	(tag) =	ssettag $0x0;
	lr =	simm.s32 $0x1  }
0x2: {  	[smem:$0x3F8A] =	sst lr;
	_ =	strace $0xD0000000  }
0x3: {  	_ = 	snop  }
0x4: {  	_ = 	snop  }
0x5: {  	_ = 	snop  }
0x6: {  	_ = 	snop  }
0x7: {  	_ = 	snop  }
__scs_overlays_trampoline_lowered:
0x8: {  	[smem:$0x3F99] =	sst s0  }
0x9: {  	[smem:$0x3F9A] =	sst s1  }
0xa: {  	[smem:$0x3F9B] =	sst s2  }
0xb: {  	[smem:$0x3F9C] =	sst s3  }
0xc: {  	[smem:$0x3F9D] =	sst s4  }
0xd: {  	[smem:$0x3F9E] =	sst s5  }
0xe: {  	[smem:$0x3F9F] =	sst s6  }
0xf: {  	[smem:$0x3FA0] =	sst s7  }
0x10: {  	[smem:$0x3FA1] =	sst s8  }
0x11: {  	[smem:$0x3FA2] =	sst s9;
	s0 =	simm.s32 @!p0 $0x0  }
0x12: {  	s1 =	sld [smem:$0x3F88];
	s0 =	simm.s32 @p0 $0x1  }
0x13: {  	[smem:$0x3FA3] =	sst s0;
	s0 =	simm.s32 @!p1 $0x0  }
0x14: {  	s2 =	sld [smem:$0x3F87];
	s0 =	simm.s32 @p1 $0x1  }
0x15: {  	[smem:$0x3FA4] =	sst s0;
	s0 =	simm.s32 @!p2 $0x0  }
0x16: {  	s3 =	sld [smem:$0x3FDB];
	s0 =	simm.s32 @p2 $0x1  }
0x17: {  	s4 =	simm.s32 $0x1BF5;
	[smem:$0x3FA6] =	sst s0  }
0x18: {  	s0 =	sld [smem:$0x3F89];
	_ =	swait.ge [sflag:s4], $0x0  }
0x19: {  	s7 =	sld [smem:$0x3F8A]  }
0x1a: {  	s8 =	sadd.s32 $0xFFFFE003, lr  }
0x1b: {  	s9 =	sadd.s32 $0xFFFFFEF7, lr;
	s5 =	simm.s32 $0xFFFFFFFF;
	p2 =	slt.u32 s8, $0xFFFFF086  }
0x1c: {  	p1 =	slt.u32 s9, $0xF7A;
	s5 =	simm.s32 @!p2 $0x0  }
0x1d: {  	s5 =	simm.s32 @p1 $0x1;
	p0 =	seq.s32 s7, s2  }
0x1e: {  	s7 =	smul.u32 @!p0 $0xF7A, s2;
	p2 =	seq.s32 @!p0 s5, $0x0  }
0x1f: {  	s9 =	smul.u32 $0xF7A, s1;
	s8 =	simm.s32 @!p0 $0x1BF5;
	p2 =	por !p2, p0  }
0x20: {  	[sflag:s8] =	ssyncset.s32 @!p0 $0xFFFFF086;
	s6 =	sadd.s32 @!p0 s3, s7;
	s7 =	simm.s32 @!p0 $0x108  }
0x21: {  	s3 =	sadd.s32 s3, s9;
	s6 =	sadd.s32 @!p0 $0x88, s6;
	s7 =	simm.s32 @p2 $0x1082  }
0x22: {  	[simem:s7], [sflag:s8] =	dma.local @!p0 [hbm:s6], $0xF7A  }
0x23: {  	s9 =	sor.u32 $0xD0000000, s2;
	s6 =	simm.s32 $0x108;
	_ =	swait.ge @!p0 [sflag:s8], $0x0  }
0x24: {  	s3 =	sadd.s32 $0x88, s3;
	s6 =	simm.s32 @!p1 $0x1082;
	[sflag:s4] =	ssyncset.s32 $0xFFFFF086  }
0x25: {  	[simem:s6], [sflag:s4] =	dma.local [hbm:s3], $0xF7A  }
0x26: {  	[smem:$0x3F8A] =	sst s1;
	(tag) =	ssettag s2;
	_ =	strace s9  }
0x27: {  	s1 =	sld [smem:$0x3F9A]  }
0x28: {  	s2 =	sld [smem:$0x3F9B]  }
0x29: {  	s4 =	sld [smem:$0x3F9D]  }
0x2a: {  	p0 =	seq.s32 s5, $0x0;
	s5 =	sld [smem:$0x3F9E]  }
0x2b: {  	s6 =	sld [smem:$0x3F9F]  }
0x2c: {  	s7 =	sld [smem:$0x3FA0]  }
0x2d: {  	s3 =	simm.s32 $0x108;
	s8 =	sld [smem:$0x3FA1]  }
0x2e: {  	s3 =	simm.s32 @!p0 $0x1082;
	s9 =	sld [smem:$0x3FA2]  }
0x2f: {  	lr =	sadd.s32 s0, s3;
	s0 =	sld [smem:$0x3F99]  }
0x30: {  	s3 =	sld [smem:$0x3F9C]  }
0x31: {  	[smem:$0x3FA5] =	sst s10  }
0x32: {  	s10 =	sld [smem:$0x3FA3];
	_ =	sdelay $0x3  }
0x33: {  	p0 =	seq.s32 s10, $0x1;
	s10 =	sld [smem:$0x3FA5];
	_ =	sdelay $0x3  }
0x34: {  	[smem:$0x3FA5] =	sst s10  }
0x35: {  	s10 =	sld [smem:$0x3FA4];
	_ =	sdelay $0x3  }
0x36: {  	p1 =	seq.s32 s10, $0x1;
	s10 =	sld [smem:$0x3FA5];
	_ =	sdelay $0x3  }
0x37: {  	[smem:$0x3FA5] =	sst s10  }
0x38: {  	s10 =	sld [smem:$0x3FA6]  }
0x39: {  	_ = 	snop;
	(pc) =	sbr.ind lr, $3  }
0x3a: {  	_ = 	snop  }
0x3b: {  	_ = 	snop  }
0x3c: {  	p2 =	seq.s32 s10, $0x1;
	s10 =	sld [smem:$0x3FA5]  }
0x3d: {  	_ =	shalt  }
0x3e: {  	_ =	shalt  }
0x3f: {  	_ =	shalt  }
0x40: {  	_ =	shalt  }
0x41: {  	_ =	shalt  }
0x42: {  	_ =	shalt  }
0x43: {  	_ =	shalt  }
0x44: {  	_ =	shalt  }
0x45: {  	_ =	shalt  }
0x46: {  	_ =	shalt  }
0x47: {  	_ =	shalt  }
0x48: {  	_ =	shalt  }
0x49: {  	_ =	shalt  }
0x4a: {  	_ =	shalt  }
0x4b: {  	_ =	shalt  }
0x4c: {  	_ =	shalt  }
0x4d: {  	_ =	shalt  }
0x4e: {  	_ =	shalt  }
0x4f: {  	_ =	shalt  }
0x50: {  	_ =	shalt  }
0x51: {  	_ =	shalt  }
0x52: {  	_ =	shalt  }
0x53: {  	_ =	shalt  }
0x54: {  	_ =	shalt  }
0x55: {  	_ =	shalt  }
0x56: {  	_ =	shalt  }
0x57: {  	_ =	shalt  }
0x58: {  	_ =	shalt  }
0x59: {  	_ =	shalt  }
0x5a: {  	_ =	shalt  }
0x5b: {  	_ =	shalt  }
0x5c: {  	_ =	shalt  }
0x5d: {  	_ =	shalt  }
0x5e: {  	_ =	shalt  }
0x5f: {  	_ =	shalt  }
0x60: {  	_ =	shalt  }
0x61: {  	_ =	shalt  }
0x62: {  	_ =	shalt  }
0x63: {  	_ =	shalt  }
0x64: {  	_ =	shalt  }
0x65: {  	_ =	shalt  }
0x66: {  	_ =	shalt  }
0x67: {  	_ =	shalt  }
0x68: {  	_ =	shalt  }
0x69: {  	_ =	shalt  }
0x6a: {  	_ =	shalt  }
0x6b: {  	_ =	shalt  }
0x6c: {  	_ =	shalt  }
0x6d: {  	_ =	shalt  }
0x6e: {  	_ =	shalt  }
0x6f: {  	_ =	shalt  }
0x70: {  	_ =	shalt  }
0x71: {  	_ =	shalt  }
0x72: {  	_ =	shalt  }
0x73: {  	_ =	shalt  }
0x74: {  	_ =	shalt  }
0x75: {  	_ =	shalt  }
0x76: {  	_ =	shalt  }
0x77: {  	_ =	shalt  }
0x78: {  	_ =	shalt  }
0x79: {  	_ =	shalt  }
0x7a: {  	_ =	shalt  }
0x7b: {  	_ =	shalt  }
0x7c: {  	_ =	shalt  }
0x7d: {  	_ =	shalt  }
0x7e: {  	_ =	shalt  }
0x7f: {  	_ =	shalt  }
0x80: {  	_ =	shalt  }
0x81: {  	_ =	shalt  }
0x82: {  	_ =	shalt  }
0x83: {  	_ =	shalt  }
0x84: {  	_ =	shalt  }
0x85: {  	_ =	shalt  }
0x86: {  	_ =	shalt  }
0x87: {  	_ =	shalt  }
.Lfunc_end0:
.L_simem_size_0:
called_computation.1_lowered:
.L_overlay_start_0:
0x88: {  	s2 =	sld [smem:$0x3FD9]  }
0x89: {  	s3 =	sld [smem:$0x3FFE];
	_ =	sdelay $0x1  }
0x8a: {  	s1 =	srdreg.scid  }
0x8b: {  	s0 =	sand.u32 $0x1, s1  }
0x8c: {  	s17 =	sshll.u32 s0, $0xA;
	s2 =	sadd.s32 s3, s2  }
0x8d: {  	s2 =	sadd.s32 s2, s17  }
0x8e: {  	[smem:$0x3FB1] =	sst s2  }
0x8f: {  	_ = 	snop  }
0x90: {  	(tm) =	ssettm $0x1  }
0x91: {  	s18 =	sld [smem:$0x3FFB];
	_ =	sdelay $0x3  }
0x92: {  	_ =	strace s18  }
0x93: {  	s2 =	sld [smem:$0x3FFC];
	_ =	sdelay $0x3  }
0x94: {  	_ =	strace s2  }
0x95: {  	s2 =	sld [smem:$0x3FFD];
	_ =	sdelay $0x3  }
0x96: {  	_ =	strace s2  }
0x97: {  	_ =	strace $0x8FFFFFFF  }
0x98: {  	s19 =	sld [smem:$0x3FDB];
	_ =	sdelay $0x1  }
0x99: {  	s20 =	simm.s32 $_scs_section_size  }
0x9a: {  	s4 =	simm.s32 $_size__tile_overlayer_lowered;
	s5 =	simm.s32 $_tile_overlayer_lowered  }
0x9b: {  	s6 =	simm.s32 $0x1BFF;
	s21 =	sshll.u32 s5, $0x1;
	s3 =	sadd.s32 s20, s19  }
0x9c: {  	s22 =	simm.s32 $0x0;
	s4 =	sshll.u32 s4, $0x1;
	s5 =	sadd.s32 s21, s3  }
0x9d: {  	[timem:s22], [sflag:s6] =	dma.local [hbm:s5], s4  }
0x9e: {  	_ =	swait.ge [sflag:s6], s4  }
0x9f: {  	s4 =	ssub.s32 $0x0, s4;
	[sflag:s6] =	ssyncset.done $0x0  }
0xa0: {  	[sflag:s6] =	ssyncadd.s32 s4;
	_ =	sdelay $0x1  }
0xa1: {  	s23 =	simm.s32 $0x1B8B  }
0xa2: {  	_ =	swait.ge [sflag:s23], $0x1  }
0xa3: {  	[sflag:s23] =	ssyncset.done $0x0  }
0xa4: {  	[sflag:s23] =	ssyncadd.s32 $0xFFFFFFFF  }
0xa5: {  	s4 =	sld [smem:$0x0]  }
0xa6: {  	s5 =	sand.u32 $0xFFFFFFFE, s1  }
0xa7: {  	p0 =	sne.s32 s1, s5  }
0xa8: {  	s5 =	sshll.u32 @p0 s5, $0xE  }
0xa9: {  	s5 =	sadd.s32 @p0 $0x11B8D, s5;
	s6 =	sshll.u32 @p0 s4, $0x11  }
0xaa: {  	s5 =	sor.u32 @p0 s6, s5  }
0xab: {  	[sflag:s5] =	ssyncadd.remote.s32 @p0 $0x1;
	_ =	sdelay $0x1  }
0xac: {  	s5 =	simm.s32 @p0 $0x1B8D  }
0xad: {  	_ =	swait.eq @p0 [sflag:s5], $0x1  }
0xae: {  	[sflag:s5] =	ssyncadd.s32 @p0 $0xFFFFFFFF  }
0xaf: {  	s6 =	sshll.u32 @!p0 s1, $0xE  }
0xb0: {  	s6 =	sor.u32 @!p0 $0x4000, s6;
	s5 =	simm.s32 @!p0 $0x1B8D  }
0xb1: {  	s4 =	sshll.u32 @!p0 s4, $0x11;
	s6 =	sadd.s32 @!p0 $0x11B8D, s6;
	_ =	swait.eq @!p0 [sflag:s5], $0x1  }
0xb2: {  	s4 =	sor.u32 @!p0 s4, s6;
	[sflag:s5] =	ssyncadd.s32 @!p0 $0xFFFFFFFF  }
0xb3: {  	s25 =	simm.s32 $0x1B8E;
	s24 =	sld [smem:$0x3FFE];
	[sflag:s4] =	ssyncadd.remote.s32 @!p0 $0x1  }
0xb4: {  	s26 =	simm.s32 $execute0_lowered;
	[smem:$0x3FD2] =	sst s25  }
0xb5: {  	s5 =	sshll.u32 s26, $0x1;
	_ =	strace $0x80000049;
	[dreg:$0x1] =	wrdreg $0xFFFFFFFF  }
0xb6: {  	s28 =	simm.s32 $_size_execute0_lowered;
	s3 =	sadd.s32 s3, s5;
	[dreg:$0x0] =	wrdreg $0x0  }
0xb7: {  	s5 =	sshll.u32 s28, $0x1;
	[dreg:$0x2] =	wrdreg s3  }
0xb8: {  	[dreg:$0x3] =	wrdreg s5  }
0xb9: {  	[dreg:$0x4] =	wrdreg $0xC0  }
0xba: {  	_ =	task [dreg:s22], $0x5FFFF  }
0xbb: {  	[dreg:$0x1] =	wrdreg $0xFFFFFFFF  }
0xbc: {  	[dreg:$0x0] =	wrdreg $0x60  }
0xbd: {  	[dreg:$0x2] =	wrdreg s24  }
0xbe: {  	[dreg:$0x3] =	wrdreg $0x59100  }
0xbf: {  	[dreg:$0x4] =	wrdreg $0xA  }
0xc0: {  	_ =	task.clear_ibuf [dreg:s22], $0x5FFFF;
	_ =	strace $0x90000049  }
0xc1: {  	s29 =	simm.s32 $0xA;
	_ =	strace $0x8000004B  }
0xc2: {  	_ =	swait.ge [sflag:s29], $0x1  }
0xc3: {  	[sflag:s29] =	ssyncadd.s32 $0xFFFFFFFF  }
0xc4: {  	_ =	strace $0x9000004B  }
0xc5: {  	_ =	sfence  }
0xc6: {  	s30 =	sld [smem:$0x0];
	_ =	sdelay $0x2  }
0xc7: {  	s31 =	sshll.u32 s1, $0xD;
	s1 =	sshrl.u32 s1, $0x2  }
0xc8: {  	s4 =	sand.u32 $0x4000, s31;
	s1 =	sadd.s32 s1, s30  }
0xc9: {  	s0 =	sor.u32 s4, s0;
	s1 =	sshll.u32 s1, $0x11  }
0xca: {  	s0 =	sor.u32 s1, s0  }
0xcb: {  	s0 =	sadd.s32 $0x8F2B, s0  }
0xcc: {  	[sflag:s0] =	ssyncadd.remote.s32 $0x1  }
0xcd: {  	_ =	sfence.sel $0xFFFF  }
0xce: {  	[dreg:$0x0] =	wrdreg $0xFFFFFFFF;
	(pc) =	sbr.abs _section_cstart, $3  }
0xcf: {  	[dreg:$0x1] =	wrdreg $0xFFFFFFFF  }
0xd0: {  	_ =	task.clear_ibuf [dreg:s22], $0x2FFFF;
	_ =	strace $0x9FFFFFFF  }
0xd1: {  	(tm) =	ssettm $0x7FFFFFFF  }
tec
execute0_lowered:
.L_overlay_start_1:
0x0: {  	(tag) =	ssettag $0x1  }
0x1: {  	s5 =	rddreg [dreg:$0x0]  }
0x2: {  	s0 =	srdreg.scid;
	s2 =	rddreg [dreg:$0x1]  }
0x3: {  	s3 =	simm.s32 $0x0;
	s15 =	simm.s32 $0x2710;
	s16 =	simm.s32 $0x2C10  }
0x4: {  	s17 =	simm.s32 $0x1;
	s18 =	simm.s32 $0x50;
	s19 =	simm.s32 $0x2  }
0x5: {  	s20 =	simm.s32 $0x3;
	s4 =	sand.u32 $0x1, s0;
	s0 =	stileid.u32  }
0x6: {  	s21 =	simm.s32 $0x4;
	s22 =	simm.s32 $0x2620;
	s8 =	smul.u32 $0x2800, s0  }
0x7: {  	s23 =	simm.s32 $0x2670;
	s24 =	simm.s32 $0x26C0;
	s9 =	smul.u32 $0x28000, s4  }
0x8: {  	s25 =	simm.s32 $0x0;
	s1 =	sshll.u32 s4, $0x4;
	s14 =	smul.u32 $0x27100, s4  }
0x9: {  	[smem:$0x7FF] =	sst s3;
	s26 =	smul.u32 $0x2710, s0;
	s6 =	sor.u32 s0, s1  }
0xa: {  	s11 =	sadd.s32 $0x540200, s5;
	s12 =	ssub.s32 $0x2, s4;
	s7 =	smul.u32 $0x2710, s6  }
0xb: {  	s1 =	rddreg [dreg:$0x2];
	_ =	strace $0x8000004A;
	s10 =	smul.u32 $0x4E20, s6  }
0xc: {  	s13 =	sshrl.u32 s12, $0x1;
	s9 =	sadd.s32 s8, s9;
	s6 =	smul.u32 $0x27100, s6  }
0xd: {  	s12 =	ssub.s32 s12, s13;
	s30 =	sadd.s32 s26, s14;
	s14 =	simm.s32 $0x3110  }
0xe: {  	s9 =	sshrl.u32 s9, $0x3;
	s13 =	sshll.u32 s30, $0x1;
	s7 =	sshrl.u32 s7, $0x3  }
0xf: {  	s9 =	sadd.s32 s9, s5;
	s28 =	sshrl.u32 s6, $0x3;
	s6 =	sadd.s32 s11, s10  }
0x10: {  	s10 =	smax.u32 s12, $0x1;
	s31 =	sadd.s32 s11, s13;
	s13 =	simm.s32 $0x5  }
0x11: {  	s7 =	sadd.s32 s7, s5;
	s5 =	sadd.s32 s8, s2;
	s29 =	sadd.s32 s11, s28  }
0x12: {  	s9 =	sadd.s32 $0x5E200, s9;
	s11 =	sadd.s32 $0x1E0, s31;
	s12 =	sadd.s32 $0x140, s31  }
0x13: {  	v0 =	vimm.f32 $0.0e+00;
	s4 =	sadd.s32 $0x18600, s7;
	s7 =	sadd.s32 $0xA0, s29;
	s8 =	sadd.s32 $0x4D80, s29  }
.LBB2_1:
0x14: {  	[tilespmem:s3], [sflag:$0x5] =	stream.linear.gather [hbm4b:s4+s3], $0x2710, $0x38;
	[tilespmem:$0x8110] =	vst v63  }
0x15: {  	_ =	swait.ge [sflag:s13], $0x2710  }
0x16: {  	[sflag:s13] =	ssyncset.done $0x0  }
0x17: {  	s26 =	simm.s32 $0x3130;
	[sflag:s13] =	ssyncadd.s32 $0xFFFFD8F0  }
0x18: {  	[tilespmem:s26+$0xFFFFFFE0] =	vst v0  }
0x19: {  	[tilespmem:s26+$0x10] =	vst v0  }
0x1a: {  	s28 =	simm.s32 $0x0;
	[tilespmem:s26+$0x0] =	vst v0  }
.LBB2_2:
0x1b: {  	s28 =	sadd.s32 $0x4, s28  }
0x1c: {  	[tilespmem:s26+$0xFFFFFFF0] =	vst v0;
	s26 =	sadd.s32 $0x40, s26;
	p0 =	slt.u32 s28, $0x27C  }
.Ltmp0:
0x1d: {  	[tilespmem:s26+$0xFFFFFFE0] =	vst v0;
	(pc) =	sbr.rel @p0 .LBB2_2-.Ltmp0, $3  }
0x1e: {  	_ =	sdelay $0x1  }
0x1f: {  	[tilespmem:s26+$0x10] =	vst v0  }
0x20: {  	[tilespmem:s26+$0x0] =	vst v0  }
0x21: {  	[tilespmem:s26+$0xFFFFFFF0] =	vst v0  }
0x22: {  	[spmem:s5] =	stream.linear.scatter [tilespmem:s14], [sflag:$0x5], $0x2800, $0x38;
	[tilespmem:$0x8110] =	vst v63  }
0x23: {  	_ =	swait.ge [sflag:s13], $0x2800  }
0x24: {  	[sflag:s13] =	ssyncset.done $0x0  }
0x25: {  	[sflag:s13] =	ssyncadd.s32 $0xFFFFD800  }
0x26: {  	s30 =	simm.s32 $0x0;
	[bflag:$0x0] =	sbarrier.arrive $0xFFFF  }
0x27: {  	[tilespmem:s15], [sflag:$0x1] =	stream.linear.gather [hbm4b:s6+s30], $0x500, $0x38;
	[tilespmem:$0x8110] =	vst v63  }
0x28: {  	_ = 	snop  }
0x29: {  	[tilespmem:s16], [sflag:$0x2] =	stream.linear.gather [hbm4b:s7+s30], $0x500, $0x38;
	[tilespmem:$0x8110] =	vst v63  }
0x2a: {  	_ =	swait.ge [sflag:s17], $0x500  }
0x2b: {  	[sflag:s17] =	ssyncset.done $0x0  }
0x2c: {  	s31 =	simm.s32 $0x0;
	[sflag:s17] =	ssyncadd.s32 $0xFFFFFB00  }
0x2d: {  	[spmem:s2] =	stream.indirect.scatter.add.f32 [tilespmem:s15], [sflag:$0x3], $0x10, s31, s18, $0xb8;
	[tilespmem:$0x8110] =	vst v63  }
0x2e: {  	_ =	swait.ge [sflag:s19], $0x500  }
0x2f: {  	[sflag:s19] =	ssyncset.done $0x0  }
0x30: {  	s30 =	simm.s32 $0x50;
	[sflag:s19] =	ssyncadd.s32 $0xFFFFFB00  }
0x31: {  	[spmem:s2] =	stream.indirect.scatter.add.f32 [tilespmem:s16], [sflag:$0x4], $0x10, s30, s18, $0xb8;
	[tilespmem:$0x8110] =	vst v63  }
0x32: {  	_ =	swait.ge [sflag:s20], $0x500  }
0x33: {  	[sflag:s20] =	ssyncset.done $0x0  }
0x34: {  	s31 =	sadd.s32 $0x0, s12;
	[sflag:s20] =	ssyncadd.s32 $0xFFFFFB00  }
0x35: {  	[tilespmem:s15], [sflag:$0x1] =	stream.linear.gather [hbm4b:s31+s3], $0x500, $0x38;
	[tilespmem:$0x8110] =	vst v63  }
0x36: {  	_ =	swait.ge [sflag:s21], $0x500  }
0x37: {  	s26 =	simm.s32 $0x140;
	[sflag:s21] =	ssyncset.done $0x0  }
0x38: {  	s29 =	sadd.s32 $0x0, s11;
	s28 =	simm.s32 $0xF0;
	[sflag:s21] =	ssyncadd.s32 $0xFFFFFB00  }
.LBB2_4:
0x39: {  	[tilespmem:s16], [sflag:$0x2] =	stream.linear.gather [hbm4b:s29+s3], $0x500, $0x38;
	[tilespmem:$0x8110] =	vst v63  }
0x3a: {  	s29 =	smov.u32 s26  }
0x3b: {  	p0 =	sne.s32 s26, $0x4B00;
	s26 =	sadd.s32 $0x140, s26;
	_ =	swait.ge [sflag:s17], $0x500  }
0x3c: {  	[sflag:s17] =	ssyncset.done $0x0  }
0x3d: {  	s30 =	sadd.s32 $0xFFFFFFB0, s28;
	[sflag:s17] =	ssyncadd.s32 $0xFFFFFB00  }
0x3e: {  	[spmem:s2] =	stream.indirect.scatter.add.f32 [tilespmem:s15], [sflag:$0x3], $0x10, s30, s18, $0xb8;
	[tilespmem:$0x8110] =	vst v63  }
0x3f: {  	_ =	swait.ge [sflag:s19], $0x500  }
0x40: {  	[sflag:s19] =	ssyncset.done $0x0  }
0x41: {  	[sflag:s19] =	ssyncadd.s32 $0xFFFFFB00  }
0x42: {  	[spmem:s2] =	stream.indirect.scatter.add.f32 [tilespmem:s16], [sflag:$0x4], $0x10, s28, s18, $0xb8;
	[tilespmem:$0x8110] =	vst v63  }
0x43: {  	_ =	swait.ge [sflag:s20], $0x500  }
0x44: {  	[sflag:s20] =	ssyncset.done $0x0  }
.Ltmp1:
0x45: {  	s30 =	sadd.s32 s29, s12;
	[sflag:s20] =	ssyncadd.s32 $0xFFFFFB00;
	(pc) =	sbr.rel @p0 .LBB2_4-.Ltmp1, $4  }
0x46: {  	[tilespmem:s15], [sflag:$0x1] =	stream.linear.gather [hbm4b:s30+s3], $0x500, $0x38;
	[tilespmem:$0x8110] =	vst v63  }
0x47: {  	_ =	swait.ge [sflag:s21], $0x500  }
0x48: {  	[sflag:s21] =	ssyncset.done $0x0  }
0x49: {  	s29 =	sadd.s32 s29, s11;
	s28 =	sadd.s32 $0xA0, s28;
	[sflag:s21] =	ssyncadd.s32 $0xFFFFFB00  }
0x4a: {  	[tilespmem:s16], [sflag:$0x2] =	stream.linear.gather [hbm4b:s29+s3], $0x500, $0x38;
	[tilespmem:$0x8110] =	vst v63  }
0x4b: {  	_ =	swait.ge [sflag:s17], $0x500  }
0x4c: {  	[sflag:s17] =	ssyncset.done $0x0  }
0x4d: {  	[sflag:s17] =	ssyncadd.s32 $0xFFFFFB00  }
0x4e: {  	[spmem:s2] =	stream.indirect.scatter.add.f32 [tilespmem:s15], [sflag:$0x3], $0x10, s22, s18, $0xb8;
	[tilespmem:$0x8110] =	vst v63  }
0x4f: {  	_ =	swait.ge [sflag:s20], $0x500  }
0x50: {  	[sflag:s20] =	ssyncset.done $0x0  }
0x51: {  	[sflag:s20] =	ssyncadd.s32 $0xFFFFFB00  }
0x52: {  	[tilespmem:s15], [sflag:$0x1] =	stream.linear.gather [hbm4b:s8+s3], $0x500, $0x38;
	[tilespmem:$0x8110] =	vst v63  }
0x53: {  	_ =	swait.ge [sflag:s19], $0x500  }
0x54: {  	[sflag:s19] =	ssyncset.done $0x0  }
0x55: {  	[sflag:s19] =	ssyncadd.s32 $0xFFFFFB00  }
0x56: {  	[spmem:s2] =	stream.indirect.scatter.add.f32 [tilespmem:s16], [sflag:$0x4], $0x10, s23, s18, $0xb8;
	[tilespmem:$0x8110] =	vst v63  }
0x57: {  	_ =	swait.ge [sflag:s17], $0x500  }
0x58: {  	[sflag:s17] =	ssyncset.done $0x0  }
0x59: {  	[sflag:s17] =	ssyncadd.s32 $0xFFFFFB00  }
0x5a: {  	[spmem:s2] =	stream.indirect.scatter.add.f32 [tilespmem:s15], [sflag:$0x3], $0x10, s24, s18, $0xb8;
	[tilespmem:$0x8110] =	vst v63  }
0x5b: {  	_ =	swait.ge [sflag:s20], $0x500  }
0x5c: {  	[sflag:s20] =	ssyncset.done $0x0  }
0x5d: {  	[sflag:s20] =	ssyncadd.s32 $0xFFFFFB00  }
0x5e: {  	_ =	swait.ge [sflag:s21], $0x500  }
0x5f: {  	s26 =	sshll.u32 s0, $0x6;
	s25 =	sadd.s32 $0x1, s25;
	[sflag:s21] =	ssyncset.done $0x0  }
0x60: {  	s28 =	sshrl.u32 s5, $0x3;
	p0 =	sne.s32 s25, s10;
	[sflag:s21] =	ssyncadd.s32 $0xFFFFFB00  }
.Ltmp2:
0x61: {  	s26 =	sor.u32 $0x1C05, s26;
	[bflag:$0x0] =	sbarrier.arrive $0xFFFF;
	(pc) =	sbr.rel @p0 .LBB2_1-.Ltmp2, $4  }
0x62: {  	[hbm:s9], [sflag:s26] =	dma.local [spmem:s28], $0x500  }
0x63: {  	_ =	swait.ge [sflag:s13], $0x500  }
0x64: {  	[sflag:s13] =	ssyncset.done $0x0  }
0x65: {  	[sflag:s13] =	ssyncadd.s32 $0xFFFFFB00  }
0x66: {  	_ =	sfence.sel $0x180000  }
0x67: {  	[bflag:$0x0] =	sbarrier.arrive $0xFFFF  }
0x68: {  	p0 =	sne.s32 s0, $0x0;
	_ =	strace $0x9000004A  }
0x69: {  	s0 =	sadd.s32 @!p0 $0x100000, s1;
	[bflag:$0x2] =	sbarrier.arrive $0xFFFF  }
0x6a: {  	[sflag:s0] =	ssyncadd.tile.s32 @!p0 $0x1;
	_ =	shalt  }
.Lfunc_end2:
_tile_overlayer_lowered:
.L_overlay_start_2:
0x6b: {  	(tag) =	ssettag $0x2  }
0x6c: {  	s0 =	rddreg [dreg:$0x0];
	s2 =	stileid.u32  }
0x6d: {  	s1 =	rddreg [dreg:$0x1];
	p0 =	sne.s32 s2, $0x0  }
0x6e: {  	s3 =	rddreg [dreg:$0x2];
	[bflag:$0x3] =	sbarrier.arrive $0xFFFF;
	s2 =	simm.s32 @!p0 $0x1C05  }
0x6f: {  	[timem:s3], [sflag:s2] =	dma.local @!p0 [hbm:s0], s1  }
0x70: {  	s0 =	simm.s32 @!p0 $0x5  }
0x71: {  	_ =	swait.ge @!p0 [sflag:s0], s1  }
0x72: {  	s1 =	ssub.s32 @!p0 $0x0, s1;
	[sflag:s0] =	ssyncset.done @!p0 $0x0  }
0x73: {  	[sflag:s0] =	ssyncadd.s32 @!p0 s1  }
0x74: {  	[bflag:$0x3] =	sbarrier.arrive $0xFFFF  }
0x75: {  	_ =	shalt  }

// kernel: kernel.14.cloned.1.call-start
scs
__scs_entry_jumppad:
0x0: {  	(pc) =	sbr.rel $0x88, $3  }
0x1: {  	(tag) =	ssettag $0x0;
	lr =	simm.s32 $0x1  }
0x2: {  	[smem:$0x3F8A] =	sst lr;
	_ =	strace $0xD0000000  }
0x3: {  	_ = 	snop  }
0x4: {  	_ = 	snop  }
0x5: {  	_ = 	snop  }
0x6: {  	_ = 	snop  }
0x7: {  	_ = 	snop  }
__scs_overlays_trampoline_lowered:
0x8: {  	[smem:$0x3F99] =	sst s0  }
0x9: {  	[smem:$0x3F9A] =	sst s1  }
0xa: {  	[smem:$0x3F9B] =	sst s2  }
0xb: {  	[smem:$0x3F9C] =	sst s3  }
0xc: {  	[smem:$0x3F9D] =	sst s4  }
0xd: {  	[smem:$0x3F9E] =	sst s5  }
0xe: {  	[smem:$0x3F9F] =	sst s6  }
0xf: {  	[smem:$0x3FA0] =	sst s7  }
0x10: {  	[smem:$0x3FA1] =	sst s8  }
0x11: {  	[smem:$0x3FA2] =	sst s9;
	s0 =	simm.s32 @!p0 $0x0  }
0x12: {  	s1 =	sld [smem:$0x3F88];
	s0 =	simm.s32 @p0 $0x1  }
0x13: {  	[smem:$0x3FA3] =	sst s0;
	s0 =	simm.s32 @!p1 $0x0  }
0x14: {  	s2 =	sld [smem:$0x3F87];
	s0 =	simm.s32 @p1 $0x1  }
0x15: {  	[smem:$0x3FA4] =	sst s0;
	s0 =	simm.s32 @!p2 $0x0  }
0x16: {  	s3 =	sld [smem:$0x3FDB];
	s0 =	simm.s32 @p2 $0x1  }
0x17: {  	s4 =	simm.s32 $0x1BF5;
	[smem:$0x3FA6] =	sst s0  }
0x18: {  	s0 =	sld [smem:$0x3F89];
	_ =	swait.ge [sflag:s4], $0x0  }
0x19: {  	s7 =	sld [smem:$0x3F8A]  }
0x1a: {  	s8 =	sadd.s32 $0xFFFFE003, lr  }
0x1b: {  	s9 =	sadd.s32 $0xFFFFFEF7, lr;
	s5 =	simm.s32 $0xFFFFFFFF;
	p2 =	slt.u32 s8, $0xFFFFF086  }
0x1c: {  	p1 =	slt.u32 s9, $0xF7A;
	s5 =	simm.s32 @!p2 $0x0  }
0x1d: {  	s5 =	simm.s32 @p1 $0x1;
	p0 =	seq.s32 s7, s2  }
0x1e: {  	s7 =	smul.u32 @!p0 $0xF7A, s2;
	p2 =	seq.s32 @!p0 s5, $0x0  }
0x1f: {  	s9 =	smul.u32 $0xF7A, s1;
	s8 =	simm.s32 @!p0 $0x1BF5;
	p2 =	por !p2, p0  }
0x20: {  	[sflag:s8] =	ssyncset.s32 @!p0 $0xFFFFF086;
	s6 =	sadd.s32 @!p0 s3, s7;
	s7 =	simm.s32 @!p0 $0x108  }
0x21: {  	s3 =	sadd.s32 s3, s9;
	s6 =	sadd.s32 @!p0 $0x88, s6;
	s7 =	simm.s32 @p2 $0x1082  }
0x22: {  	[simem:s7], [sflag:s8] =	dma.local @!p0 [hbm:s6], $0xF7A  }
0x23: {  	s9 =	sor.u32 $0xD0000000, s2;
	s6 =	simm.s32 $0x108;
	_ =	swait.ge @!p0 [sflag:s8], $0x0  }
0x24: {  	s3 =	sadd.s32 $0x88, s3;
	s6 =	simm.s32 @!p1 $0x1082;
	[sflag:s4] =	ssyncset.s32 $0xFFFFF086  }
0x25: {  	[simem:s6], [sflag:s4] =	dma.local [hbm:s3], $0xF7A  }
0x26: {  	[smem:$0x3F8A] =	sst s1;
	(tag) =	ssettag s2;
	_ =	strace s9  }
0x27: {  	s1 =	sld [smem:$0x3F9A]  }
0x28: {  	s2 =	sld [smem:$0x3F9B]  }
0x29: {  	s4 =	sld [smem:$0x3F9D]  }
0x2a: {  	p0 =	seq.s32 s5, $0x0;
	s5 =	sld [smem:$0x3F9E]  }
0x2b: {  	s6 =	sld [smem:$0x3F9F]  }
0x2c: {  	s7 =	sld [smem:$0x3FA0]  }
0x2d: {  	s3 =	simm.s32 $0x108;
	s8 =	sld [smem:$0x3FA1]  }
0x2e: {  	s3 =	simm.s32 @!p0 $0x1082;
	s9 =	sld [smem:$0x3FA2]  }
0x2f: {  	lr =	sadd.s32 s0, s3;
	s0 =	sld [smem:$0x3F99]  }
0x30: {  	s3 =	sld [smem:$0x3F9C]  }
0x31: {  	[smem:$0x3FA5] =	sst s10  }
0x32: {  	s10 =	sld [smem:$0x3FA3];
	_ =	sdelay $0x3  }
0x33: {  	p0 =	seq.s32 s10, $0x1;
	s10 =	sld [smem:$0x3FA5];
	_ =	sdelay $0x3  }
0x34: {  	[smem:$0x3FA5] =	sst s10  }
0x35: {  	s10 =	sld [smem:$0x3FA4];
	_ =	sdelay $0x3  }
0x36: {  	p1 =	seq.s32 s10, $0x1;
	s10 =	sld [smem:$0x3FA5];
	_ =	sdelay $0x3  }
0x37: {  	[smem:$0x3FA5] =	sst s10  }
0x38: {  	s10 =	sld [smem:$0x3FA6]  }
0x39: {  	_ = 	snop;
	(pc) =	sbr.ind lr, $3  }
0x3a: {  	_ = 	snop  }
0x3b: {  	_ = 	snop  }
0x3c: {  	p2 =	seq.s32 s10, $0x1;
	s10 =	sld [smem:$0x3FA5]  }
0x3d: {  	_ =	shalt  }
0x3e: {  	_ =	shalt  }
0x3f: {  	_ =	shalt  }
0x40: {  	_ =	shalt  }
0x41: {  	_ =	shalt  }
0x42: {  	_ =	shalt  }
0x43: {  	_ =	shalt  }
0x44: {  	_ =	shalt  }
0x45: {  	_ =	shalt  }
0x46: {  	_ =	shalt  }
0x47: {  	_ =	shalt  }
0x48: {  	_ =	shalt  }
0x49: {  	_ =	shalt  }
0x4a: {  	_ =	shalt  }
0x4b: {  	_ =	shalt  }
0x4c: {  	_ =	shalt  }
0x4d: {  	_ =	shalt  }
0x4e: {  	_ =	shalt  }
0x4f: {  	_ =	shalt  }
0x50: {  	_ =	shalt  }
0x51: {  	_ =	shalt  }
0x52: {  	_ =	shalt  }
0x53: {  	_ =	shalt  }
0x54: {  	_ =	shalt  }
0x55: {  	_ =	shalt  }
0x56: {  	_ =	shalt  }
0x57: {  	_ =	shalt  }
0x58: {  	_ =	shalt  }
0x59: {  	_ =	shalt  }
0x5a: {  	_ =	shalt  }
0x5b: {  	_ =	shalt  }
0x5c: {  	_ =	shalt  }
0x5d: {  	_ =	shalt  }
0x5e: {  	_ =	shalt  }
0x5f: {  	_ =	shalt  }
0x60: {  	_ =	shalt  }
0x61: {  	_ =	shalt  }
0x62: {  	_ =	shalt  }
0x63: {  	_ =	shalt  }
0x64: {  	_ =	shalt  }
0x65: {  	_ =	shalt  }
0x66: {  	_ =	shalt  }
0x67: {  	_ =	shalt  }
0x68: {  	_ =	shalt  }
0x69: {  	_ =	shalt  }
0x6a: {  	_ =	shalt  }
0x6b: {  	_ =	shalt  }
0x6c: {  	_ =	shalt  }
0x6d: {  	_ =	shalt  }
0x6e: {  	_ =	shalt  }
0x6f: {  	_ =	shalt  }
0x70: {  	_ =	shalt  }
0x71: {  	_ =	shalt  }
0x72: {  	_ =	shalt  }
0x73: {  	_ =	shalt  }
0x74: {  	_ =	shalt  }
0x75: {  	_ =	shalt  }
0x76: {  	_ =	shalt  }
0x77: {  	_ =	shalt  }
0x78: {  	_ =	shalt  }
0x79: {  	_ =	shalt  }
0x7a: {  	_ =	shalt  }
0x7b: {  	_ =	shalt  }
0x7c: {  	_ =	shalt  }
0x7d: {  	_ =	shalt  }
0x7e: {  	_ =	shalt  }
0x7f: {  	_ =	shalt  }
0x80: {  	_ =	shalt  }
0x81: {  	_ =	shalt  }
0x82: {  	_ =	shalt  }
0x83: {  	_ =	shalt  }
0x84: {  	_ =	shalt  }
0x85: {  	_ =	shalt  }
0x86: {  	_ =	shalt  }
0x87: {  	_ =	shalt  }
.Lfunc_end0:
.L_simem_size_0:
called_computation.2_lowered:
.L_overlay_start_0:
0x88: {  	s2 =	sld [smem:$0x3FD9]  }
0x89: {  	s3 =	sld [smem:$0x3FFE];
	_ =	sdelay $0x1  }
0x8a: {  	s1 =	srdreg.scid  }
0x8b: {  	s0 =	sand.u32 $0x1, s1  }
0x8c: {  	s16 =	sshll.u32 s0, $0xA;
	s2 =	sadd.s32 s3, s2  }
0x8d: {  	s2 =	sadd.s32 s2, s16  }
0x8e: {  	[smem:$0x3FB1] =	sst s2  }
0x8f: {  	_ = 	snop  }
0x90: {  	(tm) =	ssettm $0x1  }
0x91: {  	s17 =	sld [smem:$0x3FFB];
	_ =	sdelay $0x3  }
0x92: {  	_ =	strace s17  }
0x93: {  	s2 =	sld [smem:$0x3FFC];
	_ =	sdelay $0x3  }
0x94: {  	_ =	strace s2  }
0x95: {  	s2 =	sld [smem:$0x3FFD];
	_ =	sdelay $0x3  }
0x96: {  	_ =	strace s2  }
0x97: {  	_ =	strace $0x8FFFFFFF  }
0x98: {  	s18 =	sld [smem:$0x3FDB];
	_ =	sdelay $0x1  }
0x99: {  	s19 =	simm.s32 $_scs_section_size  }
0x9a: {  	s4 =	simm.s32 $_size__tile_overlayer_lowered;
	s5 =	simm.s32 $_tile_overlayer_lowered  }
0x9b: {  	s22 =	simm.s32 $0x1BFF;
	s21 =	sshll.u32 s5, $0x1;
	s2 =	sadd.s32 s19, s18  }
0x9c: {  	s6 =	simm.s32 $0x0;
	s20 =	sshll.u32 s4, $0x1;
	s4 =	sadd.s32 s21, s2  }
0x9d: {  	[timem:s6], [sflag:s22] =	dma.local [hbm:s4], s20  }
0x9e: {  	_ =	swait.ge [sflag:s22], s20  }
0x9f: {  	s3 =	ssub.s32 $0x0, s20;
	[sflag:s22] =	ssyncset.done $0x0  }
0xa0: {  	[sflag:s22] =	ssyncadd.s32 s3;
	_ =	sdelay $0x1  }
0xa1: {  	s23 =	simm.s32 $0x1B8B  }
0xa2: {  	_ =	swait.ge [sflag:s23], $0x1  }
0xa3: {  	[sflag:s23] =	ssyncset.done $0x0  }
0xa4: {  	s25 =	simm.s32 $0x1B8E;
	s24 =	sld [smem:$0x3FFE];
	[sflag:s23] =	ssyncadd.s32 $0xFFFFFFFF  }
0xa5: {  	s26 =	simm.s32 $execute0_lowered;
	[smem:$0x3FD2] =	sst s25  }
0xa6: {  	s4 =	sshll.u32 s26, $0x1;
	_ =	strace $0x8000004C;
	[dreg:$0x1] =	wrdreg $0xFFFFFFFF  }
0xa7: {  	s28 =	simm.s32 $_size_execute0_lowered;
	s2 =	sadd.s32 s2, s4;
	[dreg:$0x0] =	wrdreg $0x0  }
0xa8: {  	s4 =	sshll.u32 s28, $0x1;
	[dreg:$0x2] =	wrdreg s2  }
0xa9: {  	[dreg:$0x3] =	wrdreg s4  }
0xaa: {  	[dreg:$0x4] =	wrdreg $0xC0  }
0xab: {  	_ =	task [dreg:s6], $0x5FFFF  }
0xac: {  	[dreg:$0x1] =	wrdreg $0xFFFFFFFF  }
0xad: {  	[dreg:$0x0] =	wrdreg $0x60  }
0xae: {  	[dreg:$0x2] =	wrdreg s24  }
0xaf: {  	[dreg:$0x3] =	wrdreg $0x9E200  }
0xb0: {  	[dreg:$0x4] =	wrdreg $0x9  }
0xb1: {  	_ =	task.clear_ibuf [dreg:s6], $0x5FFFF;
	_ =	strace $0x9000004C  }
0xb2: {  	s29 =	simm.s32 $0x9;
	_ =	strace $0x8000004E  }
0xb3: {  	_ =	swait.ge [sflag:s29], $0x1  }
0xb4: {  	[sflag:s29] =	ssyncadd.s32 $0xFFFFFFFF  }
0xb5: {  	_ =	strace $0x9000004E  }
0xb6: {  	_ =	sfence  }
0xb7: {  	s30 =	sld [smem:$0x0];
	_ =	sdelay $0x2  }
0xb8: {  	s31 =	sshll.u32 s1, $0xD;
	s1 =	sshrl.u32 s1, $0x2  }
0xb9: {  	s3 =	sand.u32 $0x4000, s31;
	s1 =	sadd.s32 s1, s30  }
0xba: {  	s0 =	sor.u32 s3, s0;
	s1 =	sshll.u32 s1, $0x11  }
0xbb: {  	s0 =	sor.u32 s1, s0  }
0xbc: {  	s0 =	sadd.s32 $0x8F2B, s0  }
0xbd: {  	[sflag:s0] =	ssyncadd.remote.s32 $0x1  }
0xbe: {  	_ =	sfence.sel $0xFFFF  }
0xbf: {  	[dreg:$0x0] =	wrdreg $0xFFFFFFFF;
	(pc) =	sbr.abs _section_cstart, $3  }
0xc0: {  	[dreg:$0x1] =	wrdreg $0xFFFFFFFF  }
0xc1: {  	_ =	task.clear_ibuf [dreg:s6], $0x2FFFF;
	_ =	strace $0x9FFFFFFF  }
0xc2: {  	(tm) =	ssettm $0x7FFFFFFF  }
0xc3: {  	_ =	shalt  }
tec
execute0_lowered:
.L_overlay_start_1:
0x0: {  	(tag) =	ssettag $0x1  }
0x1: {  	s5 =	rddreg [dreg:$0x0]  }
0x2: {  	s2 =	rddreg [dreg:$0x1];
	s3 =	srdreg.scid  }
0x3: {  	s0 =	rddreg [dreg:$0x2];
	s1 =	stileid.u32;
	s14 =	simm.s32 $0x2710  }
0x4: {  	s15 =	simm.s32 $0x7620;
	s16 =	simm.s32 $0x50;
	s17 =	simm.s32 $0x4E20  }
0x5: {  	s18 =	simm.s32 $0x6220;
	s19 =	simm.s32 $0x1;
	s20 =	simm.s32 $0x2  }
0x6: {  	s21 =	simm.s32 $0x3;
	s22 =	simm.s32 $0x4;
	s23 =	simm.s32 $0x4D30  }
0x7: {  	s24 =	simm.s32 $0x26C0;
	s25 =	simm.s32 $0x4D80;
	s26 =	simm.s32 $0x4DD0  }
0x8: {  	s28 =	simm.s32 $0x0;
	s6 =	sand.u32 $0x1, s3;
	s7 =	smul.u32 $0xA000, s1  }
0x9: {  	s3 =	simm.s32 $0x0;
	s10 =	smul.u32 $0x28000, s1;
	s4 =	sshll.u32 s6, $0x4  }
0xa: {  	[smem:$0x7FF] =	sst s3;
	s9 =	smul.u32 $0xA0000, s6;
	s6 =	ssub.s32 $0x2, s6  }
0xb: {  	s8 =	sor.u32 s1, s4;
	_ =	strace $0x8000004D;
	s4 =	sadd.s32 $0x4C00, s5  }
0xc: {  	s11 =	sshrl.u32 s6, $0x1;
	s31 =	sshrl.u32 s10, $0x2;
	s8 =	smul.u32 $0x4E2, s8  }
0xd: {  	s9 =	sadd.s32 s7, s9;
	s13 =	ssub.s32 s6, s11;
	s10 =	sadd.s32 s31, s2  }
0xe: {  	s7 =	sadd.s32 s7, s2;
	s9 =	sshrl.u32 s9, $0x3;
	s8 =	sadd.s32 s8, s5  }
0xf: {  	s12 =	sadd.s32 s9, s5;
	s9 =	sadd.s32 $0x5000, s10;
	s5 =	sadd.s32 $0x22400, s8  }
0x10: {  	s6 =	sadd.s32 $0x18600, s8;
	s8 =	sadd.s32 $0x2800, s10;
	s10 =	sadd.s32 $0x7800, s10  }
0x11: {  	v0 =	vimm.f32 $0.0e+00;
	s11 =	sadd.s32 $0x2C200, s12;
	s12 =	smax.u32 s13, $0x1;
	s13 =	simm.s32 $0x5  }
.LBB2_1:
0x12: {  	[tilespmem:s3], [sflag:$0x5] =	stream.linear.gather [hbm4b:s5+s3], $0x2710, $0x38;
	[tilespmem:$0x13E20] =	vst v63  }
0x13: {  	_ =	swait.ge [sflag:s13], $0x2710  }
0x14: {  	[sflag:s13] =	ssyncset.done $0x0  }
0x15: {  	[sflag:s13] =	ssyncadd.s32 $0xFFFFD8F0  }
0x16: {  	[tilespmem:s14], [sflag:$0x5] =	stream.linear.gather [hbm4b:s6+s3], $0x2710, $0x38;
	[tilespmem:$0x13E20] =	vst v63  }
0x17: {  	_ =	swait.ge [sflag:s13], $0x2710  }
0x18: {  	[sflag:s13] =	ssyncset.done $0x0  }
0x19: {  	s29 =	simm.s32 $0x76A0;
	[sflag:s13] =	ssyncadd.s32 $0xFFFFD8F0  }
0x1a: {  	[tilespmem:s29+$0xFFFFFF80] =	vst v0  }
0x1b: {  	[tilespmem:s29+$0x70] =	vst v0  }
0x1c: {  	[tilespmem:s29+$0x60] =	vst v0  }
0x1d: {  	[tilespmem:s29+$0x50] =	vst v0  }
0x1e: {  	[tilespmem:s29+$0x40] =	vst v0  }
0x1f: {  	[tilespmem:s29+$0x30] =	vst v0  }
0x20: {  	[tilespmem:s29+$0x20] =	vst v0  }
0x21: {  	[tilespmem:s29+$0x10] =	vst v0  }
0x22: {  	[tilespmem:s29+$0x0] =	vst v0  }
0x23: {  	[tilespmem:s29+$0xFFFFFFF0] =	vst v0  }
0x24: {  	[tilespmem:s29+$0xFFFFFFE0] =	vst v0  }
0x25: {  	[tilespmem:s29+$0xFFFFFFD0] =	vst v0  }
0x26: {  	[tilespmem:s29+$0xFFFFFFC0] =	vst v0  }
0x27: {  	[tilespmem:s29+$0xFFFFFFB0] =	vst v0  }
0x28: {  	s30 =	simm.s32 $0x0;
	[tilespmem:s29+$0xFFFFFFA0] =	vst v0  }
.LBB2_2:
0x29: {  	s30 =	sadd.s32 $0x4, s30;
	[tilespmem:s29+$0xFFFFFF90] =	vst v0;
	s29 =	sadd.s32 $0x100, s29  }
0x2a: {  	[tilespmem:s29+$0xFFFFFF80] =	vst v0;
	p0 =	slt.u32 s30, $0x9C  }
0x2b: {  	[tilespmem:s29+$0x70] =	vst v0  }
0x2c: {  	[tilespmem:s29+$0x60] =	vst v0  }
0x2d: {  	[tilespmem:s29+$0x50] =	vst v0  }
0x2e: {  	[tilespmem:s29+$0x40] =	vst v0  }
0x2f: {  	[tilespmem:s29+$0x30] =	vst v0  }
0x30: {  	[tilespmem:s29+$0x20] =	vst v0  }
0x31: {  	[tilespmem:s29+$0x10] =	vst v0  }
0x32: {  	[tilespmem:s29+$0x0] =	vst v0  }
0x33: {  	[tilespmem:s29+$0xFFFFFFF0] =	vst v0  }
.Ltmp0:
0x34: {  	[tilespmem:s29+$0xFFFFFFE0] =	vst v0;
	(pc) =	sbr.rel @p0 .LBB2_2-.Ltmp0, $4  }
0x35: {  	[tilespmem:s29+$0xFFFFFFD0] =	vst v0  }
0x36: {  	[tilespmem:s29+$0xFFFFFFC0] =	vst v0  }
0x37: {  	[tilespmem:s29+$0xFFFFFFB0] =	vst v0  }
0x38: {  	[tilespmem:s29+$0xFFFFFFA0] =	vst v0  }
0x39: {  	[tilespmem:s29+$0xFFFFFF90] =	vst v0  }
0x3a: {  	[spmem:s7] =	stream.linear.scatter [tilespmem:s15], [sflag:$0x5], $0x2800, $0x38;
	[tilespmem:$0x13E20] =	vst v63  }
0x3b: {  	_ =	swait.ge [sflag:s13], $0x2800  }
0x3c: {  	[sflag:s13] =	ssyncset.done $0x0  }
0x3d: {  	[sflag:s13] =	ssyncadd.s32 $0xFFFFD800  }
0x3e: {  	[spmem:s8] =	stream.linear.scatter [tilespmem:s15], [sflag:$0x5], $0x2800, $0x38;
	[tilespmem:$0x13E20] =	vst v63  }
0x3f: {  	_ =	swait.ge [sflag:s13], $0x2800  }
0x40: {  	[sflag:s13] =	ssyncset.done $0x0  }
0x41: {  	[sflag:s13] =	ssyncadd.s32 $0xFFFFD800  }
0x42: {  	[spmem:s9] =	stream.linear.scatter [tilespmem:s15], [sflag:$0x5], $0x2800, $0x38;
	[tilespmem:$0x13E20] =	vst v63  }
0x43: {  	_ =	swait.ge [sflag:s13], $0x2800  }
0x44: {  	[sflag:s13] =	ssyncset.done $0x0  }
0x45: {  	[sflag:s13] =	ssyncadd.s32 $0xFFFFD800  }
0x46: {  	[spmem:s10] =	stream.linear.scatter [tilespmem:s15], [sflag:$0x5], $0x2800, $0x38;
	[tilespmem:$0x13E20] =	vst v63  }
0x47: {  	_ =	swait.ge [sflag:s13], $0x2800  }
0x48: {  	[sflag:s13] =	ssyncset.done $0x0  }
0x49: {  	[sflag:s13] =	ssyncadd.s32 $0xFFFFD800  }
0x4a: {  	s29 =	simm.s32 $0x0;
	[bflag:$0x0] =	sbarrier.arrive $0xFFFF  }
0x4b: {  	[tilespmem:s17], [sflag:$0x1] =	stream.indirect.gather [hbm4b:s4+s16], $0x40, s29, s16, $0xb8;
	[tilespmem:$0x13E20] =	vst v63  }
0x4c: {  	_ = 	snop  }
0x4d: {  	[tilespmem:s18], [sflag:$0x2] =	stream.indirect.gather [hbm4b:s4+s16], $0x40, s16, s16, $0xb8;
	[tilespmem:$0x13E20] =	vst v63  }
0x4e: {  	_ =	swait.ge [sflag:s19], $0x1400  }
0x4f: {  	[sflag:s19] =	ssyncset.done $0x0  }
0x50: {  	s29 =	simm.s32 $0x2710;
	[sflag:s19] =	ssyncadd.s32 $0xFFFFEC00  }
0x51: {  	[spmem:s2] =	stream.indirect.scatter.add.f32 [tilespmem:s17], [sflag:$0x3], $0x40, s29, s16, $0xb8;
	[tilespmem:$0x13E20] =	vst v63  }
0x52: {  	_ =	swait.ge [sflag:s20], $0x1400  }
0x53: {  	[sflag:s20] =	ssyncset.done $0x0  }
0x54: {  	s29 =	simm.s32 $0x2760;
	[sflag:s20] =	ssyncadd.s32 $0xFFFFEC00  }
0x55: {  	[spmem:s2] =	stream.indirect.scatter.add.f32 [tilespmem:s18], [sflag:$0x4], $0x40, s29, s16, $0xb8;
	[tilespmem:$0x13E20] =	vst v63  }
0x56: {  	_ =	swait.ge [sflag:s21], $0x1400  }
0x57: {  	[sflag:s21] =	ssyncset.done $0x0  }
0x58: {  	s29 =	simm.s32 $0xA0;
	[sflag:s21] =	ssyncadd.s32 $0xFFFFEC00  }
0x59: {  	[tilespmem:s17], [sflag:$0x1] =	stream.indirect.gather [hbm4b:s4+s16], $0x40, s29, s16, $0xb8;
	[tilespmem:$0x13E20] =	vst v63  }
0x5a: {  	_ =	swait.ge [sflag:s22], $0x1400  }
0x5b: {  	[sflag:s22] =	ssyncset.done $0x0  }
0x5c: {  	s30 =	simm.s32 $0xF0;
	s29 =	simm.s32 $0x280;
	[sflag:s22] =	ssyncadd.s32 $0xFFFFEC00  }
.LBB2_4:
0x5d: {  	[tilespmem:s18], [sflag:$0x2] =	stream.indirect.gather [hbm4b:s4+s16], $0x40, s30, s16, $0xb8;
	[tilespmem:$0x13E20] =	vst v63  }
0x5e: {  	s30 =	smov.u32 s29  }
0x5f: {  	p0 =	sne.s32 s29, $0x9600;
	s29 =	sadd.s32 $0x280, s29;
	_ =	swait.ge [sflag:s19], $0x1400  }
0x60: {  	s30 =	sshra.s32 s30, $0x2;
	[sflag:s19] =	ssyncset.done $0x0  }
0x61: {  	s31 =	sadd.s32 $0x2710, s30;
	[sflag:s19] =	ssyncadd.s32 $0xFFFFEC00  }
0x62: {  	[spmem:s2] =	stream.indirect.scatter.add.f32 [tilespmem:s17], [sflag:$0x3], $0x40, s31, s16, $0xb8;
	[tilespmem:$0x13E20] =	vst v63  }
0x63: {  	_ =	swait.ge [sflag:s20], $0x1400  }
0x64: {  	[sflag:s20] =	ssyncset.done $0x0  }
0x65: {  	s31 =	sadd.s32 $0x2760, s30;
	[sflag:s20] =	ssyncadd.s32 $0xFFFFEC00  }
0x66: {  	[spmem:s2] =	stream.indirect.scatter.add.f32 [tilespmem:s18], [sflag:$0x4], $0x40, s31, s16, $0xb8;
	[tilespmem:$0x13E20] =	vst v63  }
0x67: {  	_ =	swait.ge [sflag:s21], $0x1400  }
0x68: {  	[sflag:s21] =	ssyncset.done $0x0  }
.Ltmp1:
0x69: {  	s31 =	sadd.s32 $0xA0, s30;
	[sflag:s21] =	ssyncadd.s32 $0xFFFFEC00;
	(pc) =	sbr.rel @p0 .LBB2_4-.Ltmp1, $4  }
0x6a: {  	[tilespmem:s17], [sflag:$0x1] =	stream.indirect.gather [hbm4b:s4+s16], $0x40, s31, s16, $0xb8;
	[tilespmem:$0x13E20] =	vst v63  }
0x6b: {  	_ =	swait.ge [sflag:s22], $0x1400  }
0x6c: {  	[sflag:s22] =	ssyncset.done $0x0  }
0x6d: {  	s30 =	sadd.s32 $0xF0, s30;
	[sflag:s22] =	ssyncadd.s32 $0xFFFFEC00  }
0x6e: {  	[tilespmem:s18], [sflag:$0x2] =	stream.indirect.gather [hbm4b:s4+s16], $0x40, s30, s16, $0xb8;
	[tilespmem:$0x13E20] =	vst v63  }
0x6f: {  	_ =	swait.ge [sflag:s19], $0x1400  }
0x70: {  	[sflag:s19] =	ssyncset.done $0x0  }
0x71: {  	[sflag:s19] =	ssyncadd.s32 $0xFFFFEC00  }
0x72: {  	[spmem:s2] =	stream.indirect.scatter.add.f32 [tilespmem:s17], [sflag:$0x3], $0x40, s23, s16, $0xb8;
	[tilespmem:$0x13E20] =	vst v63  }
0x73: {  	_ =	swait.ge [sflag:s21], $0x1400  }
0x74: {  	[sflag:s21] =	ssyncset.done $0x0  }
0x75: {  	[sflag:s21] =	ssyncadd.s32 $0xFFFFEC00  }
0x76: {  	[tilespmem:s17], [sflag:$0x1] =	stream.indirect.gather [hbm4b:s4+s16], $0x40, s24, s16, $0xb8;
	[tilespmem:$0x13E20] =	vst v63  }
0x77: {  	_ =	swait.ge [sflag:s20], $0x1400  }
0x78: {  	[sflag:s20] =	ssyncset.done $0x0  }
0x79: {  	[sflag:s20] =	ssyncadd.s32 $0xFFFFEC00  }
0x7a: {  	[spmem:s2] =	stream.indirect.scatter.add.f32 [tilespmem:s18], [sflag:$0x4], $0x40, s25, s16, $0xb8;
	[tilespmem:$0x13E20] =	vst v63  }
0x7b: {  	_ =	swait.ge [sflag:s19], $0x1400  }
0x7c: {  	[sflag:s19] =	ssyncset.done $0x0  }
0x7d: {  	[sflag:s19] =	ssyncadd.s32 $0xFFFFEC00  }
0x7e: {  	[spmem:s2] =	stream.indirect.scatter.add.f32 [tilespmem:s17], [sflag:$0x3], $0x40, s26, s16, $0xb8;
	[tilespmem:$0x13E20] =	vst v63  }
0x7f: {  	_ =	swait.ge [sflag:s21], $0x1400  }
0x80: {  	[sflag:s21] =	ssyncset.done $0x0  }
0x81: {  	[sflag:s21] =	ssyncadd.s32 $0xFFFFEC00  }
0x82: {  	_ =	swait.ge [sflag:s22], $0x1400  }
0x83: {  	s29 =	sshll.u32 s1, $0x6;
	s28 =	sadd.s32 $0x1, s28;
	[sflag:s22] =	ssyncset.done $0x0  }
0x84: {  	s31 =	sshrl.u32 s7, $0x3;
	p0 =	sne.s32 s28, s12;
	[sflag:s22] =	ssyncadd.s32 $0xFFFFEC00  }
.Ltmp2:
0x85: {  	s29 =	sor.u32 $0x1C05, s29;
	[bflag:$0x0] =	sbarrier.arrive $0xFFFF;
	(pc) =	sbr.rel @p0 .LBB2_1-.Ltmp2, $4  }
0x86: {  	[hbm:s11], [sflag:s29] =	dma.local [spmem:s31], $0x1400  }
0x87: {  	_ =	swait.ge [sflag:s13], $0x1400  }
0x88: {  	[sflag:s13] =	ssyncset.done $0x0  }
0x89: {  	[sflag:s13] =	ssyncadd.s32 $0xFFFFEC00  }
0x8a: {  	_ =	sfence.sel $0x180000  }
0x8b: {  	[bflag:$0x0] =	sbarrier.arrive $0xFFFF  }
0x8c: {  	p0 =	sne.s32 s1, $0x0;
	_ =	strace $0x9000004D  }
0x8d: {  	s0 =	sadd.s32 @!p0 $0x100000, s0;
	[bflag:$0x2] =	sbarrier.arrive $0xFFFF  }
0x8e: {  	[sflag:s0] =	ssyncadd.tile.s32 @!p0 $0x1;
	_ =	shalt  }
.Lfunc_end2:
_tile_overlayer_lowered:
.L_overlay_start_2:
0x8f: {  	(tag) =	ssettag $0x2  }
0x90: {  	s0 =	rddreg [dreg:$0x0];
	s2 =	stileid.u32  }
0x91: {  	s1 =	rddreg [dreg:$0x1];
	p0 =	sne.s32 s2, $0x0  }
0x92: {  	s3 =	rddreg [dreg:$0x2];
	[bflag:$0x3] =	sbarrier.arrive $0xFFFF;
	s2 =	simm.s32 @!p0 $0x1C05  }
0x93: {  	[timem:s3], [sflag:s2] =	dma.local @!p0 [hbm:s0], s1  }
0x94: {  	s0 =	simm.s32 @!p0 $0x5  }
0x95: {  	_ =	swait.ge @!p0 [sflag:s0], s1  }
0x96: {  	s1 =	ssub.s32 @!p0 $0x0, s1;
	[sflag:s0] =	ssyncset.done @!p0 $0x0  }
0x97: {  	[sflag:s0] =	ssyncadd.s32 @!p0 s1  }
0x98: {  	[bflag:$0x3] =	sbarrier.arrive $0xFFFF  }
0x99: {  	_ =	shalt  }

// kernel: kernel.8.cloned.1.call-start
scs
__scs_entry_jumppad:
0x0: {  	(pc) =	sbr.rel $0x88, $3  }
0x1: {  	(tag) =	ssettag $0x0;
	lr =	simm.s32 $0x1  }
0x2: {  	[smem:$0x3F8A] =	sst lr;
	_ =	strace $0xD0000000  }
0x3: {  	_ = 	snop  }
0x4: {  	_ = 	snop  }
0x5: {  	_ = 	snop  }
0x6: {  	_ = 	snop  }
0x7: {  	_ = 	snop  }
__scs_overlays_trampoline_lowered:
0x8: {  	[smem:$0x3F99] =	sst s0  }
0x9: {  	[smem:$0x3F9A] =	sst s1  }
0xa: {  	[smem:$0x3F9B] =	sst s2  }
0xb: {  	[smem:$0x3F9C] =	sst s3  }
0xc: {  	[smem:$0x3F9D] =	sst s4  }
0xd: {  	[smem:$0x3F9E] =	sst s5  }
0xe: {  	[smem:$0x3F9F] =	sst s6  }
0xf: {  	[smem:$0x3FA0] =	sst s7  }
0x10: {  	[smem:$0x3FA1] =	sst s8  }
0x11: {  	[smem:$0x3FA2] =	sst s9;
	s0 =	simm.s32 @!p0 $0x0  }
0x12: {  	s1 =	sld [smem:$0x3F88];
	s0 =	simm.s32 @p0 $0x1  }
0x13: {  	[smem:$0x3FA3] =	sst s0;
	s0 =	simm.s32 @!p1 $0x0  }
0x14: {  	s2 =	sld [smem:$0x3F87];
	s0 =	simm.s32 @p1 $0x1  }
0x15: {  	[smem:$0x3FA4] =	sst s0;
	s0 =	simm.s32 @!p2 $0x0  }
0x16: {  	s3 =	sld [smem:$0x3FDB];
	s0 =	simm.s32 @p2 $0x1  }
0x17: {  	s4 =	simm.s32 $0x1BF5;
	[smem:$0x3FA6] =	sst s0  }
0x18: {  	s0 =	sld [smem:$0x3F89];
	_ =	swait.ge [sflag:s4], $0x0  }
0x19: {  	s7 =	sld [smem:$0x3F8A]  }
0x1a: {  	s8 =	sadd.s32 $0xFFFFE003, lr  }
0x1b: {  	s9 =	sadd.s32 $0xFFFFFEF7, lr;
	s5 =	simm.s32 $0xFFFFFFFF;
	p2 =	slt.u32 s8, $0xFFFFF086  }
0x1c: {  	p1 =	slt.u32 s9, $0xF7A;
	s5 =	simm.s32 @!p2 $0x0  }
0x1d: {  	s5 =	simm.s32 @p1 $0x1;
	p0 =	seq.s32 s7, s2  }
0x1e: {  	s7 =	smul.u32 @!p0 $0xF7A, s2;
	p2 =	seq.s32 @!p0 s5, $0x0  }
0x1f: {  	s9 =	smul.u32 $0xF7A, s1;
	s8 =	simm.s32 @!p0 $0x1BF5;
	p2 =	por !p2, p0  }
0x20: {  	[sflag:s8] =	ssyncset.s32 @!p0 $0xFFFFF086;
	s6 =	sadd.s32 @!p0 s3, s7;
	s7 =	simm.s32 @!p0 $0x108  }
0x21: {  	s3 =	sadd.s32 s3, s9;
	s6 =	sadd.s32 @!p0 $0x88, s6;
	s7 =	simm.s32 @p2 $0x1082  }
0x22: {  	[simem:s7], [sflag:s8] =	dma.local @!p0 [hbm:s6], $0xF7A  }
0x23: {  	s9 =	sor.u32 $0xD0000000, s2;
	s6 =	simm.s32 $0x108;
	_ =	swait.ge @!p0 [sflag:s8], $0x0  }
0x24: {  	s3 =	sadd.s32 $0x88, s3;
	s6 =	simm.s32 @!p1 $0x1082;
	[sflag:s4] =	ssyncset.s32 $0xFFFFF086  }
0x25: {  	[simem:s6], [sflag:s4] =	dma.local [hbm:s3], $0xF7A  }
0x26: {  	[smem:$0x3F8A] =	sst s1;
	(tag) =	ssettag s2;
	_ =	strace s9  }
0x27: {  	s1 =	sld [smem:$0x3F9A]  }
0x28: {  	s2 =	sld [smem:$0x3F9B]  }
0x29: {  	s4 =	sld [smem:$0x3F9D]  }
0x2a: {  	p0 =	seq.s32 s5, $0x0;
	s5 =	sld [smem:$0x3F9E]  }
0x2b: {  	s6 =	sld [smem:$0x3F9F]  }
0x2c: {  	s7 =	sld [smem:$0x3FA0]  }
0x2d: {  	s3 =	simm.s32 $0x108;
	s8 =	sld [smem:$0x3FA1]  }
0x2e: {  	s3 =	simm.s32 @!p0 $0x1082;
	s9 =	sld [smem:$0x3FA2]  }
0x2f: {  	lr =	sadd.s32 s0, s3;
	s0 =	sld [smem:$0x3F99]  }
0x30: {  	s3 =	sld [smem:$0x3F9C]  }
0x31: {  	[smem:$0x3FA5] =	sst s10  }
0x32: {  	s10 =	sld [smem:$0x3FA3];
	_ =	sdelay $0x3  }
0x33: {  	p0 =	seq.s32 s10, $0x1;
	s10 =	sld [smem:$0x3FA5];
	_ =	sdelay $0x3  }
0x34: {  	[smem:$0x3FA5] =	sst s10  }
0x35: {  	s10 =	sld [smem:$0x3FA4];
	_ =	sdelay $0x3  }
0x36: {  	p1 =	seq.s32 s10, $0x1;
	s10 =	sld [smem:$0x3FA5];
	_ =	sdelay $0x3  }
0x37: {  	[smem:$0x3FA5] =	sst s10  }
0x38: {  	s10 =	sld [smem:$0x3FA6]  }
0x39: {  	_ = 	snop;
	(pc) =	sbr.ind lr, $3  }
0x3a: {  	_ = 	snop  }
0x3b: {  	_ = 	snop  }
0x3c: {  	p2 =	seq.s32 s10, $0x1;
	s10 =	sld [smem:$0x3FA5]  }
0x3d: {  	_ =	shalt  }
0x3e: {  	_ =	shalt  }
0x3f: {  	_ =	shalt  }
0x40: {  	_ =	shalt  }
0x41: {  	_ =	shalt  }
0x42: {  	_ =	shalt  }
0x43: {  	_ =	shalt  }
0x44: {  	_ =	shalt  }
0x45: {  	_ =	shalt  }
0x46: {  	_ =	shalt  }
0x47: {  	_ =	shalt  }
0x48: {  	_ =	shalt  }
0x49: {  	_ =	shalt  }
0x4a: {  	_ =	shalt  }
0x4b: {  	_ =	shalt  }
0x4c: {  	_ =	shalt  }
0x4d: {  	_ =	shalt  }
0x4e: {  	_ =	shalt  }
0x4f: {  	_ =	shalt  }
0x50: {  	_ =	shalt  }
0x51: {  	_ =	shalt  }
0x52: {  	_ =	shalt  }
0x53: {  	_ =	shalt  }
0x54: {  	_ =	shalt  }
0x55: {  	_ =	shalt  }
0x56: {  	_ =	shalt  }
0x57: {  	_ =	shalt  }
0x58: {  	_ =	shalt  }
0x59: {  	_ =	shalt  }
0x5a: {  	_ =	shalt  }
0x5b: {  	_ =	shalt  }
0x5c: {  	_ =	shalt  }
0x5d: {  	_ =	shalt  }
0x5e: {  	_ =	shalt  }
0x5f: {  	_ =	shalt  }
0x60: {  	_ =	shalt  }
0x61: {  	_ =	shalt  }
0x62: {  	_ =	shalt  }
0x63: {  	_ =	shalt  }
0x64: {  	_ =	shalt  }
0x65: {  	_ =	shalt  }
0x66: {  	_ =	shalt  }
0x67: {  	_ =	shalt  }
0x68: {  	_ =	shalt  }
0x69: {  	_ =	shalt  }
0x6a: {  	_ =	shalt  }
0x6b: {  	_ =	shalt  }
0x6c: {  	_ =	shalt  }
0x6d: {  	_ =	shalt  }
0x6e: {  	_ =	shalt  }
0x6f: {  	_ =	shalt  }
0x70: {  	_ =	shalt  }
0x71: {  	_ =	shalt  }
0x72: {  	_ =	shalt  }
0x73: {  	_ =	shalt  }
0x74: {  	_ =	shalt  }
0x75: {  	_ =	shalt  }
0x76: {  	_ =	shalt  }
0x77: {  	_ =	shalt  }
0x78: {  	_ =	shalt  }
0x79: {  	_ =	shalt  }
0x7a: {  	_ =	shalt  }
0x7b: {  	_ =	shalt  }
0x7c: {  	_ =	shalt  }
0x7d: {  	_ =	shalt  }
0x7e: {  	_ =	shalt  }
0x7f: {  	_ =	shalt  }
0x80: {  	_ =	shalt  }
0x81: {  	_ =	shalt  }
0x82: {  	_ =	shalt  }
0x83: {  	_ =	shalt  }
0x84: {  	_ =	shalt  }
0x85: {  	_ =	shalt  }
0x86: {  	_ =	shalt  }
0x87: {  	_ =	shalt  }
.Lfunc_end0:
.L_simem_size_0:
called_computation_lowered:
.L_overlay_start_0:
0x88: {  	s2 =	sld [smem:$0x3FD9]  }
0x89: {  	s3 =	sld [smem:$0x3FFE];
	_ =	sdelay $0x1  }
0x8a: {  	s1 =	srdreg.scid  }
0x8b: {  	s0 =	sand.u32 $0x1, s1  }
0x8c: {  	s16 =	sshll.u32 s0, $0xA;
	s2 =	sadd.s32 s3, s2  }
0x8d: {  	s2 =	sadd.s32 s2, s16  }
0x8e: {  	[smem:$0x3FB1] =	sst s2  }
0x8f: {  	_ = 	snop  }
0x90: {  	(tm) =	ssettm $0x1  }
0x91: {  	s17 =	sld [smem:$0x3FFB];
	_ =	sdelay $0x3  }
0x92: {  	_ =	strace s17  }
0x93: {  	s2 =	sld [smem:$0x3FFC];
	_ =	sdelay $0x3  }
0x94: {  	_ =	strace s2  }
0x95: {  	s2 =	sld [smem:$0x3FFD];
	_ =	sdelay $0x3  }
0x96: {  	_ =	strace s2  }
0x97: {  	_ =	strace $0x8FFFFFFF  }
0x98: {  	s18 =	sld [smem:$0x3FDB];
	_ =	sdelay $0x1  }
0x99: {  	s19 =	simm.s32 $_scs_section_size  }
0x9a: {  	s4 =	simm.s32 $_size__tile_overlayer_lowered;
	s5 =	simm.s32 $_tile_overlayer_lowered  }
0x9b: {  	s22 =	simm.s32 $0x1BFF;
	s21 =	sshll.u32 s5, $0x1;
	s2 =	sadd.s32 s19, s18  }
0x9c: {  	s6 =	simm.s32 $0x0;
	s20 =	sshll.u32 s4, $0x1;
	s4 =	sadd.s32 s21, s2  }
0x9d: {  	[timem:s6], [sflag:s22] =	dma.local [hbm:s4], s20  }
0x9e: {  	_ =	swait.ge [sflag:s22], s20  }
0x9f: {  	s3 =	ssub.s32 $0x0, s20;
	[sflag:s22] =	ssyncset.done $0x0  }
0xa0: {  	[sflag:s22] =	ssyncadd.s32 s3;
	_ =	sdelay $0x1  }
0xa1: {  	s23 =	simm.s32 $0x1B8B  }
0xa2: {  	_ =	swait.ge [sflag:s23], $0x1  }
0xa3: {  	[sflag:s23] =	ssyncset.done $0x0  }
0xa4: {  	s25 =	simm.s32 $0x1B8E;
	s24 =	sld [smem:$0x3FFE];
	[sflag:s23] =	ssyncadd.s32 $0xFFFFFFFF  }
0xa5: {  	s26 =	simm.s32 $execute0_lowered;
	[smem:$0x3FD2] =	sst s25  }
0xa6: {  	s4 =	sshll.u32 s26, $0x1;
	_ =	strace $0x80000046;
	[dreg:$0x1] =	wrdreg $0xFFFFFFFF  }
0xa7: {  	s28 =	simm.s32 $_size_execute0_lowered;
	s2 =	sadd.s32 s2, s4;
	[dreg:$0x0] =	wrdreg $0x0  }
0xa8: {  	s4 =	sshll.u32 s28, $0x1;
	[dreg:$0x2] =	wrdreg s2  }
0xa9: {  	[dreg:$0x3] =	wrdreg s4  }
0xaa: {  	[dreg:$0x4] =	wrdreg $0xC0  }
0xab: {  	_ =	task [dreg:s6], $0x5FFFF  }
0xac: {  	[dreg:$0x1] =	wrdreg $0xFFFFFFFF  }
0xad: {  	[dreg:$0x0] =	wrdreg $0x60  }
0xae: {  	[dreg:$0x2] =	wrdreg s24  }
0xaf: {  	[dreg:$0x3] =	wrdreg $0xCB200  }
0xb0: {  	[dreg:$0x4] =	wrdreg $0x16B200  }
0xb1: {  	[dreg:$0x5] =	wrdreg $0x9  }
0xb2: {  	_ =	task.clear_ibuf [dreg:s6], $0x6FFFF;
	_ =	strace $0x90000046  }
0xb3: {  	s29 =	simm.s32 $0x9;
	_ =	strace $0x80000048  }
0xb4: {  	_ =	swait.ge [sflag:s29], $0x1  }
0xb5: {  	[sflag:s29] =	ssyncadd.s32 $0xFFFFFFFF  }
0xb6: {  	_ =	strace $0x90000048  }
0xb7: {  	_ =	sfence  }
0xb8: {  	s30 =	sld [smem:$0x0];
	_ =	sdelay $0x2  }
0xb9: {  	s31 =	sshll.u32 s1, $0xD;
	s1 =	sshrl.u32 s1, $0x2  }
0xba: {  	s3 =	sand.u32 $0x4000, s31;
	s1 =	sadd.s32 s1, s30  }
0xbb: {  	s0 =	sor.u32 s3, s0;
	s1 =	sshll.u32 s1, $0x11  }
0xbc: {  	s0 =	sor.u32 s1, s0  }
0xbd: {  	s0 =	sadd.s32 $0x8F2B, s0  }
0xbe: {  	[sflag:s0] =	ssyncadd.remote.s32 $0x1  }
0xbf: {  	_ =	sfence.sel $0xFFFF  }
0xc0: {  	[dreg:$0x0] =	wrdreg $0xFFFFFFFF;
	(pc) =	sbr.abs _section_cstart, $3  }
0xc1: {  	[dreg:$0x1] =	wrdreg $0xFFFFFFFF  }
0xc2: {  	_ =	task.clear_ibuf [dreg:s6], $0x2FFFF;
	_ =	strace $0x9FFFFFFF  }
0xc3: {  	(tm) =	ssettm $0x7FFFFFFF  }
tec
execute0_lowered:
.L_overlay_start_1:
0x0: {  	(tag) =	ssettag $0x1  }
0x1: {  	s6 =	rddreg [dreg:$0x0]  }
0x2: {  	s0 =	srdreg.scid;
	s2 =	rddreg [dreg:$0x1]  }
0x3: {  	s10 =	stileid.u32;
	s3 =	rddreg [dreg:$0x2];
	s4 =	simm.s32 $0x0  }
0x4: {  	s16 =	simm.s32 $0x5;
	s18 =	simm.s32 $0x7B20;
	s20 =	simm.s32 $0x50  }
0x5: {  	s21 =	simm.s32 $0x4E20;
	s22 =	simm.s32 $0x6220;
	s23 =	simm.s32 $0x1  }
0x6: {  	s24 =	simm.s32 $0x7620;
	s28 =	simm.s32 $0x4;
	s29 =	simm.s32 $0x4D30  }
0x7: {  	s31 =	simm.s32 $0x4D80;
	s17 =	simm.s32 $0x0;
	s8 =	smul.u32 $0xA000, s10  }
0x8: {  	s0 =	sand.u32 $0x1, s0;
	s12 =	smul.u32 $0x2800, s10;
	[smem:$0x7FF] =	sst s4  }
0x9: {  	s5 =	sadd.s32 $0x4C00, s6;
	s1 =	sshll.u32 s0, $0x4;
	s7 =	smul.u32 $0xA0000, s0  }
0xa: {  	s9 =	smul.u32 $0x28000, s0;
	_ =	strace $0x80000047;
	s0 =	ssub.s32 $0x2, s0  }
0xb: {  	s1 =	sor.u32 s10, s1;
	s10 =	smul.u32 $0x28000, s10;
	s25 =	sshrl.u32 s0, $0x1  }
0xc: {  	s1 =	smul.u32 $0x4E2, s1;
	s7 =	sadd.s32 s8, s7;
	s9 =	sadd.s32 s12, s9  }
0xd: {  	s0 =	ssub.s32 s0, s25;
	s8 =	sadd.s32 s8, s2;
	s12 =	sadd.s32 s12, s3  }
0xe: {  	s25 =	simm.s32 $0x2;
	s7 =	sshrl.u32 s7, $0x3;
	s9 =	sshrl.u32 s9, $0x3  }
0xf: {  	s26 =	sshrl.u32 s10, $0x2;
	s15 =	smax.u32 s0, $0x1;
	s1 =	sadd.s32 s1, s6  }
0x10: {  	s13 =	sadd.s32 s7, s6;
	s14 =	sadd.s32 s9, s6;
	s30 =	sadd.s32 s26, s2  }
0x11: {  	s26 =	simm.s32 $0x3;
	s6 =	sadd.s32 $0x22400, s1;
	s7 =	sadd.s32 $0x18600, s1  }
0x12: {  	s9 =	sadd.s32 $0x2800, s30;
	s10 =	sadd.s32 $0x5000, s30;
	s11 =	sadd.s32 $0x7800, s30  }
0x13: {  	v0 =	vimm.f32 $0.0e+00;
	v1 =	vimm.f32 $1.000000000e+00;
	s13 =	sadd.s32 $0x2C200, s13;
	s14 =	sadd.s32 $0x54200, s14;
	s1 =	simm.s32 $0x4DD0  }
.LBB2_1:
0x14: {  	[tilespmem:s4], [sflag:$0x5] =	stream.linear.gather [hbm4b:s6+s4], $0x2710, $0x38;
	[tilespmem:$0x19320] =	vst v63  }
0x15: {  	_ =	swait.ge [sflag:s16], $0x2710  }
0x16: {  	[sflag:s16] =	ssyncset.done $0x0  }
0x17: {  	s0 =	simm.s32 $0x2710;
	[sflag:s16] =	ssyncadd.s32 $0xFFFFD8F0  }
0x18: {  	[tilespmem:s0], [sflag:$0x5] =	stream.linear.gather [hbm4b:s7+s4], $0x2710, $0x38;
	[tilespmem:$0x19320] =	vst v63  }
0x19: {  	_ =	swait.ge [sflag:s16], $0x2710  }
0x1a: {  	[sflag:s16] =	ssyncset.done $0x0  }
0x1b: {  	s19 =	simm.s32 $0x7BA0;
	[sflag:s16] =	ssyncadd.s32 $0xFFFFD8F0  }
0x1c: {  	[tilespmem:s19+$0xFFFFFF80] =	vst v0  }
0x1d: {  	[tilespmem:s19+$0x70] =	vst v0  }
0x1e: {  	[tilespmem:s19+$0x60] =	vst v0  }
0x1f: {  	[tilespmem:s19+$0x50] =	vst v0  }
0x20: {  	[tilespmem:s19+$0x40] =	vst v0  }
0x21: {  	[tilespmem:s19+$0x30] =	vst v0  }
0x22: {  	[tilespmem:s19+$0x20] =	vst v0  }
0x23: {  	[tilespmem:s19+$0x10] =	vst v0  }
0x24: {  	[tilespmem:s19+$0x0] =	vst v0  }
0x25: {  	[tilespmem:s19+$0xFFFFFFF0] =	vst v0  }
0x26: {  	[tilespmem:s19+$0xFFFFFFE0] =	vst v0  }
0x27: {  	[tilespmem:s19+$0xFFFFFFD0] =	vst v0  }
0x28: {  	[tilespmem:s19+$0xFFFFFFC0] =	vst v0  }
0x29: {  	[tilespmem:s19+$0xFFFFFFB0] =	vst v0  }
0x2a: {  	s30 =	simm.s32 $0x0;
	[tilespmem:s19+$0xFFFFFFA0] =	vst v0  }
.LBB2_2:
0x2b: {  	s30 =	sadd.s32 $0x4, s30;
	[tilespmem:s19+$0xFFFFFF90] =	vst v0;
	s19 =	sadd.s32 $0x100, s19;
	s0 =	simm.s32 $0xA340  }
0x2c: {  	[tilespmem:s19+$0xFFFFFF80] =	vst v0;
	p0 =	slt.u32 s30, $0x9C  }
0x2d: {  	[tilespmem:s19+$0x70] =	vst v0  }
0x2e: {  	[tilespmem:s19+$0x60] =	vst v0  }
0x2f: {  	[tilespmem:s19+$0x50] =	vst v0  }
0x30: {  	[tilespmem:s19+$0x40] =	vst v0  }
0x31: {  	[tilespmem:s19+$0x30] =	vst v0  }
0x32: {  	[tilespmem:s19+$0x20] =	vst v0  }
0x33: {  	[tilespmem:s19+$0x10] =	vst v0  }
0x34: {  	[tilespmem:s19+$0x0] =	vst v0  }
0x35: {  	[tilespmem:s19+$0xFFFFFFF0] =	vst v0  }
.Ltmp0:
0x36: {  	[tilespmem:s19+$0xFFFFFFE0] =	vst v0;
	(pc) =	sbr.rel @p0 .LBB2_2-.Ltmp0, $4  }
0x37: {  	[tilespmem:s19+$0xFFFFFFD0] =	vst v0  }
0x38: {  	[tilespmem:s19+$0xFFFFFFC0] =	vst v0  }
0x39: {  	[tilespmem:s19+$0xFFFFFFB0] =	vst v0  }
0x3a: {  	[tilespmem:s19+$0xFFFFFFA0] =	vst v0  }
0x3b: {  	[tilespmem:s19+$0xFFFFFF90] =	vst v0  }
0x3c: {  	[tilespmem:s0+$0xFFFFFFE0] =	vst v0  }
0x3d: {  	[tilespmem:s0+$0x10] =	vst v0  }
0x3e: {  	s19 =	simm.s32 $0x0;
	[tilespmem:s0+$0x0] =	vst v0  }
.LBB2_4:
0x3f: {  	s19 =	sadd.s32 $0x4, s19  }
0x40: {  	[tilespmem:s0+$0xFFFFFFF0] =	vst v0;
	s0 =	sadd.s32 $0x40, s0;
	p0 =	slt.u32 s19, $0x27C  }
.Ltmp1:
0x41: {  	[tilespmem:s0+$0xFFFFFFE0] =	vst v0;
	(pc) =	sbr.rel @p0 .LBB2_4-.Ltmp1, $3  }
0x42: {  	_ =	sdelay $0x1  }
0x43: {  	[tilespmem:s0+$0x10] =	vst v0  }
0x44: {  	[tilespmem:s0+$0x0] =	vst v0  }
0x45: {  	[tilespmem:s0+$0xFFFFFFF0] =	vst v0  }
0x46: {  	[tilespmem:$0x7620] =	vst v1  }
0x47: {  	[tilespmem:$0x7630] =	vst v1  }
0x48: {  	[tilespmem:$0x7640] =	vst v1  }
0x49: {  	[tilespmem:$0x7650] =	vst v1  }
0x4a: {  	[tilespmem:$0x7660] =	vst v1  }
0x4b: {  	[tilespmem:$0x7670] =	vst v1  }
0x4c: {  	[tilespmem:$0x7680] =	vst v1  }
0x4d: {  	[tilespmem:$0x7690] =	vst v1  }
0x4e: {  	[tilespmem:$0x76A0] =	vst v1  }
0x4f: {  	[tilespmem:$0x76B0] =	vst v1  }
0x50: {  	[tilespmem:$0x76C0] =	vst v1  }
0x51: {  	[tilespmem:$0x76D0] =	vst v1  }
0x52: {  	[tilespmem:$0x76E0] =	vst v1  }
0x53: {  	[tilespmem:$0x76F0] =	vst v1  }
0x54: {  	[tilespmem:$0x7700] =	vst v1  }
0x55: {  	[tilespmem:$0x7710] =	vst v1  }
0x56: {  	[tilespmem:$0x7720] =	vst v1  }
0x57: {  	[tilespmem:$0x7730] =	vst v1  }
0x58: {  	[tilespmem:$0x7740] =	vst v1  }
0x59: {  	[tilespmem:$0x7750] =	vst v1  }
0x5a: {  	[tilespmem:$0x7760] =	vst v1  }
0x5b: {  	[tilespmem:$0x7770] =	vst v1  }
0x5c: {  	[tilespmem:$0x7780] =	vst v1  }
0x5d: {  	[tilespmem:$0x7790] =	vst v1  }
0x5e: {  	[tilespmem:$0x77A0] =	vst v1  }
0x5f: {  	[tilespmem:$0x77B0] =	vst v1  }
0x60: {  	[tilespmem:$0x77C0] =	vst v1  }
0x61: {  	[tilespmem:$0x77D0] =	vst v1  }
0x62: {  	[tilespmem:$0x77E0] =	vst v1  }
0x63: {  	[tilespmem:$0x77F0] =	vst v1  }
0x64: {  	[tilespmem:$0x7800] =	vst v1  }
0x65: {  	[tilespmem:$0x7810] =	vst v1  }
0x66: {  	[tilespmem:$0x7820] =	vst v1  }
0x67: {  	[tilespmem:$0x7830] =	vst v1  }
0x68: {  	[tilespmem:$0x7840] =	vst v1  }
0x69: {  	[tilespmem:$0x7850] =	vst v1  }
0x6a: {  	[tilespmem:$0x7860] =	vst v1  }
0x6b: {  	[tilespmem:$0x7870] =	vst v1  }
0x6c: {  	[tilespmem:$0x7880] =	vst v1  }
0x6d: {  	[tilespmem:$0x7890] =	vst v1  }
0x6e: {  	[tilespmem:$0x78A0] =	vst v1  }
0x6f: {  	[tilespmem:$0x78B0] =	vst v1  }
0x70: {  	[tilespmem:$0x78C0] =	vst v1  }
0x71: {  	[tilespmem:$0x78D0] =	vst v1  }
0x72: {  	[tilespmem:$0x78E0] =	vst v1  }
0x73: {  	[tilespmem:$0x78F0] =	vst v1  }
0x74: {  	[tilespmem:$0x7900] =	vst v1  }
0x75: {  	[tilespmem:$0x7910] =	vst v1  }
0x76: {  	[tilespmem:$0x7920] =	vst v1  }
0x77: {  	[tilespmem:$0x7930] =	vst v1  }
0x78: {  	[tilespmem:$0x7940] =	vst v1  }
0x79: {  	[tilespmem:$0x7950] =	vst v1  }
0x7a: {  	[tilespmem:$0x7960] =	vst v1  }
0x7b: {  	[tilespmem:$0x7970] =	vst v1  }
0x7c: {  	[tilespmem:$0x7980] =	vst v1  }
0x7d: {  	[tilespmem:$0x7990] =	vst v1  }
0x7e: {  	[tilespmem:$0x79A0] =	vst v1  }
0x7f: {  	[tilespmem:$0x79B0] =	vst v1  }
0x80: {  	[tilespmem:$0x79C0] =	vst v1  }
0x81: {  	[tilespmem:$0x79D0] =	vst v1  }
0x82: {  	[tilespmem:$0x79E0] =	vst v1  }
0x83: {  	[tilespmem:$0x79F0] =	vst v1  }
0x84: {  	[tilespmem:$0x7A00] =	vst v1  }
0x85: {  	[tilespmem:$0x7A10] =	vst v1  }
0x86: {  	[tilespmem:$0x7A20] =	vst v1  }
0x87: {  	[tilespmem:$0x7A30] =	vst v1  }
0x88: {  	[tilespmem:$0x7A40] =	vst v1  }
0x89: {  	[tilespmem:$0x7A50] =	vst v1  }
0x8a: {  	[tilespmem:$0x7A60] =	vst v1  }
0x8b: {  	[tilespmem:$0x7A70] =	vst v1  }
0x8c: {  	[tilespmem:$0x7A80] =	vst v1  }
0x8d: {  	[tilespmem:$0x7A90] =	vst v1  }
0x8e: {  	[tilespmem:$0x7AA0] =	vst v1  }
0x8f: {  	[tilespmem:$0x7AB0] =	vst v1  }
0x90: {  	[tilespmem:$0x7AC0] =	vst v1  }
0x91: {  	[tilespmem:$0x7AD0] =	vst v1  }
0x92: {  	[tilespmem:$0x7AE0] =	vst v1  }
0x93: {  	[tilespmem:$0x7AF0] =	vst v1  }
0x94: {  	[tilespmem:$0x7B00] =	vst v1  }
0x95: {  	[tilespmem:$0x7B10] =	vst v1  }
0x96: {  	[spmem:s8] =	stream.linear.scatter [tilespmem:s18], [sflag:$0x5], $0x2800, $0x38;
	[tilespmem:$0x19320] =	vst v63  }
0x97: {  	_ =	swait.ge [sflag:s16], $0x2800  }
0x98: {  	[sflag:s16] =	ssyncset.done $0x0  }
0x99: {  	[sflag:s16] =	ssyncadd.s32 $0xFFFFD800  }
0x9a: {  	[spmem:s9] =	stream.linear.scatter [tilespmem:s18], [sflag:$0x5], $0x2800, $0x38;
	[tilespmem:$0x19320] =	vst v63  }
0x9b: {  	_ =	swait.ge [sflag:s16], $0x2800  }
0x9c: {  	[sflag:s16] =	ssyncset.done $0x0  }
0x9d: {  	[sflag:s16] =	ssyncadd.s32 $0xFFFFD800  }
0x9e: {  	[spmem:s10] =	stream.linear.scatter [tilespmem:s18], [sflag:$0x5], $0x2800, $0x38;
	[tilespmem:$0x19320] =	vst v63  }
0x9f: {  	_ =	swait.ge [sflag:s16], $0x2800  }
0xa0: {  	[sflag:s16] =	ssyncset.done $0x0  }
0xa1: {  	[sflag:s16] =	ssyncadd.s32 $0xFFFFD800  }
0xa2: {  	[spmem:s11] =	stream.linear.scatter [tilespmem:s18], [sflag:$0x5], $0x2800, $0x38;
	[tilespmem:$0x19320] =	vst v63  }
0xa3: {  	_ =	swait.ge [sflag:s16], $0x2800  }
0xa4: {  	[sflag:s16] =	ssyncset.done $0x0  }
0xa5: {  	s30 =	simm.s32 $0xA320;
	[sflag:s16] =	ssyncadd.s32 $0xFFFFD800  }
0xa6: {  	[spmem:s12] =	stream.linear.scatter [tilespmem:s30], [sflag:$0x5], $0x2800, $0x38;
	[tilespmem:$0x19320] =	vst v63  }
0xa7: {  	_ =	swait.ge [sflag:s16], $0x2800  }
0xa8: {  	[sflag:s16] =	ssyncset.done $0x0  }
0xa9: {  	[sflag:s16] =	ssyncadd.s32 $0xFFFFD800  }
0xaa: {  	s19 =	simm.s32 $0x0;
	[bflag:$0x0] =	sbarrier.arrive $0xFFFF  }
0xab: {  	[tilespmem:s21], [sflag:$0x1] =	stream.indirect.gather [hbm4b:s5+s20], $0x40, s19, s20, $0xb8;
	[tilespmem:$0x19320] =	vst v63  }
0xac: {  	_ = 	snop  }
0xad: {  	[tilespmem:s22], [sflag:$0x2] =	stream.indirect.gather [hbm4b:s5+s20], $0x40, s20, s20, $0xb8;
	[tilespmem:$0x19320] =	vst v63  }
0xae: {  	_ =	swait.ge [sflag:s23], $0x1400  }
0xaf: {  	[sflag:s23] =	ssyncset.done $0x0  }
0xb0: {  	s30 =	simm.s32 $0x2710;
	[sflag:s23] =	ssyncadd.s32 $0xFFFFEC00  }
0xb1: {  	[spmem:s2] =	stream.indirect.scatter.add.f32 [tilespmem:s21], [sflag:$0x3], $0x40, s30, s20, $0xb8;
	[tilespmem:$0x19320] =	vst v63  }
0xb2: {  	_ = 	snop  }
0xb3: {  	[spmem:s3] =	stream.indirect.scatter.add.f32 [tilespmem:s24], [sflag:$0x3], $0x10, s30, s20, $0xb8;
	[tilespmem:$0x19320] =	vst v63  }
0xb4: {  	_ =	swait.ge [sflag:s25], $0x1400  }
0xb5: {  	[sflag:s25] =	ssyncset.done $0x0  }
0xb6: {  	s19 =	simm.s32 $0x2760;
	[sflag:s25] =	ssyncadd.s32 $0xFFFFEC00  }
0xb7: {  	[spmem:s2] =	stream.indirect.scatter.add.f32 [tilespmem:s22], [sflag:$0x4], $0x40, s19, s20, $0xb8;
	[tilespmem:$0x19320] =	vst v63  }
0xb8: {  	_ = 	snop  }
0xb9: {  	[spmem:s3] =	stream.indirect.scatter.add.f32 [tilespmem:s24], [sflag:$0x4], $0x10, s19, s20, $0xb8;
	[tilespmem:$0x19320] =	vst v63  }
0xba: {  	_ =	swait.ge [sflag:s26], $0x1400  }
0xbb: {  	[sflag:s26] =	ssyncset.done $0x0  }
0xbc: {  	[sflag:s26] =	ssyncadd.s32 $0xFFFFEC00  }
0xbd: {  	_ =	swait.ge [sflag:s26], $0x500  }
0xbe: {  	[sflag:s26] =	ssyncset.done $0x0  }
0xbf: {  	s30 =	simm.s32 $0xA0;
	[sflag:s26] =	ssyncadd.s32 $0xFFFFFB00  }
0xc0: {  	[tilespmem:s21], [sflag:$0x1] =	stream.indirect.gather [hbm4b:s5+s20], $0x40, s30, s20, $0xb8;
	[tilespmem:$0x19320] =	vst v63  }
0xc1: {  	_ =	swait.ge [sflag:s28], $0x1400  }
0xc2: {  	[sflag:s28] =	ssyncset.done $0x0  }
0xc3: {  	[sflag:s28] =	ssyncadd.s32 $0xFFFFEC00  }
0xc4: {  	_ =	swait.ge [sflag:s28], $0x500  }
0xc5: {  	[sflag:s28] =	ssyncset.done $0x0  }
0xc6: {  	s0 =	simm.s32 $0xF0;
	s19 =	simm.s32 $0x280;
	[sflag:s28] =	ssyncadd.s32 $0xFFFFFB00  }
.LBB2_6:
0xc7: {  	[tilespmem:s22], [sflag:$0x2] =	stream.indirect.gather [hbm4b:s5+s20], $0x40, s0, s20, $0xb8;
	[tilespmem:$0x19320] =	vst v63  }
0xc8: {  	s0 =	smov.u32 s19  }
0xc9: {  	p0 =	sne.s32 s19, $0x9600;
	s19 =	sadd.s32 $0x280, s19;
	_ =	swait.ge [sflag:s23], $0x1400  }
0xca: {  	s0 =	sshra.s32 s0, $0x2;
	[sflag:s23] =	ssyncset.done $0x0  }
0xcb: {  	s30 =	sadd.s32 $0x2710, s0;
	[sflag:s23] =	ssyncadd.s32 $0xFFFFEC00  }
0xcc: {  	[spmem:s2] =	stream.indirect.scatter.add.f32 [tilespmem:s21], [sflag:$0x3], $0x40, s30, s20, $0xb8;
	[tilespmem:$0x19320] =	vst v63  }
0xcd: {  	_ = 	snop  }
0xce: {  	[spmem:s3] =	stream.indirect.scatter.add.f32 [tilespmem:s24], [sflag:$0x3], $0x10, s30, s20, $0xb8;
	[tilespmem:$0x19320] =	vst v63  }
0xcf: {  	_ =	swait.ge [sflag:s25], $0x1400  }
0xd0: {  	[sflag:s25] =	ssyncset.done $0x0  }
0xd1: {  	s30 =	sadd.s32 $0x2760, s0;
	[sflag:s25] =	ssyncadd.s32 $0xFFFFEC00  }
0xd2: {  	[spmem:s2] =	stream.indirect.scatter.add.f32 [tilespmem:s22], [sflag:$0x4], $0x40, s30, s20, $0xb8;
	[tilespmem:$0x19320] =	vst v63  }
0xd3: {  	_ = 	snop  }
0xd4: {  	[spmem:s3] =	stream.indirect.scatter.add.f32 [tilespmem:s24], [sflag:$0x4], $0x10, s30, s20, $0xb8;
	[tilespmem:$0x19320] =	vst v63  }
0xd5: {  	_ =	swait.ge [sflag:s26], $0x1400  }
0xd6: {  	[sflag:s26] =	ssyncset.done $0x0  }
0xd7: {  	[sflag:s26] =	ssyncadd.s32 $0xFFFFEC00  }
0xd8: {  	_ =	swait.ge [sflag:s26], $0x500  }
0xd9: {  	[sflag:s26] =	ssyncset.done $0x0  }
0xda: {  	s30 =	sadd.s32 $0xA0, s0;
	[sflag:s26] =	ssyncadd.s32 $0xFFFFFB00  }
0xdb: {  	[tilespmem:s21], [sflag:$0x1] =	stream.indirect.gather [hbm4b:s5+s20], $0x40, s30, s20, $0xb8;
	[tilespmem:$0x19320] =	vst v63  }
0xdc: {  	_ =	swait.ge [sflag:s28], $0x1400  }
.Ltmp2:
0xdd: {  	[sflag:s28] =	ssyncset.done $0x0;
	(pc) =	sbr.rel @p0 .LBB2_6-.Ltmp2, $4  }
0xde: {  	[sflag:s28] =	ssyncadd.s32 $0xFFFFEC00  }
0xdf: {  	_ =	swait.ge [sflag:s28], $0x500  }
0xe0: {  	[sflag:s28] =	ssyncset.done $0x0  }
0xe1: {  	s0 =	sadd.s32 $0xF0, s0;
	[sflag:s28] =	ssyncadd.s32 $0xFFFFFB00  }
0xe2: {  	[tilespmem:s22], [sflag:$0x2] =	stream.indirect.gather [hbm4b:s5+s20], $0x40, s0, s20, $0xb8;
	[tilespmem:$0x19320] =	vst v63  }
0xe3: {  	_ =	swait.ge [sflag:s23], $0x1400  }
0xe4: {  	[sflag:s23] =	ssyncset.done $0x0  }
0xe5: {  	[sflag:s23] =	ssyncadd.s32 $0xFFFFEC00  }
0xe6: {  	[spmem:s2] =	stream.indirect.scatter.add.f32 [tilespmem:s21], [sflag:$0x3], $0x40, s29, s20, $0xb8;
	[tilespmem:$0x19320] =	vst v63  }
0xe7: {  	_ = 	snop  }
0xe8: {  	[spmem:s3] =	stream.indirect.scatter.add.f32 [tilespmem:s24], [sflag:$0x3], $0x10, s29, s20, $0xb8;
	[tilespmem:$0x19320] =	vst v63  }
0xe9: {  	_ =	swait.ge [sflag:s26], $0x1400  }
0xea: {  	[sflag:s26] =	ssyncset.done $0x0  }
0xeb: {  	[sflag:s26] =	ssyncadd.s32 $0xFFFFEC00  }
0xec: {  	_ =	swait.ge [sflag:s26], $0x500  }
0xed: {  	[sflag:s26] =	ssyncset.done $0x0  }
0xee: {  	s30 =	simm.s32 $0x26C0;
	[sflag:s26] =	ssyncadd.s32 $0xFFFFFB00  }
0xef: {  	[tilespmem:s21], [sflag:$0x1] =	stream.indirect.gather [hbm4b:s5+s20], $0x40, s30, s20, $0xb8;
	[tilespmem:$0x19320] =	vst v63  }
0xf0: {  	_ =	swait.ge [sflag:s25], $0x1400  }
0xf1: {  	[sflag:s25] =	ssyncset.done $0x0  }
0xf2: {  	[sflag:s25] =	ssyncadd.s32 $0xFFFFEC00  }
0xf3: {  	[spmem:s2] =	stream.indirect.scatter.add.f32 [tilespmem:s22], [sflag:$0x4], $0x40, s31, s20, $0xb8;
	[tilespmem:$0x19320] =	vst v63  }
0xf4: {  	_ = 	snop  }
0xf5: {  	[spmem:s3] =	stream.indirect.scatter.add.f32 [tilespmem:s24], [sflag:$0x4], $0x10, s31, s20, $0xb8;
	[tilespmem:$0x19320] =	vst v63  }
0xf6: {  	_ =	swait.ge [sflag:s23], $0x1400  }
0xf7: {  	[sflag:s23] =	ssyncset.done $0x0  }
0xf8: {  	[sflag:s23] =	ssyncadd.s32 $0xFFFFEC00  }
0xf9: {  	[spmem:s2] =	stream.indirect.scatter.add.f32 [tilespmem:s21], [sflag:$0x3], $0x40, s1, s20, $0xb8;
	[tilespmem:$0x19320] =	vst v63  }
0xfa: {  	_ = 	snop  }
0xfb: {  	[spmem:s3] =	stream.indirect.scatter.add.f32 [tilespmem:s24], [sflag:$0x3], $0x10, s1, s20, $0xb8;
	[tilespmem:$0x19320] =	vst v63  }
0xfc: {  	_ =	swait.ge [sflag:s26], $0x1400  }
0xfd: {  	[sflag:s26] =	ssyncset.done $0x0  }
0xfe: {  	[sflag:s26] =	ssyncadd.s32 $0xFFFFEC00  }
0xff: {  	_ =	swait.ge [sflag:s26], $0x500  }
0x100: {  	[sflag:s26] =	ssyncset.done $0x0  }
0x101: {  	[sflag:s26] =	ssyncadd.s32 $0xFFFFFB00  }
0x102: {  	_ =	swait.ge [sflag:s28], $0x1400  }
0x103: {  	[sflag:s28] =	ssyncset.done $0x0  }
0x104: {  	[sflag:s28] =	ssyncadd.s32 $0xFFFFEC00  }
0x105: {  	_ =	swait.ge [sflag:s28], $0x500  }
0x106: {  	s19 =	stileid.u32;
	[sflag:s28] =	ssyncset.done $0x0  }
0x107: {  	s0 =	sshll.u32 s19, $0x6;
	[sflag:s28] =	ssyncadd.s32 $0xFFFFFB00  }
0x108: {  	s19 =	sshrl.u32 s8, $0x3;
	s0 =	sor.u32 $0x1C05, s0;
	[bflag:$0x0] =	sbarrier.arrive $0xFFFF  }
0x109: {  	[hbm:s13], [sflag:s0] =	dma.local [spmem:s19], $0x1400  }
0x10a: {  	s17 =	sadd.s32 $0x1, s17;
	_ =	swait.ge [sflag:s16], $0x1400  }
0x10b: {  	p0 =	sne.s32 s17, s15;
	[sflag:s16] =	ssyncset.done $0x0  }
.Ltmp3:
0x10c: {  	s30 =	sshrl.u32 s12, $0x3;
	[sflag:s16] =	ssyncadd.s32 $0xFFFFEC00;
	(pc) =	sbr.rel @p0 .LBB2_1-.Ltmp3, $4  }
0x10d: {  	[hbm:s14], [sflag:s0] =	dma.local [spmem:s30], $0x500  }
0x10e: {  	_ =	swait.ge [sflag:s16], $0x500  }
0x10f: {  	[sflag:s16] =	ssyncset.done $0x0  }
0x110: {  	[sflag:s16] =	ssyncadd.s32 $0xFFFFFB00  }
0x111: {  	_ =	sfence.sel $0x180000  }
0x112: {  	[bflag:$0x0] =	sbarrier.arrive $0xFFFF  }
0x113: {  	_ =	strace $0x90000047  }
0x114: {  	s0 =	stileid.u32;
	[bflag:$0x2] =	sbarrier.arrive $0xFFFF  }
0x115: {  	p0 =	sne.s32 s0, $0x0;
	s0 =	rddreg [dreg:$0x3]  }
0x116: {  	s0 =	sadd.s32 @!p0 $0x100000, s0  }
0x117: {  	[sflag:s0] =	ssyncadd.tile.s32 @!p0 $0x1;
	_ =	shalt  }
.Lfunc_end2:
_tile_overlayer_lowered:
.L_overlay_start_2:
0x118: {  	(tag) =	ssettag $0x2  }
0x119: {  	s0 =	rddreg [dreg:$0x0];
	s2 =	stileid.u32  }
0x11a: {  	s1 =	rddreg [dreg:$0x1];
	p0 =	sne.s32 s2, $0x0  }
0x11b: {  	s3 =	rddreg [dreg:$0x2];
	[bflag:$0x3] =	sbarrier.arrive $0xFFFF;
	s2 =	simm.s32 @!p0 $0x1C05  }
0x11c: {  	[timem:s3], [sflag:s2] =	dma.local @!p0 [hbm:s0], s1  }
0x11d: {  	s0 =	simm.s32 @!p0 $0x5  }
0x11e: {  	_ =	swait.ge @!p0 [sflag:s0], s1  }
0x11f: {  	s1 =	ssub.s32 @!p0 $0x0, s1;
	[sflag:s0] =	ssyncset.done @!p0 $0x0  }
0x120: {  	[sflag:s0] =	ssyncadd.s32 @!p0 s1  }
0x121: {  	[bflag:$0x3] =	sbarrier.arrive $0xFFFF  }
0x122: {  	_ =	shalt  }

</sc_bundles>
